<compile_context>
chip_gen: v7x
topology: tpu7x:2x2x1
jax: 0.10.2.dev20260603
libtpu: 0.0.44.dev20260713+nightly
codegen_flags: <defaults>
</compile_context>

<pallas_src>
import functools
import math

import numpy as np
import jax
from jax import lax
import jax.numpy as jnp
from jax.experimental import pallas as pl
from jax.experimental.pallas import tpu as pltpu
from jax.experimental.pallas import tpu_sc as plsc

N_NODES = 10000
N_EDGES = 160000
X_DIM = 128
MUL_IN = 16
MUL_OUT = 64
P_ENV = 6
AVG_NEIGH = 16.0

_SH_SL = {0: (0, 1), 1: (1, 4), 2: (4, 9), 3: (9, 16)}
_V_SL = {0: (0, 1), 1: (1, 4), 2: (4, 9)}
_PATHS = {0: [(0, 0), (1, 1), (2, 2)],
          1: [(0, 1), (1, 0), (1, 2), (2, 1), (3, 2)],
          2: [(0, 2), (2, 0), (1, 1), (2, 2), (3, 1)]}


def _cg_complex(j1, j2, j3):
    f = math.factorial
    cg = np.zeros((2 * j1 + 1, 2 * j2 + 1, 2 * j3 + 1))
    for m1 in range(-j1, j1 + 1):
        for m2 in range(-j2, j2 + 1):
            m3 = m1 + m2
            if abs(m3) > j3:
                continue
            pref = (2 * j3 + 1) * f(j3 + j1 - j2) * f(j3 - j1 + j2) * f(j1 + j2 - j3) / f(j1 + j2 + j3 + 1)
            pref *= f(j3 + m3) * f(j3 - m3) * f(j1 - m1) * f(j1 + m1) * f(j2 - m2) * f(j2 + m2)
            pref = math.sqrt(pref)
            kmin = max(0, j2 - j3 - m1, j1 - j3 + m2)
            kmax = min(j1 + j2 - j3, j1 - m1, j2 + m2)
            s = 0.0
            for k in range(kmin, kmax + 1):
                s += (-1) ** k / (f(k) * f(j1 + j2 - j3 - k) * f(j1 - m1 - k) * f(j2 + m2 - k) * f(j3 - j2 + m1 + k) * f(j3 - j1 - m2 + k))
            cg[m1 + j1, m2 + j2, m3 + j3] = pref * s
    return cg


def _real_basis(l):
    A = np.zeros((2 * l + 1, 2 * l + 1), dtype=complex)
    A[l, l] = 1.0
    for m in range(1, l + 1):
        A[l + m, l + m] = (-1) ** m / math.sqrt(2)
        A[l + m, l - m] = 1.0 / math.sqrt(2)
        A[l - m, l - m] = 1j / math.sqrt(2)
        A[l - m, l + m] = -1j * (-1) ** m / math.sqrt(2)
    return A


def _cg_real(l1, l2, l3):
    c = _cg_complex(l1, l2, l3)
    w = np.einsum('ia,jb,kc,abc->ijk', _real_basis(l1), _real_basis(l2), _real_basis(l3).conj(), c)
    wr, wi = np.real(w), np.imag(w)
    return wr if np.linalg.norm(wr) >= np.linalg.norm(wi) else wi


_TERMS = []
_PAIRS = []
for _l3, _ps in _PATHS.items():
    for _p, (_l1, _l2) in enumerate(_ps):
        _cg = _cg_real(_l1, _l2, _l3)
        for _i, _j, _k in np.argwhere(np.abs(_cg) > 1e-12):
            _gi = _SH_SL[_l1][0] + int(_i)
            _gj = _V_SL[_l2][0] + int(_j)
            _TERMS.append((_l3, _p, int(_k), _gi, _gj, float(_cg[_i, _j, _k])))
            if (_gi, _gj) not in _PAIRS:
                _PAIRS.append((_gi, _gj))

_BE = 640


def _kernel_a(vec_ref, x_ref, wembt_ref, wy_ref):
    wt = jnp.dot(wembt_ref[...], x_ref[...].T,
                 preferred_element_type=jnp.float32)
    vt = vec_ref[...].T
    vx, vy, vz = vt[0:1, :], vt[1:2, :], vt[2:3, :]
    r = jnp.sqrt(vx * vx + vy * vy + vz * vz)
    inv = 1.0 / (r + 1e-9)
    nx, ny, nz = vx * inv, vy * inv, vz * inv
    s3, s5, s15 = math.sqrt(3.0), math.sqrt(5.0), math.sqrt(15.0)
    one = jnp.ones_like(nx)
    ys = [one,
          s3 * ny, s3 * nz, s3 * nx,
          s15 * nx * ny, s15 * ny * nz, 0.5 * s5 * (3 * nz * nz - 1.0),
          s15 * nx * nz, 0.5 * s15 * (nx * nx - ny * ny),
          0.25 * math.sqrt(70.0) * ny * (3 * nx * nx - ny * ny),
          math.sqrt(105.0) * nx * ny * nz,
          0.25 * math.sqrt(42.0) * ny * (5 * nz * nz - 1.0),
          0.5 * math.sqrt(7.0) * nz * (5 * nz * nz - 3.0),
          0.25 * math.sqrt(42.0) * nx * (5 * nz * nz - 1.0),
          0.5 * math.sqrt(105.0) * nz * (nx * nx - ny * ny),
          0.25 * math.sqrt(70.0) * nx * (nx * nx - 3 * ny * ny)]
    wy_ref[...] = jnp.concatenate([wt * yi for yi in ys], axis=0).T


def _silu(h):
    return h / (1.0 + jnp.exp(-h))


_GBLK = 128
_NBLK = N_EDGES // _GBLK
_HALF = N_NODES // 2
_HROWS = 5120
_STRIPE = _HROWS // 16
_TROWS = 2 * _HROWS


def _sc_gather_body(table_hbm, idx_hbm, out_hbm, idx_v, rows_v, sem):
    wid = lax.axis_index("s") * 2 + lax.axis_index("c")
    nblk = jnp.where(wid < _NBLK - 39 * 32, 40, 39)

    def body(t, carry):
        off = (wid + 32 * t) * _GBLK
        pltpu.sync_copy(idx_hbm.at[pl.ds(off, _GBLK)], idx_v)
        pltpu.async_copy(table_hbm.at[idx_v], rows_v, sem).wait()
        pltpu.sync_copy(rows_v, out_hbm.at[pl.ds(off, _GBLK)])
        return carry

    lax.fori_loop(0, nblk, body, 0)


def _make_sc_gather():
    mesh = plsc.VectorSubcoreMesh(core_axis_name="c", subcore_axis_name="s")
    return functools.partial(
        pl.kernel,
        mesh=mesh,
        out_type=jax.ShapeDtypeStruct((N_EDGES, 256), jnp.float32),
        scratch_types=[
            pltpu.VMEM((_GBLK,), jnp.int32),
            pltpu.VMEM((_GBLK, 256), jnp.float32),
            pltpu.SemaphoreType.DMA,
        ],
    )(_sc_gather_body)


def _kernel_d(x_ref, g_ref, v_ref, vec_ref, w1_ref, w2_ref, w3_ref,
              wl1t_ref, wl2t_ref, perm_ref, xout_ref, vout_ref):
    gt = g_ref[...].T
    vtt = jnp.dot(perm_ref[...], v_ref[...].T,
                  preferred_element_type=jnp.float32)
    prods = {}
    for (i, j) in _PAIRS:
        prods[(i, j)] = gt[16 * i:16 * i + 16, :] * vtt[16 * j:16 * j + 16, :]
    acc = {}
    for (l3, p, k, i, j, c) in _TERMS:
        key = (l3, p, k)
        t = c * prods[(i, j)]
        acc[key] = acc[key] + t if key in acc else t
    outs0t = jnp.concatenate([acc[(0, p, 0)] for p in range(3)], axis=0)
    x2 = jnp.concatenate([x_ref[...], outs0t.T], axis=1)
    h = _silu(jnp.dot(x2, w1_ref[...], preferred_element_type=jnp.float32))
    h = _silu(jnp.dot(h, w2_ref[...], preferred_element_type=jnp.float32))
    h = jnp.dot(h, w3_ref[...], preferred_element_type=jnp.float32)
    v = vec_ref[...]
    vx, vy, vz = v[:, 0:1], v[:, 1:2], v[:, 2:3]
    d = jnp.sqrt(vx * vx + vy * vy + vz * vz)
    d2 = d * d
    d6 = d2 * d2 * d2
    env = jnp.where(d < 1.0, 1.0 - 28.0 * d6 + 48.0 * d6 * d - 21.0 * d6 * d2, 0.0)
    xout_ref[...] = env * h
    o1t = jnp.concatenate([acc[(1, p, m)] for m in range(3) for p in range(5)], axis=0)
    o2t = jnp.concatenate([acc[(2, p, m)] for m in range(5) for p in range(5)], axis=0)
    v1t = jnp.dot(wl1t_ref[...], o1t, preferred_element_type=jnp.float32)
    v2t = jnp.dot(wl2t_ref[...], o2t, preferred_element_type=jnp.float32)
    zeros = jnp.zeros_like(v1t[0:64, :])
    vout_ref[...] = jnp.concatenate([zeros, v1t, v2t], axis=0).T


def _edge_spec(width):
    return pl.BlockSpec((_BE, width), lambda i: (i, 0))


def _full_spec(shape):
    return pl.BlockSpec(shape, lambda i: (0, 0))


def kernel(vectors, x, V, senders, w_emb, w_mlp1, w_mlp2, w_mlp3, w_lin1, w_lin2):
    E = N_EDGES
    grid = (E // _BE,)
    wemb_s = w_emb * (1.0 / (math.sqrt(X_DIM) * math.sqrt(AVG_NEIGH)))

    wy = pl.pallas_call(
        _kernel_a,
        grid=grid,
        in_specs=[_edge_spec(3), _edge_spec(X_DIM), _full_spec((MUL_IN, X_DIM))],
        out_specs=_edge_spec(256),
        out_shape=jax.ShapeDtypeStruct((E, 256), jnp.float32),
    )(vectors, x, wemb_s.T)

    agg = jax.ops.segment_sum(wy, senders, num_segments=N_NODES)
    g = _make_sc_gather()(agg, senders)

    w1r = jnp.concatenate(
        [w_mlp1[:X_DIM],
         w_mlp1[X_DIM:].reshape(MUL_IN, 3, 64).transpose(1, 0, 2).reshape(48, 64)],
        axis=0) * (1.0 / math.sqrt(X_DIM + 48))
    w2s = w_mlp2 * (1.0 / math.sqrt(64.0))
    w3s = w_mlp3 * (1.0 / math.sqrt(64.0))

    scale = 1.0 / math.sqrt(MUL_IN * 5)
    wl1_r = w_lin1.reshape(MUL_IN, 5, MUL_OUT).transpose(1, 0, 2).reshape(80, MUL_OUT) * scale
    wl2_r = w_lin2.reshape(MUL_IN, 5, MUL_OUT).transpose(1, 0, 2).reshape(80, MUL_OUT) * scale
    eye3 = jnp.eye(3, dtype=jnp.float32)
    eye5 = jnp.eye(5, dtype=jnp.float32)
    WL1T = (wl1_r[None, :, :, None] * eye3[:, None, None, :]).reshape(240, 192).T
    WL2T = (wl2_r[None, :, :, None] * eye5[:, None, None, :]).reshape(400, 320).T
    perm_np = np.zeros((144, 144), dtype=np.float32)
    for _u in range(MUL_IN):
        for _j in range(9):
            perm_np[_j * MUL_IN + _u, _u * 9 + _j] = 1.0
    perm = jnp.asarray(perm_np)

    x_out, v_out = pl.pallas_call(
        _kernel_d,
        grid=grid,
        in_specs=[_edge_spec(X_DIM), _edge_spec(256), _edge_spec(144), _edge_spec(3),
                  _full_spec((176, 64)), _full_spec((64, 64)), _full_spec((64, 64)),
                  _full_spec((192, 240)), _full_spec((320, 400)), _full_spec((144, 144))],
        out_specs=[_edge_spec(64), _edge_spec(64 + 192 + 320)],
        out_shape=[jax.ShapeDtypeStruct((E, 64), jnp.float32),
                   jax.ShapeDtypeStruct((E, 576), jnp.float32)],
    )(x, g, V, vectors, w1r, w2s, w3s, WL1T, WL2T, perm)
    return x_out, v_out

# --- scband reference (transcript-rebuilt; emitter-appended) ---
"""Pipeline reference for scband-allegro-layer-66494683677079 (READ-ONLY COPY).

The authoritative reference and input builder live on the scoring server;
editing this copy changes nothing except your own understanding.
"""

import jax, jax.numpy as jnp
import numpy as np
import math

N_NODES = 10000
N_EDGES = 160000
X_DIM = 128
MUL_IN = 16
MUL_OUT = 64
P_ENV = 6
AVG_NEIGH = 16.0

SH_SL = {0: (0, 1), 1: (1, 4), 2: (4, 9), 3: (9, 16)}
V_SL = {0: (0, 1), 1: (1, 4), 2: (4, 9)}
PATHS = {0: [(0, 0), (1, 1), (2, 2)],
         1: [(0, 1), (1, 0), (1, 2), (2, 1), (3, 2)],
         2: [(0, 2), (2, 0), (1, 1), (2, 2), (3, 1)]}


def _cg_complex(j1, j2, j3):
    f = math.factorial
    cg = np.zeros((2 * j1 + 1, 2 * j2 + 1, 2 * j3 + 1))
    for m1 in range(-j1, j1 + 1):
        for m2 in range(-j2, j2 + 1):
            m3 = m1 + m2
            if abs(m3) > j3:
                continue
            pref = (2 * j3 + 1) * f(j3 + j1 - j2) * f(j3 - j1 + j2) * f(j1 + j2 - j3) / f(j1 + j2 + j3 + 1)
            pref *= f(j3 + m3) * f(j3 - m3) * f(j1 - m1) * f(j1 + m1) * f(j2 - m2) * f(j2 + m2)
            pref = math.sqrt(pref)
            kmin = max(0, j2 - j3 - m1, j1 - j3 + m2)
            kmax = min(j1 + j2 - j3, j1 - m1, j2 + m2)
            s = 0.0
            for k in range(kmin, kmax + 1):
                s += (-1) ** k / (f(k) * f(j1 + j2 - j3 - k) * f(j1 - m1 - k) * f(j2 + m2 - k) * f(j3 - j2 + m1 + k) * f(j3 - j1 - m2 + k))
            cg[m1 + j1, m2 + j2, m3 + j3] = pref * s
    return cg


def _real_basis(l):
    A = np.zeros((2 * l + 1, 2 * l + 1), dtype=complex)
    A[l, l] = 1.0
    for m in range(1, l + 1):
        A[l + m, l + m] = (-1) ** m / math.sqrt(2)
        A[l + m, l - m] = 1.0 / math.sqrt(2)
        A[l - m, l - m] = 1j / math.sqrt(2)
        A[l - m, l + m] = -1j * (-1) ** m / math.sqrt(2)
    return A


def _cg_real(l1, l2, l3):
    c = _cg_complex(l1, l2, l3)
    w = np.einsum('ia,jb,kc,abc->ijk', _real_basis(l1), _real_basis(l2), _real_basis(l3).conj(), c)
    wr, wi = np.real(w), np.imag(w)
    w = wr if np.linalg.norm(wr) >= np.linalg.norm(wi) else wi
    return jnp.asarray(w, dtype=jnp.float32)


CG = {(l1, l2, l3): _cg_real(l1, l2, l3) for l3, ps in PATHS.items() for (l1, l2) in ps}


def _sph(v):
    r = jnp.linalg.norm(v, axis=1, keepdims=True)
    n = v / (r + 1e-9)
    x, y, z = n[:, 0], n[:, 1], n[:, 2]
    s3, s5, s15 = math.sqrt(3.0), math.sqrt(5.0), math.sqrt(15.0)
    sh = [jnp.ones_like(x),
          s3 * y, s3 * z, s3 * x,
          s15 * x * y, s15 * y * z, 0.5 * s5 * (3 * z * z - 1.0), s15 * x * z, 0.5 * s15 * (x * x - y * y),
          0.25 * math.sqrt(70.0) * y * (3 * x * x - y * y),
          math.sqrt(105.0) * x * y * z,
          0.25 * math.sqrt(42.0) * y * (5 * z * z - 1.0),
          0.5 * math.sqrt(7.0) * z * (5 * z * z - 3.0),
          0.25 * math.sqrt(42.0) * x * (5 * z * z - 1.0),
          0.5 * math.sqrt(105.0) * z * (x * x - y * y),
          0.25 * math.sqrt(70.0) * x * (x * x - 3 * y * y)]
    return jnp.stack(sh, axis=1)


def _envelope(d, p):
    a = -(p + 1) * (p + 2) / 2.0
    b = float(p * (p + 2))
    c = -p * (p + 1) / 2.0
    val = 1.0 + a * d ** p + b * d ** (p + 1) + c * d ** (p + 2)
    return jnp.where(d < 1.0, val, 0.0)


def _forward(vectors, x, V, senders, w_emb, w_mlp1, w_mlp2, w_mlp3, w_lin1, w_lin2):
    E = vectors.shape[0]
    w = x @ (w_emb / math.sqrt(x.shape[1]))
    Y = _sph(vectors)
    wY = w[:, :, None] * Y[:, None, :]
    agg = jax.ops.segment_sum(wY, senders, num_segments=N_NODES)
    wY = agg[senders] / jnp.sqrt(AVG_NEIGH)
    Vm = V.reshape(E, MUL_IN, 9)
    outs = {}
    for l3, paths in PATHS.items():
        ch = []
        for (l1, l2) in paths:
            a0, a1 = SH_SL[l1]
            b0, b1 = V_SL[l2]
            ch.append(jnp.einsum('eui,euj,ijk->euk', wY[:, :, a0:a1], Vm[:, :, b0:b1], CG[(l1, l2, l3)]))
        outs[l3] = jnp.stack(ch, axis=2)
    x2 = jnp.concatenate([x, outs[0].reshape(E, -1)], axis=1)
    h = jax.nn.silu(x2 @ (w_mlp1 / math.sqrt(x2.shape[1])))
    h = jax.nn.silu(h @ (w_mlp2 / math.sqrt(h.shape[1])))
    h = h @ (w_mlp3 / math.sqrt(h.shape[1]))
    lengths = jnp.linalg.norm(vectors, axis=1, keepdims=True)
    x_out = _envelope(lengths, P_ENV) * h
    v1 = outs[1].reshape(E, MUL_IN * 5, 3)
    v2 = outs[2].reshape(E, MUL_IN * 5, 5)
    V1 = jnp.einsum('eim,io->eom', v1, w_lin1 / math.sqrt(MUL_IN * 5))
    V2 = jnp.einsum('eim,io->eom', v2, w_lin2 / math.sqrt(MUL_IN * 5))
    V0 = jnp.zeros((E, MUL_OUT), dtype=x_out.dtype)
    V_out = jnp.concatenate([V0, V1.reshape(E, MUL_OUT * 3), V2.reshape(E, MUL_OUT * 5)], axis=1)
    return x_out, V_out


def setup_inputs(seed: int = 0):
    key = jax.random.key(seed)
    ks = jax.random.split(key, 10)
    E = N_EDGES
    return {
        'vectors': jax.random.normal(ks[0], (E, 3), dtype=jnp.float32),
        'x': jax.random.normal(ks[1], (E, X_DIM), dtype=jnp.float32),
        'V': jax.random.normal(ks[2], (E, MUL_IN * 9), dtype=jnp.float32),
        'senders': jax.random.randint(ks[3], (E,), 0, N_NODES),
        'w_emb': jax.random.normal(ks[4], (X_DIM, MUL_IN), dtype=jnp.float32),
        'w_mlp1': jax.random.normal(ks[5], (X_DIM + MUL_IN * 3, 64), dtype=jnp.float32),
        'w_mlp2': jax.random.normal(ks[6], (64, 64), dtype=jnp.float32),
        'w_mlp3': jax.random.normal(ks[7], (64, 64), dtype=jnp.float32),
        'w_lin1': jax.random.normal(ks[8], (MUL_IN * 5, MUL_OUT), dtype=jnp.float32),
        'w_lin2': jax.random.normal(ks[9], (MUL_IN * 5, MUL_OUT), dtype=jnp.float32),
    }


def reference(vectors, x, V, senders, w_emb, w_mlp1, w_mlp2, w_mlp3, w_lin1, w_lin2):
    return _forward(vectors, x, V, senders, w_emb, w_mlp1, w_mlp2, w_mlp3, w_lin1, w_lin2)

if __name__ == "__main__":
    import jax
    _d = setup_inputs()
    print(jax.jit(kernel)(*tuple(_d.values())))

</pallas_src>

<mosaic_0001>
#map = affine_map<(d0, d1) -> (0, 0)>
#map1 = affine_map<(d0, d1) -> (0)>
module attributes {stable_mosaic.version = 14 : i64} {
  func.func @_sc_gather_body(%arg0: i32, %arg1: i32, %arg2: memref<10000x256xf32, #tpu.memory_space<hbm>>, %arg3: memref<160000xi32, #tpu.memory_space<hbm>>, %arg4: memref<160000x256xf32, #tpu.memory_space<hbm>>, %arg5: memref<128xi32, #tpu.memory_space<vmem>>, %arg6: memref<128x256xf32, #tpu.memory_space<vmem>>, %arg7: memref<!tpu.dma_semaphore, #tpu.memory_space<semaphore_mem>>) attributes {dimension_semantics = [#tpu.dimension_semantics<core_parallel>, #tpu.dimension_semantics<subcore_parallel>], iteration_bounds = array<i64: 2, 16>, scalar_prefetch = 0 : i64, scratch_operands = 3 : i64, tpu.core_type = #tpu.core_type<sc_vector_subcore>, window_params = [{transform_indices = #map}, {transform_indices = #map1}, {transform_indices = #map}]} {
    %mul3A = arith.constant 2 : i32
    %mul3A_0 = arith.muli %arg1, %mul3A : i32
    %add3A = arith.addi %mul3A_0, %arg0 : i32
    %lt3A = arith.constant 2 : i32
    %lt3A_1 = arith.cmpi slt, %add3A, %lt3A : i32
    %jit3A = arith.constant 40 : i32
    %jit3A_2 = arith.constant 39 : i32
    %select_n3A = arith.select %lt3A_1, %jit3A, %jit3A_2 : i32
    %while3A = arith.constant 0 : i32
    %while3A_3 = arith.constant 0 : i32
    %while3A_4 = arith.subi %select_n3A, %while3A_3 : i32
    %while3A_5 = arith.addi %while3A_3, %while3A_4 : i32
    %while3A_6 = arith.constant 1 : i32
    %while3A_7 = arith.divsi %while3A_4, %while3A_6 : i32
    %while3A_8 = arith.muli %while3A_7, %while3A_6 : i32
    %while3A_9 = arith.addi %while3A_3, %while3A_8 : i32
    %while3A_10 = arith.constant 1 : i32
    scf.for %while3A_12 = %while3A_3 to %while3A_9 step %while3A_10  : i32 {
      %mul3A_13 = arith.constant 32 : i32
      %mul3A_14 = arith.muli %mul3A_13, %while3A_12 : i32
      %add3A_15 = arith.addi %add3A, %mul3A_14 : i32
      %mul3A_16 = arith.constant 128 : i32
      %mul3A_17 = arith.muli %add3A_15, %mul3A_16 : i32
      "tpu.region"() ({
        %run_scoped3A = tpu.sem_alloc : memref<!tpu.dma_semaphore, #tpu.memory_space<semaphore_mem>>
        %dma_start3A_22 = tpu.memref_slice %arg3[%mul3A_17] : memref<160000xi32, #tpu.memory_space<hbm>> -> memref<128xi32, #tpu.memory_space<hbm>>
        %dma_start3A_23 = tpu.memref_slice %arg3[%mul3A_17] : memref<160000xi32, #tpu.memory_space<hbm>> -> memref<128xi32, #tpu.memory_space<hbm>>
        tpu.enqueue_dma source(%dma_start3A_23 : memref<128xi32, #tpu.memory_space<hbm>>) target(%arg5 : memref<128xi32, #tpu.memory_space<vmem>>) target_semaphore(%run_scoped3A : memref<!tpu.dma_semaphore, #tpu.memory_space<semaphore_mem>>)
        %dma_wait3A_24 = tpu.memref_slice %arg3[%mul3A_17] : memref<160000xi32, #tpu.memory_space<hbm>> -> memref<128xi32, #tpu.memory_space<hbm>>
        %dma_wait3A_25 = tpu.memref_slice %arg3[%mul3A_17] : memref<160000xi32, #tpu.memory_space<hbm>> -> memref<128xi32, #tpu.memory_space<hbm>>
        tpu.wait_dma2 semaphore(%run_scoped3A : memref<!tpu.dma_semaphore, #tpu.memory_space<semaphore_mem>>) src(%dma_wait3A_25 : memref<128xi32, #tpu.memory_space<hbm>>) dst(%arg5 : memref<128xi32, #tpu.memory_space<vmem>>)
        tpu.yield
      }) : () -> ()
      %dma_start3A = arith.constant 0 : i32
      %dma_start3A_18 = arith.constant 0 : i32
      %dma_start3A_19 = tpu.memref_slice %arg2[%dma_start3A, %dma_start3A_18] : memref<10000x256xf32, #tpu.memory_space<hbm>> -> memref<10000x256xf32, #tpu.memory_space<hbm>>
      tpu.enqueue_indirect_dma source(%dma_start3A_19 : memref<10000x256xf32, #tpu.memory_space<hbm>>) target(%arg6 : memref<128x256xf32, #tpu.memory_space<vmem>>) offsets(%arg5 : memref<128xi32, #tpu.memory_space<vmem>>) semaphore(%arg7 : memref<!tpu.dma_semaphore, #tpu.memory_space<semaphore_mem>>)
      %dma_wait3A = arith.constant 0 : i32
      %dma_wait3A_20 = arith.constant 0 : i32
      %dma_wait3A_21 = tpu.memref_slice %arg2[%dma_wait3A, %dma_wait3A_20] : memref<10000x256xf32, #tpu.memory_space<hbm>> -> memref<10000x256xf32, #tpu.memory_space<hbm>>
      tpu.wait_indirect_dma semaphore(%arg7 : memref<!tpu.dma_semaphore, #tpu.memory_space<semaphore_mem>>) src(%dma_wait3A_21 : memref<10000x256xf32, #tpu.memory_space<hbm>>) dst(%arg6 : memref<128x256xf32, #tpu.memory_space<vmem>>)
      "tpu.region"() ({
        %run_scoped3A = tpu.sem_alloc : memref<!tpu.dma_semaphore, #tpu.memory_space<semaphore_mem>>
        %dma_start3A_22 = arith.constant 0 : i32
        %dma_start3A_23 = tpu.memref_slice %arg4[%mul3A_17, %dma_start3A_22] : memref<160000x256xf32, #tpu.memory_space<hbm>> -> memref<128x256xf32, #tpu.memory_space<hbm>>
        %dma_start3A_24 = arith.constant 0 : i32
        %dma_start3A_25 = tpu.memref_slice %arg4[%mul3A_17, %dma_start3A_24] : memref<160000x256xf32, #tpu.memory_space<hbm>> -> memref<128x256xf32, #tpu.memory_space<hbm>>
        tpu.enqueue_dma source(%arg6 : memref<128x256xf32, #tpu.memory_space<vmem>>) target(%dma_start3A_25 : memref<128x256xf32, #tpu.memory_space<hbm>>) target_semaphore(%run_scoped3A : memref<!tpu.dma_semaphore, #tpu.memory_space<semaphore_mem>>)
        %dma_wait3A_26 = arith.constant 0 : i32
        %dma_wait3A_27 = tpu.memref_slice %arg4[%mul3A_17, %dma_wait3A_26] : memref<160000x256xf32, #tpu.memory_space<hbm>> -> memref<128x256xf32, #tpu.memory_space<hbm>>
        %dma_wait3A_28 = arith.constant 0 : i32
        %dma_wait3A_29 = tpu.memref_slice %arg4[%mul3A_17, %dma_wait3A_28] : memref<160000x256xf32, #tpu.memory_space<hbm>> -> memref<128x256xf32, #tpu.memory_space<hbm>>
        tpu.wait_dma2 semaphore(%run_scoped3A : memref<!tpu.dma_semaphore, #tpu.memory_space<semaphore_mem>>) src(%arg6 : memref<128x256xf32, #tpu.memory_space<vmem>>) dst(%dma_wait3A_29 : memref<128x256xf32, #tpu.memory_space<hbm>>)
        tpu.yield
      }) : () -> ()
    }
    %while3A_11 = arith.constant 1 : i32
    scf.for %while3A_12 = %while3A_9 to %while3A_5 step %while3A_11  : i32 {
      %mul3A_13 = arith.constant 32 : i32
      %mul3A_14 = arith.muli %mul3A_13, %while3A_12 : i32
      %add3A_15 = arith.addi %add3A, %mul3A_14 : i32
      %mul3A_16 = arith.constant 128 : i32
      %mul3A_17 = arith.muli %add3A_15, %mul3A_16 : i32
      "tpu.region"() ({
        %run_scoped3A = tpu.sem_alloc : memref<!tpu.dma_semaphore, #tpu.memory_space<semaphore_mem>>
        %dma_start3A_22 = tpu.memref_slice %arg3[%mul3A_17] : memref<160000xi32, #tpu.memory_space<hbm>> -> memref<128xi32, #tpu.memory_space<hbm>>
        %dma_start3A_23 = tpu.memref_slice %arg3[%mul3A_17] : memref<160000xi32, #tpu.memory_space<hbm>> -> memref<128xi32, #tpu.memory_space<hbm>>
        tpu.enqueue_dma source(%dma_start3A_23 : memref<128xi32, #tpu.memory_space<hbm>>) target(%arg5 : memref<128xi32, #tpu.memory_space<vmem>>) target_semaphore(%run_scoped3A : memref<!tpu.dma_semaphore, #tpu.memory_space<semaphore_mem>>)
        %dma_wait3A_24 = tpu.memref_slice %arg3[%mul3A_17] : memref<160000xi32, #tpu.memory_space<hbm>> -> memref<128xi32, #tpu.memory_space<hbm>>
        %dma_wait3A_25 = tpu.memref_slice %arg3[%mul3A_17] : memref<160000xi32, #tpu.memory_space<hbm>> -> memref<128xi32, #tpu.memory_space<hbm>>
        tpu.wait_dma2 semaphore(%run_scoped3A : memref<!tpu.dma_semaphore, #tpu.memory_space<semaphore_mem>>) src(%dma_wait3A_25 : memref<128xi32, #tpu.memory_space<hbm>>) dst(%arg5 : memref<128xi32, #tpu.memory_space<vmem>>)
        tpu.yield
      }) : () -> ()
      %dma_start3A = arith.constant 0 : i32
      %dma_start3A_18 = arith.constant 0 : i32
      %dma_start3A_19 = tpu.memref_slice %arg2[%dma_start3A, %dma_start3A_18] : memref<10000x256xf32, #tpu.memory_space<hbm>> -> memref<10000x256xf32, #tpu.memory_space<hbm>>
      tpu.enqueue_indirect_dma source(%dma_start3A_19 : memref<10000x256xf32, #tpu.memory_space<hbm>>) target(%arg6 : memref<128x256xf32, #tpu.memory_space<vmem>>) offsets(%arg5 : memref<128xi32, #tpu.memory_space<vmem>>) semaphore(%arg7 : memref<!tpu.dma_semaphore, #tpu.memory_space<semaphore_mem>>)
      %dma_wait3A = arith.constant 0 : i32
      %dma_wait3A_20 = arith.constant 0 : i32
      %dma_wait3A_21 = tpu.memref_slice %arg2[%dma_wait3A, %dma_wait3A_20] : memref<10000x256xf32, #tpu.memory_space<hbm>> -> memref<10000x256xf32, #tpu.memory_space<hbm>>
      tpu.wait_indirect_dma semaphore(%arg7 : memref<!tpu.dma_semaphore, #tpu.memory_space<semaphore_mem>>) src(%dma_wait3A_21 : memref<10000x256xf32, #tpu.memory_space<hbm>>) dst(%arg6 : memref<128x256xf32, #tpu.memory_space<vmem>>)
      "tpu.region"() ({
        %run_scoped3A = tpu.sem_alloc : memref<!tpu.dma_semaphore, #tpu.memory_space<semaphore_mem>>
        %dma_start3A_22 = arith.constant 0 : i32
        %dma_start3A_23 = tpu.memref_slice %arg4[%mul3A_17, %dma_start3A_22] : memref<160000x256xf32, #tpu.memory_space<hbm>> -> memref<128x256xf32, #tpu.memory_space<hbm>>
        %dma_start3A_24 = arith.constant 0 : i32
        %dma_start3A_25 = tpu.memref_slice %arg4[%mul3A_17, %dma_start3A_24] : memref<160000x256xf32, #tpu.memory_space<hbm>> -> memref<128x256xf32, #tpu.memory_space<hbm>>
        tpu.enqueue_dma source(%arg6 : memref<128x256xf32, #tpu.memory_space<vmem>>) target(%dma_start3A_25 : memref<128x256xf32, #tpu.memory_space<hbm>>) target_semaphore(%run_scoped3A : memref<!tpu.dma_semaphore, #tpu.memory_space<semaphore_mem>>)
        %dma_wait3A_26 = arith.constant 0 : i32
        %dma_wait3A_27 = tpu.memref_slice %arg4[%mul3A_17, %dma_wait3A_26] : memref<160000x256xf32, #tpu.memory_space<hbm>> -> memref<128x256xf32, #tpu.memory_space<hbm>>
        %dma_wait3A_28 = arith.constant 0 : i32
        %dma_wait3A_29 = tpu.memref_slice %arg4[%mul3A_17, %dma_wait3A_28] : memref<160000x256xf32, #tpu.memory_space<hbm>> -> memref<128x256xf32, #tpu.memory_space<hbm>>
        tpu.wait_dma2 semaphore(%run_scoped3A : memref<!tpu.dma_semaphore, #tpu.memory_space<semaphore_mem>>) src(%arg6 : memref<128x256xf32, #tpu.memory_space<vmem>>) dst(%dma_wait3A_29 : memref<128x256xf32, #tpu.memory_space<hbm>>)
        tpu.yield
      }) : () -> ()
    }
    return
  }
}

module attributes {stable_mosaic.version = 14 : i64} {
  func.func @_kernel_a(%arg0: i32, %arg1: memref<640x3xf32, #tpu.memory_space<vmem>>, %arg2: memref<640x128xf32, #tpu.memory_space<vmem>>, %arg3: memref<16x128xf32, #tpu.memory_space<vmem>>, %arg4: memref<640x256xf32, #tpu.memory_space<vmem>>) attributes {dimension_semantics = [#tpu.dimension_semantics<arbitrary>], iteration_bounds = array<i64: 250>, scalar_prefetch = 0 : i64, scratch_operands = 0 : i64, tpu.core_type = #tpu.core_type<tc>, window_params = [{transform_indices = @transform_0, window_bounds = array<i64: 640, 3>}, {transform_indices = @transform_1, window_bounds = array<i64: 640, 128>}, {pipeline_mode = #tpu.pipeline_mode<synchronous>, transform_indices = @transform_2, window_bounds = array<i64: 16, 128>}, {transform_indices = @transform_3, window_bounds = array<i64: 640, 256>}]} {
    %get3A = arith.constant 0 : index
    %get3A_0 = arith.constant 0 : index
    %get3A_1 = vector.load %arg3[%get3A, %get3A_0] : memref<16x128xf32, #tpu.memory_space<vmem>>, vector<16x128xf32>
    %get3A_2 = arith.constant 0 : index
    %get3A_3 = arith.constant 0 : index
    %get3A_4 = vector.load %arg2[%get3A_2, %get3A_3] : memref<640x128xf32, #tpu.memory_space<vmem>>, vector<640x128xf32>
    %transpose3A = tpu.transpose %get3A_4, [1, 0] : vector<640x128xf32> -> vector<128x640xf32>
    %dot_general3A = arith.constant dense<0.000000e+00> : vector<16x640xf32>
    %dot_general3A_5 = tpu.matmul %get3A_1, %transpose3A, %dot_general3A {dimension_numbers = #tpu.dot_dimension_numbers<[1], [0], [0], [1], [0, 0, 1, 1], [], []>, transpose_lhs_hint = false} : vector<16x128xf32>, vector<128x640xf32>, vector<16x640xf32> -> vector<16x640xf32>
    %get3A_6 = arith.constant 0 : index
    %get3A_7 = arith.constant 0 : index
    %get3A_8 = vector.load %arg1[%get3A_6, %get3A_7] : memref<640x3xf32, #tpu.memory_space<vmem>>, vector<640x3xf32>
    %transpose3A_9 = tpu.transpose %get3A_8, [1, 0] : vector<640x3xf32> -> vector<3x640xf32>
    %slice3A = vector.extract_strided_slice %transpose3A_9 {offsets = [0, 0], sizes = [1, 640], strides = [1, 1]} : vector<3x640xf32> to vector<1x640xf32>
    %slice3A_10 = vector.extract_strided_slice %transpose3A_9 {offsets = [1, 0], sizes = [1, 640], strides = [1, 1]} : vector<3x640xf32> to vector<1x640xf32>
    %slice3A_11 = vector.extract_strided_slice %transpose3A_9 {offsets = [2, 0], sizes = [1, 640], strides = [1, 1]} : vector<3x640xf32> to vector<1x640xf32>
    %mul3A = arith.mulf %slice3A, %slice3A : vector<1x640xf32>
    %mul3A_12 = arith.mulf %slice3A_10, %slice3A_10 : vector<1x640xf32>
    %add3A = arith.addf %mul3A, %mul3A_12 : vector<1x640xf32>
    %mul3A_13 = arith.mulf %slice3A_11, %slice3A_11 : vector<1x640xf32>
    %add3A_14 = arith.addf %add3A, %mul3A_13 : vector<1x640xf32>
    %sqrt3A = math.sqrt %add3A_14 : vector<1x640xf32>
    %add3A_15 = arith.constant 9.99999971E-10 : f32
    %add3A_16 = vector.broadcast %add3A_15 : f32 to vector<1x640xf32>
    %add3A_17 = arith.addf %sqrt3A, %add3A_16 : vector<1x640xf32>
    %div3A = arith.constant 1.000000e+00 : f32
    %div3A_18 = vector.broadcast %div3A : f32 to vector<1x640xf32>
    %div3A_19 = arith.divf %div3A_18, %add3A_17 : vector<1x640xf32>
    %mul3A_20 = arith.mulf %slice3A, %div3A_19 : vector<1x640xf32>
    %mul3A_21 = arith.mulf %slice3A_10, %div3A_19 : vector<1x640xf32>
    %mul3A_22 = arith.mulf %slice3A_11, %div3A_19 : vector<1x640xf32>
    %broadcast_in_dim3A = arith.constant 1.000000e+00 : f32
    %broadcast_in_dim3A_23 = vector.broadcast %broadcast_in_dim3A : f32 to vector<1x640xf32>
    %mul3A_24 = arith.constant 1.73205078 : f32
    %mul3A_25 = vector.broadcast %mul3A_24 : f32 to vector<1x640xf32>
    %mul3A_26 = arith.mulf %mul3A_25, %mul3A_21 : vector<1x640xf32>
    %mul3A_27 = arith.constant 1.73205078 : f32
    %mul3A_28 = vector.broadcast %mul3A_27 : f32 to vector<1x640xf32>
    %mul3A_29 = arith.mulf %mul3A_28, %mul3A_22 : vector<1x640xf32>
    %mul3A_30 = arith.constant 1.73205078 : f32
    %mul3A_31 = vector.broadcast %mul3A_30 : f32 to vector<1x640xf32>
    %mul3A_32 = arith.mulf %mul3A_31, %mul3A_20 : vector<1x640xf32>
    %mul3A_33 = arith.constant 3.87298346 : f32
    %mul3A_34 = vector.broadcast %mul3A_33 : f32 to vector<1x640xf32>
    %mul3A_35 = arith.mulf %mul3A_34, %mul3A_20 : vector<1x640xf32>
    %mul3A_36 = arith.mulf %mul3A_35, %mul3A_21 : vector<1x640xf32>
    %mul3A_37 = arith.constant 3.87298346 : f32
    %mul3A_38 = vector.broadcast %mul3A_37 : f32 to vector<1x640xf32>
    %mul3A_39 = arith.mulf %mul3A_38, %mul3A_21 : vector<1x640xf32>
    %mul3A_40 = arith.mulf %mul3A_39, %mul3A_22 : vector<1x640xf32>
    %mul3A_41 = arith.constant 3.000000e+00 : f32
    %mul3A_42 = vector.broadcast %mul3A_41 : f32 to vector<1x640xf32>
    %mul3A_43 = arith.mulf %mul3A_42, %mul3A_22 : vector<1x640xf32>
    %mul3A_44 = arith.mulf %mul3A_43, %mul3A_22 : vector<1x640xf32>
    %sub3A = arith.constant 1.000000e+00 : f32
    %sub3A_45 = vector.broadcast %sub3A : f32 to vector<1x640xf32>
    %sub3A_46 = arith.subf %mul3A_44, %sub3A_45 : vector<1x640xf32>
    %mul3A_47 = arith.constant 1.11803401 : f32
    %mul3A_48 = vector.broadcast %mul3A_47 : f32 to vector<1x640xf32>
    %mul3A_49 = arith.mulf %mul3A_48, %sub3A_46 : vector<1x640xf32>
    %mul3A_50 = arith.constant 3.87298346 : f32
    %mul3A_51 = vector.broadcast %mul3A_50 : f32 to vector<1x640xf32>
    %mul3A_52 = arith.mulf %mul3A_51, %mul3A_20 : vector<1x640xf32>
    %mul3A_53 = arith.mulf %mul3A_52, %mul3A_22 : vector<1x640xf32>
    %mul3A_54 = arith.mulf %mul3A_20, %mul3A_20 : vector<1x640xf32>
    %mul3A_55 = arith.mulf %mul3A_21, %mul3A_21 : vector<1x640xf32>
    %sub3A_56 = arith.subf %mul3A_54, %mul3A_55 : vector<1x640xf32>
    %mul3A_57 = arith.constant 1.93649173 : f32
    %mul3A_58 = vector.broadcast %mul3A_57 : f32 to vector<1x640xf32>
    %mul3A_59 = arith.mulf %mul3A_58, %sub3A_56 : vector<1x640xf32>
    %mul3A_60 = arith.constant 2.091650e+00 : f32
    %mul3A_61 = vector.broadcast %mul3A_60 : f32 to vector<1x640xf32>
    %mul3A_62 = arith.mulf %mul3A_61, %mul3A_21 : vector<1x640xf32>
    %mul3A_63 = arith.constant 3.000000e+00 : f32
    %mul3A_64 = vector.broadcast %mul3A_63 : f32 to vector<1x640xf32>
    %mul3A_65 = arith.mulf %mul3A_64, %mul3A_20 : vector<1x640xf32>
    %mul3A_66 = arith.mulf %mul3A_65, %mul3A_20 : vector<1x640xf32>
    %mul3A_67 = arith.mulf %mul3A_21, %mul3A_21 : vector<1x640xf32>
    %sub3A_68 = arith.subf %mul3A_66, %mul3A_67 : vector<1x640xf32>
    %mul3A_69 = arith.mulf %mul3A_62, %sub3A_68 : vector<1x640xf32>
    %mul3A_70 = arith.constant 10.2469511 : f32
    %mul3A_71 = vector.broadcast %mul3A_70 : f32 to vector<1x640xf32>
    %mul3A_72 = arith.mulf %mul3A_71, %mul3A_20 : vector<1x640xf32>
    %mul3A_73 = arith.mulf %mul3A_72, %mul3A_21 : vector<1x640xf32>
    %mul3A_74 = arith.mulf %mul3A_73, %mul3A_22 : vector<1x640xf32>
    %mul3A_75 = arith.constant 1.62018514 : f32
    %mul3A_76 = vector.broadcast %mul3A_75 : f32 to vector<1x640xf32>
    %mul3A_77 = arith.mulf %mul3A_76, %mul3A_21 : vector<1x640xf32>
    %mul3A_78 = arith.constant 5.000000e+00 : f32
    %mul3A_79 = vector.broadcast %mul3A_78 : f32 to vector<1x640xf32>
    %mul3A_80 = arith.mulf %mul3A_79, %mul3A_22 : vector<1x640xf32>
    %mul3A_81 = arith.mulf %mul3A_80, %mul3A_22 : vector<1x640xf32>
    %sub3A_82 = arith.constant 1.000000e+00 : f32
    %sub3A_83 = vector.broadcast %sub3A_82 : f32 to vector<1x640xf32>
    %sub3A_84 = arith.subf %mul3A_81, %sub3A_83 : vector<1x640xf32>
    %mul3A_85 = arith.mulf %mul3A_77, %sub3A_84 : vector<1x640xf32>
    %mul3A_86 = arith.constant 1.32287562 : f32
    %mul3A_87 = vector.broadcast %mul3A_86 : f32 to vector<1x640xf32>
    %mul3A_88 = arith.mulf %mul3A_87, %mul3A_22 : vector<1x640xf32>
    %mul3A_89 = arith.constant 5.000000e+00 : f32
    %mul3A_90 = vector.broadcast %mul3A_89 : f32 to vector<1x640xf32>
    %mul3A_91 = arith.mulf %mul3A_90, %mul3A_22 : vector<1x640xf32>
    %mul3A_92 = arith.mulf %mul3A_91, %mul3A_22 : vector<1x640xf32>
    %sub3A_93 = arith.constant 3.000000e+00 : f32
    %sub3A_94 = vector.broadcast %sub3A_93 : f32 to vector<1x640xf32>
    %sub3A_95 = arith.subf %mul3A_92, %sub3A_94 : vector<1x640xf32>
    %mul3A_96 = arith.mulf %mul3A_88, %sub3A_95 : vector<1x640xf32>
    %mul3A_97 = arith.constant 1.62018514 : f32
    %mul3A_98 = vector.broadcast %mul3A_97 : f32 to vector<1x640xf32>
    %mul3A_99 = arith.mulf %mul3A_98, %mul3A_20 : vector<1x640xf32>
    %mul3A_100 = arith.constant 5.000000e+00 : f32
    %mul3A_101 = vector.broadcast %mul3A_100 : f32 to vector<1x640xf32>
    %mul3A_102 = arith.mulf %mul3A_101, %mul3A_22 : vector<1x640xf32>
    %mul3A_103 = arith.mulf %mul3A_102, %mul3A_22 : vector<1x640xf32>
    %sub3A_104 = arith.constant 1.000000e+00 : f32
    %sub3A_105 = vector.broadcast %sub3A_104 : f32 to vector<1x640xf32>
    %sub3A_106 = arith.subf %mul3A_103, %sub3A_105 : vector<1x640xf32>
    %mul3A_107 = arith.mulf %mul3A_99, %sub3A_106 : vector<1x640xf32>
    %mul3A_108 = arith.constant 5.12347555 : f32
    %mul3A_109 = vector.broadcast %mul3A_108 : f32 to vector<1x640xf32>
    %mul3A_110 = arith.mulf %mul3A_109, %mul3A_22 : vector<1x640xf32>
    %mul3A_111 = arith.mulf %mul3A_20, %mul3A_20 : vector<1x640xf32>
    %mul3A_112 = arith.mulf %mul3A_21, %mul3A_21 : vector<1x640xf32>
    %sub3A_113 = arith.subf %mul3A_111, %mul3A_112 : vector<1x640xf32>
    %mul3A_114 = arith.mulf %mul3A_110, %sub3A_113 : vector<1x640xf32>
    %mul3A_115 = arith.constant 2.091650e+00 : f32
    %mul3A_116 = vector.broadcast %mul3A_115 : f32 to vector<1x640xf32>
    %mul3A_117 = arith.mulf %mul3A_116, %mul3A_20 : vector<1x640xf32>
    %mul3A_118 = arith.mulf %mul3A_20, %mul3A_20 : vector<1x640xf32>
    %mul3A_119 = arith.constant 3.000000e+00 : f32
    %mul3A_120 = vector.broadcast %mul3A_119 : f32 to vector<1x640xf32>
    %mul3A_121 = arith.mulf %mul3A_120, %mul3A_21 : vector<1x640xf32>
    %mul3A_122 = arith.mulf %mul3A_121, %mul3A_21 : vector<1x640xf32>
    %sub3A_123 = arith.subf %mul3A_118, %mul3A_122 : vector<1x640xf32>
    %mul3A_124 = arith.mulf %mul3A_117, %sub3A_123 : vector<1x640xf32>
    %mul3A_125 = vector.broadcast %broadcast_in_dim3A_23 : vector<1x640xf32> to vector<16x640xf32>
    %mul3A_126 = arith.mulf %dot_general3A_5, %mul3A_125 : vector<16x640xf32>
    %mul3A_127 = vector.broadcast %mul3A_26 : vector<1x640xf32> to vector<16x640xf32>
    %mul3A_128 = arith.mulf %dot_general3A_5, %mul3A_127 : vector<16x640xf32>
    %mul3A_129 = vector.broadcast %mul3A_29 : vector<1x640xf32> to vector<16x640xf32>
    %mul3A_130 = arith.mulf %dot_general3A_5, %mul3A_129 : vector<16x640xf32>
    %mul3A_131 = vector.broadcast %mul3A_32 : vector<1x640xf32> to vector<16x640xf32>
    %mul3A_132 = arith.mulf %dot_general3A_5, %mul3A_131 : vector<16x640xf32>
    %mul3A_133 = vector.broadcast %mul3A_36 : vector<1x640xf32> to vector<16x640xf32>
    %mul3A_134 = arith.mulf %dot_general3A_5, %mul3A_133 : vector<16x640xf32>
    %mul3A_135 = vector.broadcast %mul3A_40 : vector<1x640xf32> to vector<16x640xf32>
    %mul3A_136 = arith.mulf %dot_general3A_5, %mul3A_135 : vector<16x640xf32>
    %mul3A_137 = vector.broadcast %mul3A_49 : vector<1x640xf32> to vector<16x640xf32>
    %mul3A_138 = arith.mulf %dot_general3A_5, %mul3A_137 : vector<16x640xf32>
    %mul3A_139 = vector.broadcast %mul3A_53 : vector<1x640xf32> to vector<16x640xf32>
    %mul3A_140 = arith.mulf %dot_general3A_5, %mul3A_139 : vector<16x640xf32>
    %mul3A_141 = vector.broadcast %mul3A_59 : vector<1x640xf32> to vector<16x640xf32>
    %mul3A_142 = arith.mulf %dot_general3A_5, %mul3A_141 : vector<16x640xf32>
    %mul3A_143 = vector.broadcast %mul3A_69 : vector<1x640xf32> to vector<16x640xf32>
    %mul3A_144 = arith.mulf %dot_general3A_5, %mul3A_143 : vector<16x640xf32>
    %mul3A_145 = vector.broadcast %mul3A_74 : vector<1x640xf32> to vector<16x640xf32>
    %mul3A_146 = arith.mulf %dot_general3A_5, %mul3A_145 : vector<16x640xf32>
    %mul3A_147 = vector.broadcast %mul3A_85 : vector<1x640xf32> to vector<16x640xf32>
    %mul3A_148 = arith.mulf %dot_general3A_5, %mul3A_147 : vector<16x640xf32>
    %mul3A_149 = vector.broadcast %mul3A_96 : vector<1x640xf32> to vector<16x640xf32>
    %mul3A_150 = arith.mulf %dot_general3A_5, %mul3A_149 : vector<16x640xf32>
    %mul3A_151 = vector.broadcast %mul3A_107 : vector<1x640xf32> to vector<16x640xf32>
    %mul3A_152 = arith.mulf %dot_general3A_5, %mul3A_151 : vector<16x640xf32>
    %mul3A_153 = vector.broadcast %mul3A_114 : vector<1x640xf32> to vector<16x640xf32>
    %mul3A_154 = arith.mulf %dot_general3A_5, %mul3A_153 : vector<16x640xf32>
    %mul3A_155 = vector.broadcast %mul3A_124 : vector<1x640xf32> to vector<16x640xf32>
    %mul3A_156 = arith.mulf %dot_general3A_5, %mul3A_155 : vector<16x640xf32>
    %concatenate3A = tpu.concatenate %mul3A_126, %mul3A_128, %mul3A_130, %mul3A_132, %mul3A_134, %mul3A_136, %mul3A_138, %mul3A_140, %mul3A_142, %mul3A_144, %mul3A_146, %mul3A_148, %mul3A_150, %mul3A_152, %mul3A_154, %mul3A_156 in 0 : vector<16x640xf32>, vector<16x640xf32>, vector<16x640xf32>, vector<16x640xf32>, vector<16x640xf32>, vector<16x640xf32>, vector<16x640xf32>, vector<16x640xf32>, vector<16x640xf32>, vector<16x640xf32>, vector<16x640xf32>, vector<16x640xf32>, vector<16x640xf32>, vector<16x640xf32>, vector<16x640xf32>, vector<16x640xf32> -> vector<256x640xf32>
    %transpose3A_157 = tpu.transpose %concatenate3A, [1, 0] : vector<256x640xf32> -> vector<640x256xf32>
    %swap3A = arith.constant 0 : index
    %swap3A_158 = arith.constant 0 : index
    %swap3A_159 = vector.load %arg4[%swap3A, %swap3A_158] : memref<640x256xf32, #tpu.memory_space<vmem>>, vector<640x256xf32>
    tpu.vector_store %arg4[%swap3A, %swap3A_158], %transpose3A_157 {strides = array<i32>} : memref<640x256xf32, #tpu.memory_space<vmem>>, vector<640x256xf32>,
    return
  }
  func.func @transform_0(%arg0: i32) -> (i32, i32) {
    %c0_i32 = arith.constant 0 : i32
    %c0_i32_0 = arith.constant 0 : i32
    return %arg0, %c0_i32 : i32, i32
  }
  func.func @transform_1(%arg0: i32) -> (i32, i32) {
    %c0_i32 = arith.constant 0 : i32
    %c0_i32_0 = arith.constant 0 : i32
    return %arg0, %c0_i32 : i32, i32
  }
  func.func @transform_2(%arg0: i32) -> (i32, i32) {
    %c0_i32 = arith.constant 0 : i32
    %c0_i32_0 = arith.constant 0 : i32
    %c0_i32_1 = arith.constant 0 : i32
    return %c0_i32, %c0_i32_0 : i32, i32
  }
  func.func @transform_3(%arg0: i32) -> (i32, i32) {
    %c0_i32 = arith.constant 0 : i32
    %c0_i32_0 = arith.constant 0 : i32
    return %arg0, %c0_i32 : i32, i32
  }
}

module attributes {stable_mosaic.version = 14 : i64} {
  func.func @_kernel_d(%arg0: i32, %arg1: memref<640x128xf32, #tpu.memory_space<vmem>>, %arg2: memref<640x256xf32, #tpu.memory_space<vmem>>, %arg3: memref<640x144xf32, #tpu.memory_space<vmem>>, %arg4: memref<640x3xf32, #tpu.memory_space<vmem>>, %arg5: memref<176x64xf32, #tpu.memory_space<vmem>>, %arg6: memref<64x64xf32, #tpu.memory_space<vmem>>, %arg7: memref<64x64xf32, #tpu.memory_space<vmem>>, %arg8: memref<192x240xf32, #tpu.memory_space<vmem>>, %arg9: memref<320x400xf32, #tpu.memory_space<vmem>>, %arg10: memref<144x144xf32, #tpu.memory_space<vmem>>, %arg11: memref<640x64xf32, #tpu.memory_space<vmem>>, %arg12: memref<640x576xf32, #tpu.memory_space<vmem>>) attributes {dimension_semantics = [#tpu.dimension_semantics<arbitrary>], iteration_bounds = array<i64: 250>, scalar_prefetch = 0 : i64, scratch_operands = 0 : i64, tpu.core_type = #tpu.core_type<tc>, window_params = [{transform_indices = @transform_0, window_bounds = array<i64: 640, 128>}, {transform_indices = @transform_1, window_bounds = array<i64: 640, 256>}, {transform_indices = @transform_2, window_bounds = array<i64: 640, 144>}, {transform_indices = @transform_3, window_bounds = array<i64: 640, 3>}, {pipeline_mode = #tpu.pipeline_mode<synchronous>, transform_indices = @transform_4, window_bounds = array<i64: 176, 64>}, {pipeline_mode = #tpu.pipeline_mode<synchronous>, transform_indices = @transform_5, window_bounds = array<i64: 64, 64>}, {pipeline_mode = #tpu.pipeline_mode<synchronous>, transform_indices = @transform_6, window_bounds = array<i64: 64, 64>}, {pipeline_mode = #tpu.pipeline_mode<synchronous>, transform_indices = @transform_7, window_bounds = array<i64: 192, 240>}, {pipeline_mode = #tpu.pipeline_mode<synchronous>, transform_indices = @transform_8, window_bounds = array<i64: 320, 400>}, {pipeline_mode = #tpu.pipeline_mode<synchronous>, transform_indices = @transform_9, window_bounds = array<i64: 144, 144>}, {transform_indices = @transform_10, window_bounds = array<i64: 640, 64>}, {transform_indices = @transform_11, window_bounds = array<i64: 640, 576>}]} {
    %get3A = arith.constant 0 : index
    %get3A_0 = arith.constant 0 : index
    %get3A_1 = vector.load %arg2[%get3A, %get3A_0] : memref<640x256xf32, #tpu.memory_space<vmem>>, vector<640x256xf32>
    %transpose3A = tpu.transpose %get3A_1, [1, 0] : vector<640x256xf32> -> vector<256x640xf32>
    %get3A_2 = arith.constant 0 : index
    %get3A_3 = arith.constant 0 : index
    %get3A_4 = vector.load %arg10[%get3A_2, %get3A_3] : memref<144x144xf32, #tpu.memory_space<vmem>>, vector<144x144xf32>
    %get3A_5 = arith.constant 0 : index
    %get3A_6 = arith.constant 0 : index
    %get3A_7 = vector.load %arg3[%get3A_5, %get3A_6] : memref<640x144xf32, #tpu.memory_space<vmem>>, vector<640x144xf32>
    %transpose3A_8 = tpu.transpose %get3A_7, [1, 0] : vector<640x144xf32> -> vector<144x640xf32>
    %dot_general3A = arith.constant dense<0.000000e+00> : vector<144x640xf32>
    %dot_general3A_9 = tpu.matmul %get3A_4, %transpose3A_8, %dot_general3A {dimension_numbers = #tpu.dot_dimension_numbers<[1], [0], [0], [1], [0, 0, 1, 1], [], []>, transpose_lhs_hint = false} : vector<144x144xf32>, vector<144x640xf32>, vector<144x640xf32> -> vector<144x640xf32>
    %slice3A = vector.extract_strided_slice %transpose3A {offsets = [0, 0], sizes = [16, 640], strides = [1, 1]} : vector<256x640xf32> to vector<16x640xf32>
    %slice3A_10 = vector.extract_strided_slice %dot_general3A_9 {offsets = [0, 0], sizes = [16, 640], strides = [1, 1]} : vector<144x640xf32> to vector<16x640xf32>
    %mul3A = arith.mulf %slice3A, %slice3A_10 : vector<16x640xf32>
    %slice3A_11 = vector.extract_strided_slice %transpose3A {offsets = [16, 0], sizes = [16, 640], strides = [1, 1]} : vector<256x640xf32> to vector<16x640xf32>
    %slice3A_12 = vector.extract_strided_slice %dot_general3A_9 {offsets = [16, 0], sizes = [16, 640], strides = [1, 1]} : vector<144x640xf32> to vector<16x640xf32>
    %mul3A_13 = arith.mulf %slice3A_11, %slice3A_12 : vector<16x640xf32>
    %slice3A_14 = vector.extract_strided_slice %transpose3A {offsets = [32, 0], sizes = [16, 640], strides = [1, 1]} : vector<256x640xf32> to vector<16x640xf32>
    %slice3A_15 = vector.extract_strided_slice %dot_general3A_9 {offsets = [32, 0], sizes = [16, 640], strides = [1, 1]} : vector<144x640xf32> to vector<16x640xf32>
    %mul3A_16 = arith.mulf %slice3A_14, %slice3A_15 : vector<16x640xf32>
    %slice3A_17 = vector.extract_strided_slice %transpose3A {offsets = [48, 0], sizes = [16, 640], strides = [1, 1]} : vector<256x640xf32> to vector<16x640xf32>
    %slice3A_18 = vector.extract_strided_slice %dot_general3A_9 {offsets = [48, 0], sizes = [16, 640], strides = [1, 1]} : vector<144x640xf32> to vector<16x640xf32>
    %mul3A_19 = arith.mulf %slice3A_17, %slice3A_18 : vector<16x640xf32>
    %slice3A_20 = vector.extract_strided_slice %transpose3A {offsets = [64, 0], sizes = [16, 640], strides = [1, 1]} : vector<256x640xf32> to vector<16x640xf32>
    %slice3A_21 = vector.extract_strided_slice %dot_general3A_9 {offsets = [64, 0], sizes = [16, 640], strides = [1, 1]} : vector<144x640xf32> to vector<16x640xf32>
    %mul3A_22 = arith.mulf %slice3A_20, %slice3A_21 : vector<16x640xf32>
    %slice3A_23 = vector.extract_strided_slice %transpose3A {offsets = [80, 0], sizes = [16, 640], strides = [1, 1]} : vector<256x640xf32> to vector<16x640xf32>
    %slice3A_24 = vector.extract_strided_slice %dot_general3A_9 {offsets = [80, 0], sizes = [16, 640], strides = [1, 1]} : vector<144x640xf32> to vector<16x640xf32>
    %mul3A_25 = arith.mulf %slice3A_23, %slice3A_24 : vector<16x640xf32>
    %slice3A_26 = vector.extract_strided_slice %transpose3A {offsets = [96, 0], sizes = [16, 640], strides = [1, 1]} : vector<256x640xf32> to vector<16x640xf32>
    %slice3A_27 = vector.extract_strided_slice %dot_general3A_9 {offsets = [96, 0], sizes = [16, 640], strides = [1, 1]} : vector<144x640xf32> to vector<16x640xf32>
    %mul3A_28 = arith.mulf %slice3A_26, %slice3A_27 : vector<16x640xf32>
    %slice3A_29 = vector.extract_strided_slice %transpose3A {offsets = [112, 0], sizes = [16, 640], strides = [1, 1]} : vector<256x640xf32> to vector<16x640xf32>
    %slice3A_30 = vector.extract_strided_slice %dot_general3A_9 {offsets = [112, 0], sizes = [16, 640], strides = [1, 1]} : vector<144x640xf32> to vector<16x640xf32>
    %mul3A_31 = arith.mulf %slice3A_29, %slice3A_30 : vector<16x640xf32>
    %slice3A_32 = vector.extract_strided_slice %transpose3A {offsets = [128, 0], sizes = [16, 640], strides = [1, 1]} : vector<256x640xf32> to vector<16x640xf32>
    %slice3A_33 = vector.extract_strided_slice %dot_general3A_9 {offsets = [128, 0], sizes = [16, 640], strides = [1, 1]} : vector<144x640xf32> to vector<16x640xf32>
    %mul3A_34 = arith.mulf %slice3A_32, %slice3A_33 : vector<16x640xf32>
    %slice3A_35 = vector.extract_strided_slice %transpose3A {offsets = [0, 0], sizes = [16, 640], strides = [1, 1]} : vector<256x640xf32> to vector<16x640xf32>
    %slice3A_36 = vector.extract_strided_slice %dot_general3A_9 {offsets = [16, 0], sizes = [16, 640], strides = [1, 1]} : vector<144x640xf32> to vector<16x640xf32>
    %mul3A_37 = arith.mulf %slice3A_35, %slice3A_36 : vector<16x640xf32>
    %slice3A_38 = vector.extract_strided_slice %transpose3A {offsets = [0, 0], sizes = [16, 640], strides = [1, 1]} : vector<256x640xf32> to vector<16x640xf32>
    %slice3A_39 = vector.extract_strided_slice %dot_general3A_9 {offsets = [32, 0], sizes = [16, 640], strides = [1, 1]} : vector<144x640xf32> to vector<16x640xf32>
    %mul3A_40 = arith.mulf %slice3A_38, %slice3A_39 : vector<16x640xf32>
    %slice3A_41 = vector.extract_strided_slice %transpose3A {offsets = [0, 0], sizes = [16, 640], strides = [1, 1]} : vector<256x640xf32> to vector<16x640xf32>
    %slice3A_42 = vector.extract_strided_slice %dot_general3A_9 {offsets = [48, 0], sizes = [16, 640], strides = [1, 1]} : vector<144x640xf32> to vector<16x640xf32>
    %mul3A_43 = arith.mulf %slice3A_41, %slice3A_42 : vector<16x640xf32>
    %slice3A_44 = vector.extract_strided_slice %transpose3A {offsets = [16, 0], sizes = [16, 640], strides = [1, 1]} : vector<256x640xf32> to vector<16x640xf32>
    %slice3A_45 = vector.extract_strided_slice %dot_general3A_9 {offsets = [0, 0], sizes = [16, 640], strides = [1, 1]} : vector<144x640xf32> to vector<16x640xf32>
    %mul3A_46 = arith.mulf %slice3A_44, %slice3A_45 : vector<16x640xf32>
    %slice3A_47 = vector.extract_strided_slice %transpose3A {offsets = [32, 0], sizes = [16, 640], strides = [1, 1]} : vector<256x640xf32> to vector<16x640xf32>
    %slice3A_48 = vector.extract_strided_slice %dot_general3A_9 {offsets = [0, 0], sizes = [16, 640], strides = [1, 1]} : vector<144x640xf32> to vector<16x640xf32>
    %mul3A_49 = arith.mulf %slice3A_47, %slice3A_48 : vector<16x640xf32>
    %slice3A_50 = vector.extract_strided_slice %transpose3A {offsets = [48, 0], sizes = [16, 640], strides = [1, 1]} : vector<256x640xf32> to vector<16x640xf32>
    %slice3A_51 = vector.extract_strided_slice %dot_general3A_9 {offsets = [0, 0], sizes = [16, 640], strides = [1, 1]} : vector<144x640xf32> to vector<16x640xf32>
    %mul3A_52 = arith.mulf %slice3A_50, %slice3A_51 : vector<16x640xf32>
    %slice3A_53 = vector.extract_strided_slice %transpose3A {offsets = [16, 0], sizes = [16, 640], strides = [1, 1]} : vector<256x640xf32> to vector<16x640xf32>
    %slice3A_54 = vector.extract_strided_slice %dot_general3A_9 {offsets = [64, 0], sizes = [16, 640], strides = [1, 1]} : vector<144x640xf32> to vector<16x640xf32>
    %mul3A_55 = arith.mulf %slice3A_53, %slice3A_54 : vector<16x640xf32>
    %slice3A_56 = vector.extract_strided_slice %transpose3A {offsets = [16, 0], sizes = [16, 640], strides = [1, 1]} : vector<256x640xf32> to vector<16x640xf32>
    %slice3A_57 = vector.extract_strided_slice %dot_general3A_9 {offsets = [80, 0], sizes = [16, 640], strides = [1, 1]} : vector<144x640xf32> to vector<16x640xf32>
    %mul3A_58 = arith.mulf %slice3A_56, %slice3A_57 : vector<16x640xf32>
    %slice3A_59 = vector.extract_strided_slice %transpose3A {offsets = [16, 0], sizes = [16, 640], strides = [1, 1]} : vector<256x640xf32> to vector<16x640xf32>
    %slice3A_60 = vector.extract_strided_slice %dot_general3A_9 {offsets = [96, 0], sizes = [16, 640], strides = [1, 1]} : vector<144x640xf32> to vector<16x640xf32>
    %mul3A_61 = arith.mulf %slice3A_59, %slice3A_60 : vector<16x640xf32>
    %slice3A_62 = vector.extract_strided_slice %transpose3A {offsets = [16, 0], sizes = [16, 640], strides = [1, 1]} : vector<256x640xf32> to vector<16x640xf32>
    %slice3A_63 = vector.extract_strided_slice %dot_general3A_9 {offsets = [128, 0], sizes = [16, 640], strides = [1, 1]} : vector<144x640xf32> to vector<16x640xf32>
    %mul3A_64 = arith.mulf %slice3A_62, %slice3A_63 : vector<16x640xf32>
    %slice3A_65 = vector.extract_strided_slice %transpose3A {offsets = [32, 0], sizes = [16, 640], strides = [1, 1]} : vector<256x640xf32> to vector<16x640xf32>
    %slice3A_66 = vector.extract_strided_slice %dot_general3A_9 {offsets = [80, 0], sizes = [16, 640], strides = [1, 1]} : vector<144x640xf32> to vector<16x640xf32>
    %mul3A_67 = arith.mulf %slice3A_65, %slice3A_66 : vector<16x640xf32>
    %slice3A_68 = vector.extract_strided_slice %transpose3A {offsets = [32, 0], sizes = [16, 640], strides = [1, 1]} : vector<256x640xf32> to vector<16x640xf32>
    %slice3A_69 = vector.extract_strided_slice %dot_general3A_9 {offsets = [96, 0], sizes = [16, 640], strides = [1, 1]} : vector<144x640xf32> to vector<16x640xf32>
    %mul3A_70 = arith.mulf %slice3A_68, %slice3A_69 : vector<16x640xf32>
    %slice3A_71 = vector.extract_strided_slice %transpose3A {offsets = [32, 0], sizes = [16, 640], strides = [1, 1]} : vector<256x640xf32> to vector<16x640xf32>
    %slice3A_72 = vector.extract_strided_slice %dot_general3A_9 {offsets = [112, 0], sizes = [16, 640], strides = [1, 1]} : vector<144x640xf32> to vector<16x640xf32>
    %mul3A_73 = arith.mulf %slice3A_71, %slice3A_72 : vector<16x640xf32>
    %slice3A_74 = vector.extract_strided_slice %transpose3A {offsets = [48, 0], sizes = [16, 640], strides = [1, 1]} : vector<256x640xf32> to vector<16x640xf32>
    %slice3A_75 = vector.extract_strided_slice %dot_general3A_9 {offsets = [64, 0], sizes = [16, 640], strides = [1, 1]} : vector<144x640xf32> to vector<16x640xf32>
    %mul3A_76 = arith.mulf %slice3A_74, %slice3A_75 : vector<16x640xf32>
    %slice3A_77 = vector.extract_strided_slice %transpose3A {offsets = [48, 0], sizes = [16, 640], strides = [1, 1]} : vector<256x640xf32> to vector<16x640xf32>
    %slice3A_78 = vector.extract_strided_slice %dot_general3A_9 {offsets = [96, 0], sizes = [16, 640], strides = [1, 1]} : vector<144x640xf32> to vector<16x640xf32>
    %mul3A_79 = arith.mulf %slice3A_77, %slice3A_78 : vector<16x640xf32>
    %slice3A_80 = vector.extract_strided_slice %transpose3A {offsets = [48, 0], sizes = [16, 640], strides = [1, 1]} : vector<256x640xf32> to vector<16x640xf32>
    %slice3A_81 = vector.extract_strided_slice %dot_general3A_9 {offsets = [112, 0], sizes = [16, 640], strides = [1, 1]} : vector<144x640xf32> to vector<16x640xf32>
    %mul3A_82 = arith.mulf %slice3A_80, %slice3A_81 : vector<16x640xf32>
    %slice3A_83 = vector.extract_strided_slice %transpose3A {offsets = [48, 0], sizes = [16, 640], strides = [1, 1]} : vector<256x640xf32> to vector<16x640xf32>
    %slice3A_84 = vector.extract_strided_slice %dot_general3A_9 {offsets = [128, 0], sizes = [16, 640], strides = [1, 1]} : vector<144x640xf32> to vector<16x640xf32>
    %mul3A_85 = arith.mulf %slice3A_83, %slice3A_84 : vector<16x640xf32>
    %slice3A_86 = vector.extract_strided_slice %transpose3A {offsets = [64, 0], sizes = [16, 640], strides = [1, 1]} : vector<256x640xf32> to vector<16x640xf32>
    %slice3A_87 = vector.extract_strided_slice %dot_general3A_9 {offsets = [16, 0], sizes = [16, 640], strides = [1, 1]} : vector<144x640xf32> to vector<16x640xf32>
    %mul3A_88 = arith.mulf %slice3A_86, %slice3A_87 : vector<16x640xf32>
    %slice3A_89 = vector.extract_strided_slice %transpose3A {offsets = [64, 0], sizes = [16, 640], strides = [1, 1]} : vector<256x640xf32> to vector<16x640xf32>
    %slice3A_90 = vector.extract_strided_slice %dot_general3A_9 {offsets = [48, 0], sizes = [16, 640], strides = [1, 1]} : vector<144x640xf32> to vector<16x640xf32>
    %mul3A_91 = arith.mulf %slice3A_89, %slice3A_90 : vector<16x640xf32>
    %slice3A_92 = vector.extract_strided_slice %transpose3A {offsets = [80, 0], sizes = [16, 640], strides = [1, 1]} : vector<256x640xf32> to vector<16x640xf32>
    %slice3A_93 = vector.extract_strided_slice %dot_general3A_9 {offsets = [16, 0], sizes = [16, 640], strides = [1, 1]} : vector<144x640xf32> to vector<16x640xf32>
    %mul3A_94 = arith.mulf %slice3A_92, %slice3A_93 : vector<16x640xf32>
    %slice3A_95 = vector.extract_strided_slice %transpose3A {offsets = [80, 0], sizes = [16, 640], strides = [1, 1]} : vector<256x640xf32> to vector<16x640xf32>
    %slice3A_96 = vector.extract_strided_slice %dot_general3A_9 {offsets = [32, 0], sizes = [16, 640], strides = [1, 1]} : vector<144x640xf32> to vector<16x640xf32>
    %mul3A_97 = arith.mulf %slice3A_95, %slice3A_96 : vector<16x640xf32>
    %slice3A_98 = vector.extract_strided_slice %transpose3A {offsets = [96, 0], sizes = [16, 640], strides = [1, 1]} : vector<256x640xf32> to vector<16x640xf32>
    %slice3A_99 = vector.extract_strided_slice %dot_general3A_9 {offsets = [16, 0], sizes = [16, 640], strides = [1, 1]} : vector<144x640xf32> to vector<16x640xf32>
    %mul3A_100 = arith.mulf %slice3A_98, %slice3A_99 : vector<16x640xf32>
    %slice3A_101 = vector.extract_strided_slice %transpose3A {offsets = [96, 0], sizes = [16, 640], strides = [1, 1]} : vector<256x640xf32> to vector<16x640xf32>
    %slice3A_102 = vector.extract_strided_slice %dot_general3A_9 {offsets = [32, 0], sizes = [16, 640], strides = [1, 1]} : vector<144x640xf32> to vector<16x640xf32>
    %mul3A_103 = arith.mulf %slice3A_101, %slice3A_102 : vector<16x640xf32>
    %slice3A_104 = vector.extract_strided_slice %transpose3A {offsets = [96, 0], sizes = [16, 640], strides = [1, 1]} : vector<256x640xf32> to vector<16x640xf32>
    %slice3A_105 = vector.extract_strided_slice %dot_general3A_9 {offsets = [48, 0], sizes = [16, 640], strides = [1, 1]} : vector<144x640xf32> to vector<16x640xf32>
    %mul3A_106 = arith.mulf %slice3A_104, %slice3A_105 : vector<16x640xf32>
    %slice3A_107 = vector.extract_strided_slice %transpose3A {offsets = [112, 0], sizes = [16, 640], strides = [1, 1]} : vector<256x640xf32> to vector<16x640xf32>
    %slice3A_108 = vector.extract_strided_slice %dot_general3A_9 {offsets = [32, 0], sizes = [16, 640], strides = [1, 1]} : vector<144x640xf32> to vector<16x640xf32>
    %mul3A_109 = arith.mulf %slice3A_107, %slice3A_108 : vector<16x640xf32>
    %slice3A_110 = vector.extract_strided_slice %transpose3A {offsets = [112, 0], sizes = [16, 640], strides = [1, 1]} : vector<256x640xf32> to vector<16x640xf32>
    %slice3A_111 = vector.extract_strided_slice %dot_general3A_9 {offsets = [48, 0], sizes = [16, 640], strides = [1, 1]} : vector<144x640xf32> to vector<16x640xf32>
    %mul3A_112 = arith.mulf %slice3A_110, %slice3A_111 : vector<16x640xf32>
    %slice3A_113 = vector.extract_strided_slice %transpose3A {offsets = [128, 0], sizes = [16, 640], strides = [1, 1]} : vector<256x640xf32> to vector<16x640xf32>
    %slice3A_114 = vector.extract_strided_slice %dot_general3A_9 {offsets = [16, 0], sizes = [16, 640], strides = [1, 1]} : vector<144x640xf32> to vector<16x640xf32>
    %mul3A_115 = arith.mulf %slice3A_113, %slice3A_114 : vector<16x640xf32>
    %slice3A_116 = vector.extract_strided_slice %transpose3A {offsets = [128, 0], sizes = [16, 640], strides = [1, 1]} : vector<256x640xf32> to vector<16x640xf32>
    %slice3A_117 = vector.extract_strided_slice %dot_general3A_9 {offsets = [48, 0], sizes = [16, 640], strides = [1, 1]} : vector<144x640xf32> to vector<16x640xf32>
    %mul3A_118 = arith.mulf %slice3A_116, %slice3A_117 : vector<16x640xf32>
    %slice3A_119 = vector.extract_strided_slice %transpose3A {offsets = [144, 0], sizes = [16, 640], strides = [1, 1]} : vector<256x640xf32> to vector<16x640xf32>
    %slice3A_120 = vector.extract_strided_slice %dot_general3A_9 {offsets = [64, 0], sizes = [16, 640], strides = [1, 1]} : vector<144x640xf32> to vector<16x640xf32>
    %mul3A_121 = arith.mulf %slice3A_119, %slice3A_120 : vector<16x640xf32>
    %slice3A_122 = vector.extract_strided_slice %transpose3A {offsets = [144, 0], sizes = [16, 640], strides = [1, 1]} : vector<256x640xf32> to vector<16x640xf32>
    %slice3A_123 = vector.extract_strided_slice %dot_general3A_9 {offsets = [128, 0], sizes = [16, 640], strides = [1, 1]} : vector<144x640xf32> to vector<16x640xf32>
    %mul3A_124 = arith.mulf %slice3A_122, %slice3A_123 : vector<16x640xf32>
    %slice3A_125 = vector.extract_strided_slice %transpose3A {offsets = [160, 0], sizes = [16, 640], strides = [1, 1]} : vector<256x640xf32> to vector<16x640xf32>
    %slice3A_126 = vector.extract_strided_slice %dot_general3A_9 {offsets = [64, 0], sizes = [16, 640], strides = [1, 1]} : vector<144x640xf32> to vector<16x640xf32>
    %mul3A_127 = arith.mulf %slice3A_125, %slice3A_126 : vector<16x640xf32>
    %slice3A_128 = vector.extract_strided_slice %transpose3A {offsets = [160, 0], sizes = [16, 640], strides = [1, 1]} : vector<256x640xf32> to vector<16x640xf32>
    %slice3A_129 = vector.extract_strided_slice %dot_general3A_9 {offsets = [80, 0], sizes = [16, 640], strides = [1, 1]} : vector<144x640xf32> to vector<16x640xf32>
    %mul3A_130 = arith.mulf %slice3A_128, %slice3A_129 : vector<16x640xf32>
    %slice3A_131 = vector.extract_strided_slice %transpose3A {offsets = [160, 0], sizes = [16, 640], strides = [1, 1]} : vector<256x640xf32> to vector<16x640xf32>
    %slice3A_132 = vector.extract_strided_slice %dot_general3A_9 {offsets = [112, 0], sizes = [16, 640], strides = [1, 1]} : vector<144x640xf32> to vector<16x640xf32>
    %mul3A_133 = arith.mulf %slice3A_131, %slice3A_132 : vector<16x640xf32>
    %slice3A_134 = vector.extract_strided_slice %transpose3A {offsets = [176, 0], sizes = [16, 640], strides = [1, 1]} : vector<256x640xf32> to vector<16x640xf32>
    %slice3A_135 = vector.extract_strided_slice %dot_general3A_9 {offsets = [64, 0], sizes = [16, 640], strides = [1, 1]} : vector<144x640xf32> to vector<16x640xf32>
    %mul3A_136 = arith.mulf %slice3A_134, %slice3A_135 : vector<16x640xf32>
    %slice3A_137 = vector.extract_strided_slice %transpose3A {offsets = [176, 0], sizes = [16, 640], strides = [1, 1]} : vector<256x640xf32> to vector<16x640xf32>
    %slice3A_138 = vector.extract_strided_slice %dot_general3A_9 {offsets = [80, 0], sizes = [16, 640], strides = [1, 1]} : vector<144x640xf32> to vector<16x640xf32>
    %mul3A_139 = arith.mulf %slice3A_137, %slice3A_138 : vector<16x640xf32>
    %slice3A_140 = vector.extract_strided_slice %transpose3A {offsets = [176, 0], sizes = [16, 640], strides = [1, 1]} : vector<256x640xf32> to vector<16x640xf32>
    %slice3A_141 = vector.extract_strided_slice %dot_general3A_9 {offsets = [96, 0], sizes = [16, 640], strides = [1, 1]} : vector<144x640xf32> to vector<16x640xf32>
    %mul3A_142 = arith.mulf %slice3A_140, %slice3A_141 : vector<16x640xf32>
    %slice3A_143 = vector.extract_strided_slice %transpose3A {offsets = [176, 0], sizes = [16, 640], strides = [1, 1]} : vector<256x640xf32> to vector<16x640xf32>
    %slice3A_144 = vector.extract_strided_slice %dot_general3A_9 {offsets = [128, 0], sizes = [16, 640], strides = [1, 1]} : vector<144x640xf32> to vector<16x640xf32>
    %mul3A_145 = arith.mulf %slice3A_143, %slice3A_144 : vector<16x640xf32>
    %slice3A_146 = vector.extract_strided_slice %transpose3A {offsets = [192, 0], sizes = [16, 640], strides = [1, 1]} : vector<256x640xf32> to vector<16x640xf32>
    %slice3A_147 = vector.extract_strided_slice %dot_general3A_9 {offsets = [80, 0], sizes = [16, 640], strides = [1, 1]} : vector<144x640xf32> to vector<16x640xf32>
    %mul3A_148 = arith.mulf %slice3A_146, %slice3A_147 : vector<16x640xf32>
    %slice3A_149 = vector.extract_strided_slice %transpose3A {offsets = [192, 0], sizes = [16, 640], strides = [1, 1]} : vector<256x640xf32> to vector<16x640xf32>
    %slice3A_150 = vector.extract_strided_slice %dot_general3A_9 {offsets = [96, 0], sizes = [16, 640], strides = [1, 1]} : vector<144x640xf32> to vector<16x640xf32>
    %mul3A_151 = arith.mulf %slice3A_149, %slice3A_150 : vector<16x640xf32>
    %slice3A_152 = vector.extract_strided_slice %transpose3A {offsets = [192, 0], sizes = [16, 640], strides = [1, 1]} : vector<256x640xf32> to vector<16x640xf32>
    %slice3A_153 = vector.extract_strided_slice %dot_general3A_9 {offsets = [112, 0], sizes = [16, 640], strides = [1, 1]} : vector<144x640xf32> to vector<16x640xf32>
    %mul3A_154 = arith.mulf %slice3A_152, %slice3A_153 : vector<16x640xf32>
    %slice3A_155 = vector.extract_strided_slice %transpose3A {offsets = [208, 0], sizes = [16, 640], strides = [1, 1]} : vector<256x640xf32> to vector<16x640xf32>
    %slice3A_156 = vector.extract_strided_slice %dot_general3A_9 {offsets = [64, 0], sizes = [16, 640], strides = [1, 1]} : vector<144x640xf32> to vector<16x640xf32>
    %mul3A_157 = arith.mulf %slice3A_155, %slice3A_156 : vector<16x640xf32>
    %slice3A_158 = vector.extract_strided_slice %transpose3A {offsets = [208, 0], sizes = [16, 640], strides = [1, 1]} : vector<256x640xf32> to vector<16x640xf32>
    %slice3A_159 = vector.extract_strided_slice %dot_general3A_9 {offsets = [96, 0], sizes = [16, 640], strides = [1, 1]} : vector<144x640xf32> to vector<16x640xf32>
    %mul3A_160 = arith.mulf %slice3A_158, %slice3A_159 : vector<16x640xf32>
    %slice3A_161 = vector.extract_strided_slice %transpose3A {offsets = [208, 0], sizes = [16, 640], strides = [1, 1]} : vector<256x640xf32> to vector<16x640xf32>
    %slice3A_162 = vector.extract_strided_slice %dot_general3A_9 {offsets = [112, 0], sizes = [16, 640], strides = [1, 1]} : vector<144x640xf32> to vector<16x640xf32>
    %mul3A_163 = arith.mulf %slice3A_161, %slice3A_162 : vector<16x640xf32>
    %slice3A_164 = vector.extract_strided_slice %transpose3A {offsets = [208, 0], sizes = [16, 640], strides = [1, 1]} : vector<256x640xf32> to vector<16x640xf32>
    %slice3A_165 = vector.extract_strided_slice %dot_general3A_9 {offsets = [128, 0], sizes = [16, 640], strides = [1, 1]} : vector<144x640xf32> to vector<16x640xf32>
    %mul3A_166 = arith.mulf %slice3A_164, %slice3A_165 : vector<16x640xf32>
    %slice3A_167 = vector.extract_strided_slice %transpose3A {offsets = [224, 0], sizes = [16, 640], strides = [1, 1]} : vector<256x640xf32> to vector<16x640xf32>
    %slice3A_168 = vector.extract_strided_slice %dot_general3A_9 {offsets = [80, 0], sizes = [16, 640], strides = [1, 1]} : vector<144x640xf32> to vector<16x640xf32>
    %mul3A_169 = arith.mulf %slice3A_167, %slice3A_168 : vector<16x640xf32>
    %slice3A_170 = vector.extract_strided_slice %transpose3A {offsets = [224, 0], sizes = [16, 640], strides = [1, 1]} : vector<256x640xf32> to vector<16x640xf32>
    %slice3A_171 = vector.extract_strided_slice %dot_general3A_9 {offsets = [112, 0], sizes = [16, 640], strides = [1, 1]} : vector<144x640xf32> to vector<16x640xf32>
    %mul3A_172 = arith.mulf %slice3A_170, %slice3A_171 : vector<16x640xf32>
    %slice3A_173 = vector.extract_strided_slice %transpose3A {offsets = [224, 0], sizes = [16, 640], strides = [1, 1]} : vector<256x640xf32> to vector<16x640xf32>
    %slice3A_174 = vector.extract_strided_slice %dot_general3A_9 {offsets = [128, 0], sizes = [16, 640], strides = [1, 1]} : vector<144x640xf32> to vector<16x640xf32>
    %mul3A_175 = arith.mulf %slice3A_173, %slice3A_174 : vector<16x640xf32>
    %slice3A_176 = vector.extract_strided_slice %transpose3A {offsets = [240, 0], sizes = [16, 640], strides = [1, 1]} : vector<256x640xf32> to vector<16x640xf32>
    %slice3A_177 = vector.extract_strided_slice %dot_general3A_9 {offsets = [64, 0], sizes = [16, 640], strides = [1, 1]} : vector<144x640xf32> to vector<16x640xf32>
    %mul3A_178 = arith.mulf %slice3A_176, %slice3A_177 : vector<16x640xf32>
    %slice3A_179 = vector.extract_strided_slice %transpose3A {offsets = [240, 0], sizes = [16, 640], strides = [1, 1]} : vector<256x640xf32> to vector<16x640xf32>
    %slice3A_180 = vector.extract_strided_slice %dot_general3A_9 {offsets = [128, 0], sizes = [16, 640], strides = [1, 1]} : vector<144x640xf32> to vector<16x640xf32>
    %mul3A_181 = arith.mulf %slice3A_179, %slice3A_180 : vector<16x640xf32>
    %slice3A_182 = vector.extract_strided_slice %transpose3A {offsets = [0, 0], sizes = [16, 640], strides = [1, 1]} : vector<256x640xf32> to vector<16x640xf32>
    %slice3A_183 = vector.extract_strided_slice %dot_general3A_9 {offsets = [64, 0], sizes = [16, 640], strides = [1, 1]} : vector<144x640xf32> to vector<16x640xf32>
    %mul3A_184 = arith.mulf %slice3A_182, %slice3A_183 : vector<16x640xf32>
    %slice3A_185 = vector.extract_strided_slice %transpose3A {offsets = [0, 0], sizes = [16, 640], strides = [1, 1]} : vector<256x640xf32> to vector<16x640xf32>
    %slice3A_186 = vector.extract_strided_slice %dot_general3A_9 {offsets = [80, 0], sizes = [16, 640], strides = [1, 1]} : vector<144x640xf32> to vector<16x640xf32>
    %mul3A_187 = arith.mulf %slice3A_185, %slice3A_186 : vector<16x640xf32>
    %slice3A_188 = vector.extract_strided_slice %transpose3A {offsets = [0, 0], sizes = [16, 640], strides = [1, 1]} : vector<256x640xf32> to vector<16x640xf32>
    %slice3A_189 = vector.extract_strided_slice %dot_general3A_9 {offsets = [96, 0], sizes = [16, 640], strides = [1, 1]} : vector<144x640xf32> to vector<16x640xf32>
    %mul3A_190 = arith.mulf %slice3A_188, %slice3A_189 : vector<16x640xf32>
    %slice3A_191 = vector.extract_strided_slice %transpose3A {offsets = [0, 0], sizes = [16, 640], strides = [1, 1]} : vector<256x640xf32> to vector<16x640xf32>
    %slice3A_192 = vector.extract_strided_slice %dot_general3A_9 {offsets = [112, 0], sizes = [16, 640], strides = [1, 1]} : vector<144x640xf32> to vector<16x640xf32>
    %mul3A_193 = arith.mulf %slice3A_191, %slice3A_192 : vector<16x640xf32>
    %slice3A_194 = vector.extract_strided_slice %transpose3A {offsets = [0, 0], sizes = [16, 640], strides = [1, 1]} : vector<256x640xf32> to vector<16x640xf32>
    %slice3A_195 = vector.extract_strided_slice %dot_general3A_9 {offsets = [128, 0], sizes = [16, 640], strides = [1, 1]} : vector<144x640xf32> to vector<16x640xf32>
    %mul3A_196 = arith.mulf %slice3A_194, %slice3A_195 : vector<16x640xf32>
    %slice3A_197 = vector.extract_strided_slice %transpose3A {offsets = [64, 0], sizes = [16, 640], strides = [1, 1]} : vector<256x640xf32> to vector<16x640xf32>
    %slice3A_198 = vector.extract_strided_slice %dot_general3A_9 {offsets = [0, 0], sizes = [16, 640], strides = [1, 1]} : vector<144x640xf32> to vector<16x640xf32>
    %mul3A_199 = arith.mulf %slice3A_197, %slice3A_198 : vector<16x640xf32>
    %slice3A_200 = vector.extract_strided_slice %transpose3A {offsets = [80, 0], sizes = [16, 640], strides = [1, 1]} : vector<256x640xf32> to vector<16x640xf32>
    %slice3A_201 = vector.extract_strided_slice %dot_general3A_9 {offsets = [0, 0], sizes = [16, 640], strides = [1, 1]} : vector<144x640xf32> to vector<16x640xf32>
    %mul3A_202 = arith.mulf %slice3A_200, %slice3A_201 : vector<16x640xf32>
    %slice3A_203 = vector.extract_strided_slice %transpose3A {offsets = [96, 0], sizes = [16, 640], strides = [1, 1]} : vector<256x640xf32> to vector<16x640xf32>
    %slice3A_204 = vector.extract_strided_slice %dot_general3A_9 {offsets = [0, 0], sizes = [16, 640], strides = [1, 1]} : vector<144x640xf32> to vector<16x640xf32>
    %mul3A_205 = arith.mulf %slice3A_203, %slice3A_204 : vector<16x640xf32>
    %slice3A_206 = vector.extract_strided_slice %transpose3A {offsets = [112, 0], sizes = [16, 640], strides = [1, 1]} : vector<256x640xf32> to vector<16x640xf32>
    %slice3A_207 = vector.extract_strided_slice %dot_general3A_9 {offsets = [0, 0], sizes = [16, 640], strides = [1, 1]} : vector<144x640xf32> to vector<16x640xf32>
    %mul3A_208 = arith.mulf %slice3A_206, %slice3A_207 : vector<16x640xf32>
    %slice3A_209 = vector.extract_strided_slice %transpose3A {offsets = [128, 0], sizes = [16, 640], strides = [1, 1]} : vector<256x640xf32> to vector<16x640xf32>
    %slice3A_210 = vector.extract_strided_slice %dot_general3A_9 {offsets = [0, 0], sizes = [16, 640], strides = [1, 1]} : vector<144x640xf32> to vector<16x640xf32>
    %mul3A_211 = arith.mulf %slice3A_209, %slice3A_210 : vector<16x640xf32>
    %slice3A_212 = vector.extract_strided_slice %transpose3A {offsets = [16, 0], sizes = [16, 640], strides = [1, 1]} : vector<256x640xf32> to vector<16x640xf32>
    %slice3A_213 = vector.extract_strided_slice %dot_general3A_9 {offsets = [32, 0], sizes = [16, 640], strides = [1, 1]} : vector<144x640xf32> to vector<16x640xf32>
    %mul3A_214 = arith.mulf %slice3A_212, %slice3A_213 : vector<16x640xf32>
    %slice3A_215 = vector.extract_strided_slice %transpose3A {offsets = [16, 0], sizes = [16, 640], strides = [1, 1]} : vector<256x640xf32> to vector<16x640xf32>
    %slice3A_216 = vector.extract_strided_slice %dot_general3A_9 {offsets = [48, 0], sizes = [16, 640], strides = [1, 1]} : vector<144x640xf32> to vector<16x640xf32>
    %mul3A_217 = arith.mulf %slice3A_215, %slice3A_216 : vector<16x640xf32>
    %slice3A_218 = vector.extract_strided_slice %transpose3A {offsets = [32, 0], sizes = [16, 640], strides = [1, 1]} : vector<256x640xf32> to vector<16x640xf32>
    %slice3A_219 = vector.extract_strided_slice %dot_general3A_9 {offsets = [16, 0], sizes = [16, 640], strides = [1, 1]} : vector<144x640xf32> to vector<16x640xf32>
    %mul3A_220 = arith.mulf %slice3A_218, %slice3A_219 : vector<16x640xf32>
    %slice3A_221 = vector.extract_strided_slice %transpose3A {offsets = [32, 0], sizes = [16, 640], strides = [1, 1]} : vector<256x640xf32> to vector<16x640xf32>
    %slice3A_222 = vector.extract_strided_slice %dot_general3A_9 {offsets = [48, 0], sizes = [16, 640], strides = [1, 1]} : vector<144x640xf32> to vector<16x640xf32>
    %mul3A_223 = arith.mulf %slice3A_221, %slice3A_222 : vector<16x640xf32>
    %slice3A_224 = vector.extract_strided_slice %transpose3A {offsets = [48, 0], sizes = [16, 640], strides = [1, 1]} : vector<256x640xf32> to vector<16x640xf32>
    %slice3A_225 = vector.extract_strided_slice %dot_general3A_9 {offsets = [16, 0], sizes = [16, 640], strides = [1, 1]} : vector<144x640xf32> to vector<16x640xf32>
    %mul3A_226 = arith.mulf %slice3A_224, %slice3A_225 : vector<16x640xf32>
    %slice3A_227 = vector.extract_strided_slice %transpose3A {offsets = [48, 0], sizes = [16, 640], strides = [1, 1]} : vector<256x640xf32> to vector<16x640xf32>
    %slice3A_228 = vector.extract_strided_slice %dot_general3A_9 {offsets = [32, 0], sizes = [16, 640], strides = [1, 1]} : vector<144x640xf32> to vector<16x640xf32>
    %mul3A_229 = arith.mulf %slice3A_227, %slice3A_228 : vector<16x640xf32>
    %slice3A_230 = vector.extract_strided_slice %transpose3A {offsets = [64, 0], sizes = [16, 640], strides = [1, 1]} : vector<256x640xf32> to vector<16x640xf32>
    %slice3A_231 = vector.extract_strided_slice %dot_general3A_9 {offsets = [80, 0], sizes = [16, 640], strides = [1, 1]} : vector<144x640xf32> to vector<16x640xf32>
    %mul3A_232 = arith.mulf %slice3A_230, %slice3A_231 : vector<16x640xf32>
    %slice3A_233 = vector.extract_strided_slice %transpose3A {offsets = [64, 0], sizes = [16, 640], strides = [1, 1]} : vector<256x640xf32> to vector<16x640xf32>
    %slice3A_234 = vector.extract_strided_slice %dot_general3A_9 {offsets = [96, 0], sizes = [16, 640], strides = [1, 1]} : vector<144x640xf32> to vector<16x640xf32>
    %mul3A_235 = arith.mulf %slice3A_233, %slice3A_234 : vector<16x640xf32>
    %slice3A_236 = vector.extract_strided_slice %transpose3A {offsets = [64, 0], sizes = [16, 640], strides = [1, 1]} : vector<256x640xf32> to vector<16x640xf32>
    %slice3A_237 = vector.extract_strided_slice %dot_general3A_9 {offsets = [112, 0], sizes = [16, 640], strides = [1, 1]} : vector<144x640xf32> to vector<16x640xf32>
    %mul3A_238 = arith.mulf %slice3A_236, %slice3A_237 : vector<16x640xf32>
    %slice3A_239 = vector.extract_strided_slice %transpose3A {offsets = [80, 0], sizes = [16, 640], strides = [1, 1]} : vector<256x640xf32> to vector<16x640xf32>
    %slice3A_240 = vector.extract_strided_slice %dot_general3A_9 {offsets = [64, 0], sizes = [16, 640], strides = [1, 1]} : vector<144x640xf32> to vector<16x640xf32>
    %mul3A_241 = arith.mulf %slice3A_239, %slice3A_240 : vector<16x640xf32>
    %slice3A_242 = vector.extract_strided_slice %transpose3A {offsets = [80, 0], sizes = [16, 640], strides = [1, 1]} : vector<256x640xf32> to vector<16x640xf32>
    %slice3A_243 = vector.extract_strided_slice %dot_general3A_9 {offsets = [96, 0], sizes = [16, 640], strides = [1, 1]} : vector<144x640xf32> to vector<16x640xf32>
    %mul3A_244 = arith.mulf %slice3A_242, %slice3A_243 : vector<16x640xf32>
    %slice3A_245 = vector.extract_strided_slice %transpose3A {offsets = [80, 0], sizes = [16, 640], strides = [1, 1]} : vector<256x640xf32> to vector<16x640xf32>
    %slice3A_246 = vector.extract_strided_slice %dot_general3A_9 {offsets = [112, 0], sizes = [16, 640], strides = [1, 1]} : vector<144x640xf32> to vector<16x640xf32>
    %mul3A_247 = arith.mulf %slice3A_245, %slice3A_246 : vector<16x640xf32>
    %slice3A_248 = vector.extract_strided_slice %transpose3A {offsets = [80, 0], sizes = [16, 640], strides = [1, 1]} : vector<256x640xf32> to vector<16x640xf32>
    %slice3A_249 = vector.extract_strided_slice %dot_general3A_9 {offsets = [128, 0], sizes = [16, 640], strides = [1, 1]} : vector<144x640xf32> to vector<16x640xf32>
    %mul3A_250 = arith.mulf %slice3A_248, %slice3A_249 : vector<16x640xf32>
    %slice3A_251 = vector.extract_strided_slice %transpose3A {offsets = [96, 0], sizes = [16, 640], strides = [1, 1]} : vector<256x640xf32> to vector<16x640xf32>
    %slice3A_252 = vector.extract_strided_slice %dot_general3A_9 {offsets = [64, 0], sizes = [16, 640], strides = [1, 1]} : vector<144x640xf32> to vector<16x640xf32>
    %mul3A_253 = arith.mulf %slice3A_251, %slice3A_252 : vector<16x640xf32>
    %slice3A_254 = vector.extract_strided_slice %transpose3A {offsets = [96, 0], sizes = [16, 640], strides = [1, 1]} : vector<256x640xf32> to vector<16x640xf32>
    %slice3A_255 = vector.extract_strided_slice %dot_general3A_9 {offsets = [80, 0], sizes = [16, 640], strides = [1, 1]} : vector<144x640xf32> to vector<16x640xf32>
    %mul3A_256 = arith.mulf %slice3A_254, %slice3A_255 : vector<16x640xf32>
    %slice3A_257 = vector.extract_strided_slice %transpose3A {offsets = [96, 0], sizes = [16, 640], strides = [1, 1]} : vector<256x640xf32> to vector<16x640xf32>
    %slice3A_258 = vector.extract_strided_slice %dot_general3A_9 {offsets = [112, 0], sizes = [16, 640], strides = [1, 1]} : vector<144x640xf32> to vector<16x640xf32>
    %mul3A_259 = arith.mulf %slice3A_257, %slice3A_258 : vector<16x640xf32>
    %slice3A_260 = vector.extract_strided_slice %transpose3A {offsets = [96, 0], sizes = [16, 640], strides = [1, 1]} : vector<256x640xf32> to vector<16x640xf32>
    %slice3A_261 = vector.extract_strided_slice %dot_general3A_9 {offsets = [128, 0], sizes = [16, 640], strides = [1, 1]} : vector<144x640xf32> to vector<16x640xf32>
    %mul3A_262 = arith.mulf %slice3A_260, %slice3A_261 : vector<16x640xf32>
    %slice3A_263 = vector.extract_strided_slice %transpose3A {offsets = [112, 0], sizes = [16, 640], strides = [1, 1]} : vector<256x640xf32> to vector<16x640xf32>
    %slice3A_264 = vector.extract_strided_slice %dot_general3A_9 {offsets = [64, 0], sizes = [16, 640], strides = [1, 1]} : vector<144x640xf32> to vector<16x640xf32>
    %mul3A_265 = arith.mulf %slice3A_263, %slice3A_264 : vector<16x640xf32>
    %slice3A_266 = vector.extract_strided_slice %transpose3A {offsets = [112, 0], sizes = [16, 640], strides = [1, 1]} : vector<256x640xf32> to vector<16x640xf32>
    %slice3A_267 = vector.extract_strided_slice %dot_general3A_9 {offsets = [80, 0], sizes = [16, 640], strides = [1, 1]} : vector<144x640xf32> to vector<16x640xf32>
    %mul3A_268 = arith.mulf %slice3A_266, %slice3A_267 : vector<16x640xf32>
    %slice3A_269 = vector.extract_strided_slice %transpose3A {offsets = [112, 0], sizes = [16, 640], strides = [1, 1]} : vector<256x640xf32> to vector<16x640xf32>
    %slice3A_270 = vector.extract_strided_slice %dot_general3A_9 {offsets = [96, 0], sizes = [16, 640], strides = [1, 1]} : vector<144x640xf32> to vector<16x640xf32>
    %mul3A_271 = arith.mulf %slice3A_269, %slice3A_270 : vector<16x640xf32>
    %slice3A_272 = vector.extract_strided_slice %transpose3A {offsets = [112, 0], sizes = [16, 640], strides = [1, 1]} : vector<256x640xf32> to vector<16x640xf32>
    %slice3A_273 = vector.extract_strided_slice %dot_general3A_9 {offsets = [128, 0], sizes = [16, 640], strides = [1, 1]} : vector<144x640xf32> to vector<16x640xf32>
    %mul3A_274 = arith.mulf %slice3A_272, %slice3A_273 : vector<16x640xf32>
    %slice3A_275 = vector.extract_strided_slice %transpose3A {offsets = [128, 0], sizes = [16, 640], strides = [1, 1]} : vector<256x640xf32> to vector<16x640xf32>
    %slice3A_276 = vector.extract_strided_slice %dot_general3A_9 {offsets = [80, 0], sizes = [16, 640], strides = [1, 1]} : vector<144x640xf32> to vector<16x640xf32>
    %mul3A_277 = arith.mulf %slice3A_275, %slice3A_276 : vector<16x640xf32>
    %slice3A_278 = vector.extract_strided_slice %transpose3A {offsets = [128, 0], sizes = [16, 640], strides = [1, 1]} : vector<256x640xf32> to vector<16x640xf32>
    %slice3A_279 = vector.extract_strided_slice %dot_general3A_9 {offsets = [96, 0], sizes = [16, 640], strides = [1, 1]} : vector<144x640xf32> to vector<16x640xf32>
    %mul3A_280 = arith.mulf %slice3A_278, %slice3A_279 : vector<16x640xf32>
    %slice3A_281 = vector.extract_strided_slice %transpose3A {offsets = [128, 0], sizes = [16, 640], strides = [1, 1]} : vector<256x640xf32> to vector<16x640xf32>
    %slice3A_282 = vector.extract_strided_slice %dot_general3A_9 {offsets = [112, 0], sizes = [16, 640], strides = [1, 1]} : vector<144x640xf32> to vector<16x640xf32>
    %mul3A_283 = arith.mulf %slice3A_281, %slice3A_282 : vector<16x640xf32>
    %slice3A_284 = vector.extract_strided_slice %transpose3A {offsets = [144, 0], sizes = [16, 640], strides = [1, 1]} : vector<256x640xf32> to vector<16x640xf32>
    %slice3A_285 = vector.extract_strided_slice %dot_general3A_9 {offsets = [16, 0], sizes = [16, 640], strides = [1, 1]} : vector<144x640xf32> to vector<16x640xf32>
    %mul3A_286 = arith.mulf %slice3A_284, %slice3A_285 : vector<16x640xf32>
    %slice3A_287 = vector.extract_strided_slice %transpose3A {offsets = [144, 0], sizes = [16, 640], strides = [1, 1]} : vector<256x640xf32> to vector<16x640xf32>
    %slice3A_288 = vector.extract_strided_slice %dot_general3A_9 {offsets = [48, 0], sizes = [16, 640], strides = [1, 1]} : vector<144x640xf32> to vector<16x640xf32>
    %mul3A_289 = arith.mulf %slice3A_287, %slice3A_288 : vector<16x640xf32>
    %slice3A_290 = vector.extract_strided_slice %transpose3A {offsets = [160, 0], sizes = [16, 640], strides = [1, 1]} : vector<256x640xf32> to vector<16x640xf32>
    %slice3A_291 = vector.extract_strided_slice %dot_general3A_9 {offsets = [16, 0], sizes = [16, 640], strides = [1, 1]} : vector<144x640xf32> to vector<16x640xf32>
    %mul3A_292 = arith.mulf %slice3A_290, %slice3A_291 : vector<16x640xf32>
    %slice3A_293 = vector.extract_strided_slice %transpose3A {offsets = [160, 0], sizes = [16, 640], strides = [1, 1]} : vector<256x640xf32> to vector<16x640xf32>
    %slice3A_294 = vector.extract_strided_slice %dot_general3A_9 {offsets = [32, 0], sizes = [16, 640], strides = [1, 1]} : vector<144x640xf32> to vector<16x640xf32>
    %mul3A_295 = arith.mulf %slice3A_293, %slice3A_294 : vector<16x640xf32>
    %slice3A_296 = vector.extract_strided_slice %transpose3A {offsets = [160, 0], sizes = [16, 640], strides = [1, 1]} : vector<256x640xf32> to vector<16x640xf32>
    %slice3A_297 = vector.extract_strided_slice %dot_general3A_9 {offsets = [48, 0], sizes = [16, 640], strides = [1, 1]} : vector<144x640xf32> to vector<16x640xf32>
    %mul3A_298 = arith.mulf %slice3A_296, %slice3A_297 : vector<16x640xf32>
    %slice3A_299 = vector.extract_strided_slice %transpose3A {offsets = [176, 0], sizes = [16, 640], strides = [1, 1]} : vector<256x640xf32> to vector<16x640xf32>
    %slice3A_300 = vector.extract_strided_slice %dot_general3A_9 {offsets = [16, 0], sizes = [16, 640], strides = [1, 1]} : vector<144x640xf32> to vector<16x640xf32>
    %mul3A_301 = arith.mulf %slice3A_299, %slice3A_300 : vector<16x640xf32>
    %slice3A_302 = vector.extract_strided_slice %transpose3A {offsets = [176, 0], sizes = [16, 640], strides = [1, 1]} : vector<256x640xf32> to vector<16x640xf32>
    %slice3A_303 = vector.extract_strided_slice %dot_general3A_9 {offsets = [32, 0], sizes = [16, 640], strides = [1, 1]} : vector<144x640xf32> to vector<16x640xf32>
    %mul3A_304 = arith.mulf %slice3A_302, %slice3A_303 : vector<16x640xf32>
    %slice3A_305 = vector.extract_strided_slice %transpose3A {offsets = [176, 0], sizes = [16, 640], strides = [1, 1]} : vector<256x640xf32> to vector<16x640xf32>
    %slice3A_306 = vector.extract_strided_slice %dot_general3A_9 {offsets = [48, 0], sizes = [16, 640], strides = [1, 1]} : vector<144x640xf32> to vector<16x640xf32>
    %mul3A_307 = arith.mulf %slice3A_305, %slice3A_306 : vector<16x640xf32>
    %slice3A_308 = vector.extract_strided_slice %transpose3A {offsets = [192, 0], sizes = [16, 640], strides = [1, 1]} : vector<256x640xf32> to vector<16x640xf32>
    %slice3A_309 = vector.extract_strided_slice %dot_general3A_9 {offsets = [16, 0], sizes = [16, 640], strides = [1, 1]} : vector<144x640xf32> to vector<16x640xf32>
    %mul3A_310 = arith.mulf %slice3A_308, %slice3A_309 : vector<16x640xf32>
    %slice3A_311 = vector.extract_strided_slice %transpose3A {offsets = [192, 0], sizes = [16, 640], strides = [1, 1]} : vector<256x640xf32> to vector<16x640xf32>
    %slice3A_312 = vector.extract_strided_slice %dot_general3A_9 {offsets = [32, 0], sizes = [16, 640], strides = [1, 1]} : vector<144x640xf32> to vector<16x640xf32>
    %mul3A_313 = arith.mulf %slice3A_311, %slice3A_312 : vector<16x640xf32>
    %slice3A_314 = vector.extract_strided_slice %transpose3A {offsets = [192, 0], sizes = [16, 640], strides = [1, 1]} : vector<256x640xf32> to vector<16x640xf32>
    %slice3A_315 = vector.extract_strided_slice %dot_general3A_9 {offsets = [48, 0], sizes = [16, 640], strides = [1, 1]} : vector<144x640xf32> to vector<16x640xf32>
    %mul3A_316 = arith.mulf %slice3A_314, %slice3A_315 : vector<16x640xf32>
    %slice3A_317 = vector.extract_strided_slice %transpose3A {offsets = [208, 0], sizes = [16, 640], strides = [1, 1]} : vector<256x640xf32> to vector<16x640xf32>
    %slice3A_318 = vector.extract_strided_slice %dot_general3A_9 {offsets = [16, 0], sizes = [16, 640], strides = [1, 1]} : vector<144x640xf32> to vector<16x640xf32>
    %mul3A_319 = arith.mulf %slice3A_317, %slice3A_318 : vector<16x640xf32>
    %slice3A_320 = vector.extract_strided_slice %transpose3A {offsets = [208, 0], sizes = [16, 640], strides = [1, 1]} : vector<256x640xf32> to vector<16x640xf32>
    %slice3A_321 = vector.extract_strided_slice %dot_general3A_9 {offsets = [32, 0], sizes = [16, 640], strides = [1, 1]} : vector<144x640xf32> to vector<16x640xf32>
    %mul3A_322 = arith.mulf %slice3A_320, %slice3A_321 : vector<16x640xf32>
    %slice3A_323 = vector.extract_strided_slice %transpose3A {offsets = [208, 0], sizes = [16, 640], strides = [1, 1]} : vector<256x640xf32> to vector<16x640xf32>
    %slice3A_324 = vector.extract_strided_slice %dot_general3A_9 {offsets = [48, 0], sizes = [16, 640], strides = [1, 1]} : vector<144x640xf32> to vector<16x640xf32>
    %mul3A_325 = arith.mulf %slice3A_323, %slice3A_324 : vector<16x640xf32>
    %slice3A_326 = vector.extract_strided_slice %transpose3A {offsets = [224, 0], sizes = [16, 640], strides = [1, 1]} : vector<256x640xf32> to vector<16x640xf32>
    %slice3A_327 = vector.extract_strided_slice %dot_general3A_9 {offsets = [16, 0], sizes = [16, 640], strides = [1, 1]} : vector<144x640xf32> to vector<16x640xf32>
    %mul3A_328 = arith.mulf %slice3A_326, %slice3A_327 : vector<16x640xf32>
    %slice3A_329 = vector.extract_strided_slice %transpose3A {offsets = [224, 0], sizes = [16, 640], strides = [1, 1]} : vector<256x640xf32> to vector<16x640xf32>
    %slice3A_330 = vector.extract_strided_slice %dot_general3A_9 {offsets = [32, 0], sizes = [16, 640], strides = [1, 1]} : vector<144x640xf32> to vector<16x640xf32>
    %mul3A_331 = arith.mulf %slice3A_329, %slice3A_330 : vector<16x640xf32>
    %slice3A_332 = vector.extract_strided_slice %transpose3A {offsets = [224, 0], sizes = [16, 640], strides = [1, 1]} : vector<256x640xf32> to vector<16x640xf32>
    %slice3A_333 = vector.extract_strided_slice %dot_general3A_9 {offsets = [48, 0], sizes = [16, 640], strides = [1, 1]} : vector<144x640xf32> to vector<16x640xf32>
    %mul3A_334 = arith.mulf %slice3A_332, %slice3A_333 : vector<16x640xf32>
    %slice3A_335 = vector.extract_strided_slice %transpose3A {offsets = [240, 0], sizes = [16, 640], strides = [1, 1]} : vector<256x640xf32> to vector<16x640xf32>
    %slice3A_336 = vector.extract_strided_slice %dot_general3A_9 {offsets = [16, 0], sizes = [16, 640], strides = [1, 1]} : vector<144x640xf32> to vector<16x640xf32>
    %mul3A_337 = arith.mulf %slice3A_335, %slice3A_336 : vector<16x640xf32>
    %slice3A_338 = vector.extract_strided_slice %transpose3A {offsets = [240, 0], sizes = [16, 640], strides = [1, 1]} : vector<256x640xf32> to vector<16x640xf32>
    %slice3A_339 = vector.extract_strided_slice %dot_general3A_9 {offsets = [48, 0], sizes = [16, 640], strides = [1, 1]} : vector<144x640xf32> to vector<16x640xf32>
    %mul3A_340 = arith.mulf %slice3A_338, %slice3A_339 : vector<16x640xf32>
    %mul3A_341 = arith.constant 1.000000e+00 : f32
    %mul3A_342 = vector.broadcast %mul3A_341 : f32 to vector<16x640xf32>
    %mul3A_343 = arith.mulf %mul3A_342, %mul3A : vector<16x640xf32>
    %mul3A_344 = arith.constant -0.577350259 : f32
    %mul3A_345 = vector.broadcast %mul3A_344 : f32 to vector<16x640xf32>
    %mul3A_346 = arith.mulf %mul3A_345, %mul3A_13 : vector<16x640xf32>
    %mul3A_347 = arith.constant -0.577350259 : f32
    %mul3A_348 = vector.broadcast %mul3A_347 : f32 to vector<16x640xf32>
    %mul3A_349 = arith.mulf %mul3A_348, %mul3A_16 : vector<16x640xf32>
    %add3A = arith.addf %mul3A_346, %mul3A_349 : vector<16x640xf32>
    %mul3A_350 = arith.constant -0.577350259 : f32
    %mul3A_351 = vector.broadcast %mul3A_350 : f32 to vector<16x640xf32>
    %mul3A_352 = arith.mulf %mul3A_351, %mul3A_19 : vector<16x640xf32>
    %add3A_353 = arith.addf %add3A, %mul3A_352 : vector<16x640xf32>
    %mul3A_354 = arith.constant 0.44721359 : f32
    %mul3A_355 = vector.broadcast %mul3A_354 : f32 to vector<16x640xf32>
    %mul3A_356 = arith.mulf %mul3A_355, %mul3A_22 : vector<16x640xf32>
    %mul3A_357 = arith.constant 0.44721359 : f32
    %mul3A_358 = vector.broadcast %mul3A_357 : f32 to vector<16x640xf32>
    %mul3A_359 = arith.mulf %mul3A_358, %mul3A_25 : vector<16x640xf32>
    %add3A_360 = arith.addf %mul3A_356, %mul3A_359 : vector<16x640xf32>
    %mul3A_361 = arith.constant 0.44721359 : f32
    %mul3A_362 = vector.broadcast %mul3A_361 : f32 to vector<16x640xf32>
    %mul3A_363 = arith.mulf %mul3A_362, %mul3A_28 : vector<16x640xf32>
    %add3A_364 = arith.addf %add3A_360, %mul3A_363 : vector<16x640xf32>
    %mul3A_365 = arith.constant 0.44721359 : f32
    %mul3A_366 = vector.broadcast %mul3A_365 : f32 to vector<16x640xf32>
    %mul3A_367 = arith.mulf %mul3A_366, %mul3A_31 : vector<16x640xf32>
    %add3A_368 = arith.addf %add3A_364, %mul3A_367 : vector<16x640xf32>
    %mul3A_369 = arith.constant 0.44721359 : f32
    %mul3A_370 = vector.broadcast %mul3A_369 : f32 to vector<16x640xf32>
    %mul3A_371 = arith.mulf %mul3A_370, %mul3A_34 : vector<16x640xf32>
    %add3A_372 = arith.addf %add3A_368, %mul3A_371 : vector<16x640xf32>
    %mul3A_373 = arith.constant 1.000000e+00 : f32
    %mul3A_374 = vector.broadcast %mul3A_373 : f32 to vector<16x640xf32>
    %mul3A_375 = arith.mulf %mul3A_374, %mul3A_37 : vector<16x640xf32>
    %mul3A_376 = arith.constant 1.000000e+00 : f32
    %mul3A_377 = vector.broadcast %mul3A_376 : f32 to vector<16x640xf32>
    %mul3A_378 = arith.mulf %mul3A_377, %mul3A_40 : vector<16x640xf32>
    %mul3A_379 = arith.constant 1.000000e+00 : f32
    %mul3A_380 = vector.broadcast %mul3A_379 : f32 to vector<16x640xf32>
    %mul3A_381 = arith.mulf %mul3A_380, %mul3A_43 : vector<16x640xf32>
    %mul3A_382 = arith.constant 1.000000e+00 : f32
    %mul3A_383 = vector.broadcast %mul3A_382 : f32 to vector<16x640xf32>
    %mul3A_384 = arith.mulf %mul3A_383, %mul3A_46 : vector<16x640xf32>
    %mul3A_385 = arith.constant 1.000000e+00 : f32
    %mul3A_386 = vector.broadcast %mul3A_385 : f32 to vector<16x640xf32>
    %mul3A_387 = arith.mulf %mul3A_386, %mul3A_49 : vector<16x640xf32>
    %mul3A_388 = arith.constant 1.000000e+00 : f32
    %mul3A_389 = vector.broadcast %mul3A_388 : f32 to vector<16x640xf32>
    %mul3A_390 = arith.mulf %mul3A_389, %mul3A_52 : vector<16x640xf32>
    %mul3A_391 = arith.constant -0.547722578 : f32
    %mul3A_392 = vector.broadcast %mul3A_391 : f32 to vector<16x640xf32>
    %mul3A_393 = arith.mulf %mul3A_392, %mul3A_55 : vector<16x640xf32>
    %mul3A_394 = arith.constant -0.547722578 : f32
    %mul3A_395 = vector.broadcast %mul3A_394 : f32 to vector<16x640xf32>
    %mul3A_396 = arith.mulf %mul3A_395, %mul3A_58 : vector<16x640xf32>
    %mul3A_397 = arith.constant 0.316227764 : f32
    %mul3A_398 = vector.broadcast %mul3A_397 : f32 to vector<16x640xf32>
    %mul3A_399 = arith.mulf %mul3A_398, %mul3A_61 : vector<16x640xf32>
    %mul3A_400 = arith.constant 0.547722578 : f32
    %mul3A_401 = vector.broadcast %mul3A_400 : f32 to vector<16x640xf32>
    %mul3A_402 = arith.mulf %mul3A_401, %mul3A_64 : vector<16x640xf32>
    %add3A_403 = arith.addf %mul3A_399, %mul3A_402 : vector<16x640xf32>
    %mul3A_404 = arith.constant -0.547722578 : f32
    %mul3A_405 = vector.broadcast %mul3A_404 : f32 to vector<16x640xf32>
    %mul3A_406 = arith.mulf %mul3A_405, %mul3A_67 : vector<16x640xf32>
    %add3A_407 = arith.addf %add3A_403, %mul3A_406 : vector<16x640xf32>
    %mul3A_408 = arith.constant -0.632455527 : f32
    %mul3A_409 = vector.broadcast %mul3A_408 : f32 to vector<16x640xf32>
    %mul3A_410 = arith.mulf %mul3A_409, %mul3A_70 : vector<16x640xf32>
    %add3A_411 = arith.addf %mul3A_396, %mul3A_410 : vector<16x640xf32>
    %mul3A_412 = arith.constant -0.547722578 : f32
    %mul3A_413 = vector.broadcast %mul3A_412 : f32 to vector<16x640xf32>
    %mul3A_414 = arith.mulf %mul3A_413, %mul3A_73 : vector<16x640xf32>
    %add3A_415 = arith.addf %mul3A_393, %mul3A_414 : vector<16x640xf32>
    %mul3A_416 = arith.constant -0.547722578 : f32
    %mul3A_417 = vector.broadcast %mul3A_416 : f32 to vector<16x640xf32>
    %mul3A_418 = arith.mulf %mul3A_417, %mul3A_76 : vector<16x640xf32>
    %add3A_419 = arith.addf %add3A_407, %mul3A_418 : vector<16x640xf32>
    %mul3A_420 = arith.constant 0.316227764 : f32
    %mul3A_421 = vector.broadcast %mul3A_420 : f32 to vector<16x640xf32>
    %mul3A_422 = arith.mulf %mul3A_421, %mul3A_79 : vector<16x640xf32>
    %add3A_423 = arith.addf %add3A_415, %mul3A_422 : vector<16x640xf32>
    %mul3A_424 = arith.constant -0.547722578 : f32
    %mul3A_425 = vector.broadcast %mul3A_424 : f32 to vector<16x640xf32>
    %mul3A_426 = arith.mulf %mul3A_425, %mul3A_82 : vector<16x640xf32>
    %add3A_427 = arith.addf %add3A_411, %mul3A_426 : vector<16x640xf32>
    %mul3A_428 = arith.constant -0.547722578 : f32
    %mul3A_429 = vector.broadcast %mul3A_428 : f32 to vector<16x640xf32>
    %mul3A_430 = arith.mulf %mul3A_429, %mul3A_85 : vector<16x640xf32>
    %add3A_431 = arith.addf %add3A_423, %mul3A_430 : vector<16x640xf32>
    %mul3A_432 = arith.constant -0.547722578 : f32
    %mul3A_433 = vector.broadcast %mul3A_432 : f32 to vector<16x640xf32>
    %mul3A_434 = arith.mulf %mul3A_433, %mul3A_88 : vector<16x640xf32>
    %mul3A_435 = arith.constant -0.547722578 : f32
    %mul3A_436 = vector.broadcast %mul3A_435 : f32 to vector<16x640xf32>
    %mul3A_437 = arith.mulf %mul3A_436, %mul3A_91 : vector<16x640xf32>
    %mul3A_438 = arith.constant -0.547722578 : f32
    %mul3A_439 = vector.broadcast %mul3A_438 : f32 to vector<16x640xf32>
    %mul3A_440 = arith.mulf %mul3A_439, %mul3A_94 : vector<16x640xf32>
    %mul3A_441 = arith.constant -0.547722578 : f32
    %mul3A_442 = vector.broadcast %mul3A_441 : f32 to vector<16x640xf32>
    %mul3A_443 = arith.mulf %mul3A_442, %mul3A_97 : vector<16x640xf32>
    %add3A_444 = arith.addf %mul3A_437, %mul3A_443 : vector<16x640xf32>
    %mul3A_445 = arith.constant 0.316227764 : f32
    %mul3A_446 = vector.broadcast %mul3A_445 : f32 to vector<16x640xf32>
    %mul3A_447 = arith.mulf %mul3A_446, %mul3A_100 : vector<16x640xf32>
    %add3A_448 = arith.addf %add3A_444, %mul3A_447 : vector<16x640xf32>
    %mul3A_449 = arith.constant -0.632455527 : f32
    %mul3A_450 = vector.broadcast %mul3A_449 : f32 to vector<16x640xf32>
    %mul3A_451 = arith.mulf %mul3A_450, %mul3A_103 : vector<16x640xf32>
    %add3A_452 = arith.addf %mul3A_440, %mul3A_451 : vector<16x640xf32>
    %mul3A_453 = arith.constant 0.316227764 : f32
    %mul3A_454 = vector.broadcast %mul3A_453 : f32 to vector<16x640xf32>
    %mul3A_455 = arith.mulf %mul3A_454, %mul3A_106 : vector<16x640xf32>
    %add3A_456 = arith.addf %mul3A_434, %mul3A_455 : vector<16x640xf32>
    %mul3A_457 = arith.constant -0.547722578 : f32
    %mul3A_458 = vector.broadcast %mul3A_457 : f32 to vector<16x640xf32>
    %mul3A_459 = arith.mulf %mul3A_458, %mul3A_109 : vector<16x640xf32>
    %add3A_460 = arith.addf %add3A_456, %mul3A_459 : vector<16x640xf32>
    %mul3A_461 = arith.constant -0.547722578 : f32
    %mul3A_462 = vector.broadcast %mul3A_461 : f32 to vector<16x640xf32>
    %mul3A_463 = arith.mulf %mul3A_462, %mul3A_112 : vector<16x640xf32>
    %add3A_464 = arith.addf %add3A_452, %mul3A_463 : vector<16x640xf32>
    %mul3A_465 = arith.constant 0.547722578 : f32
    %mul3A_466 = vector.broadcast %mul3A_465 : f32 to vector<16x640xf32>
    %mul3A_467 = arith.mulf %mul3A_466, %mul3A_115 : vector<16x640xf32>
    %add3A_468 = arith.addf %add3A_448, %mul3A_467 : vector<16x640xf32>
    %mul3A_469 = arith.constant -0.547722578 : f32
    %mul3A_470 = vector.broadcast %mul3A_469 : f32 to vector<16x640xf32>
    %mul3A_471 = arith.mulf %mul3A_470, %mul3A_118 : vector<16x640xf32>
    %add3A_472 = arith.addf %add3A_460, %mul3A_471 : vector<16x640xf32>
    %mul3A_473 = arith.constant 0.462910056 : f32
    %mul3A_474 = vector.broadcast %mul3A_473 : f32 to vector<16x640xf32>
    %mul3A_475 = arith.mulf %mul3A_474, %mul3A_121 : vector<16x640xf32>
    %mul3A_476 = arith.constant 0.462910056 : f32
    %mul3A_477 = vector.broadcast %mul3A_476 : f32 to vector<16x640xf32>
    %mul3A_478 = arith.mulf %mul3A_477, %mul3A_124 : vector<16x640xf32>
    %mul3A_479 = arith.constant 0.377964467 : f32
    %mul3A_480 = vector.broadcast %mul3A_479 : f32 to vector<16x640xf32>
    %mul3A_481 = arith.mulf %mul3A_480, %mul3A_127 : vector<16x640xf32>
    %mul3A_482 = arith.constant 0.377964467 : f32
    %mul3A_483 = vector.broadcast %mul3A_482 : f32 to vector<16x640xf32>
    %mul3A_484 = arith.mulf %mul3A_483, %mul3A_130 : vector<16x640xf32>
    %add3A_485 = arith.addf %mul3A_475, %mul3A_484 : vector<16x640xf32>
    %mul3A_486 = arith.constant 0.377964467 : f32
    %mul3A_487 = vector.broadcast %mul3A_486 : f32 to vector<16x640xf32>
    %mul3A_488 = arith.mulf %mul3A_487, %mul3A_133 : vector<16x640xf32>
    %add3A_489 = arith.addf %mul3A_478, %mul3A_488 : vector<16x640xf32>
    %mul3A_490 = arith.constant -0.119522862 : f32
    %mul3A_491 = vector.broadcast %mul3A_490 : f32 to vector<16x640xf32>
    %mul3A_492 = arith.mulf %mul3A_491, %mul3A_136 : vector<16x640xf32>
    %add3A_493 = arith.addf %add3A_485, %mul3A_492 : vector<16x640xf32>
    %mul3A_494 = arith.constant 0.478091449 : f32
    %mul3A_495 = vector.broadcast %mul3A_494 : f32 to vector<16x640xf32>
    %mul3A_496 = arith.mulf %mul3A_495, %mul3A_139 : vector<16x640xf32>
    %add3A_497 = arith.addf %mul3A_481, %mul3A_496 : vector<16x640xf32>
    %mul3A_498 = arith.constant 0.414039344 : f32
    %mul3A_499 = vector.broadcast %mul3A_498 : f32 to vector<16x640xf32>
    %mul3A_500 = arith.mulf %mul3A_499, %mul3A_142 : vector<16x640xf32>
    %add3A_501 = arith.addf %add3A_489, %mul3A_500 : vector<16x640xf32>
    %mul3A_502 = arith.constant 0.119522862 : f32
    %mul3A_503 = vector.broadcast %mul3A_502 : f32 to vector<16x640xf32>
    %mul3A_504 = arith.mulf %mul3A_503, %mul3A_145 : vector<16x640xf32>
    %add3A_505 = arith.addf %add3A_501, %mul3A_504 : vector<16x640xf32>
    %mul3A_506 = arith.constant -0.292770028 : f32
    %mul3A_507 = vector.broadcast %mul3A_506 : f32 to vector<16x640xf32>
    %mul3A_508 = arith.mulf %mul3A_507, %mul3A_148 : vector<16x640xf32>
    %add3A_509 = arith.addf %add3A_505, %mul3A_508 : vector<16x640xf32>
    %mul3A_510 = arith.constant 0.507092535 : f32
    %mul3A_511 = vector.broadcast %mul3A_510 : f32 to vector<16x640xf32>
    %mul3A_512 = arith.mulf %mul3A_511, %mul3A_151 : vector<16x640xf32>
    %add3A_513 = arith.addf %add3A_497, %mul3A_512 : vector<16x640xf32>
    %mul3A_514 = arith.constant -0.292770028 : f32
    %mul3A_515 = vector.broadcast %mul3A_514 : f32 to vector<16x640xf32>
    %mul3A_516 = arith.mulf %mul3A_515, %mul3A_154 : vector<16x640xf32>
    %add3A_517 = arith.addf %add3A_493, %mul3A_516 : vector<16x640xf32>
    %mul3A_518 = arith.constant -0.119522862 : f32
    %mul3A_519 = vector.broadcast %mul3A_518 : f32 to vector<16x640xf32>
    %mul3A_520 = arith.mulf %mul3A_519, %mul3A_157 : vector<16x640xf32>
    %add3A_521 = arith.addf %add3A_509, %mul3A_520 : vector<16x640xf32>
    %mul3A_522 = arith.constant 0.414039344 : f32
    %mul3A_523 = vector.broadcast %mul3A_522 : f32 to vector<16x640xf32>
    %mul3A_524 = arith.mulf %mul3A_523, %mul3A_160 : vector<16x640xf32>
    %add3A_525 = arith.addf %add3A_517, %mul3A_524 : vector<16x640xf32>
    %mul3A_526 = arith.constant 0.478091449 : f32
    %mul3A_527 = vector.broadcast %mul3A_526 : f32 to vector<16x640xf32>
    %mul3A_528 = arith.mulf %mul3A_527, %mul3A_163 : vector<16x640xf32>
    %add3A_529 = arith.addf %add3A_513, %mul3A_528 : vector<16x640xf32>
    %mul3A_530 = arith.constant -0.119522862 : f32
    %mul3A_531 = vector.broadcast %mul3A_530 : f32 to vector<16x640xf32>
    %mul3A_532 = arith.mulf %mul3A_531, %mul3A_166 : vector<16x640xf32>
    %add3A_533 = arith.addf %add3A_525, %mul3A_532 : vector<16x640xf32>
    %mul3A_534 = arith.constant -0.377964467 : f32
    %mul3A_535 = vector.broadcast %mul3A_534 : f32 to vector<16x640xf32>
    %mul3A_536 = arith.mulf %mul3A_535, %mul3A_169 : vector<16x640xf32>
    %add3A_537 = arith.addf %add3A_521, %mul3A_536 : vector<16x640xf32>
    %mul3A_538 = arith.constant 0.377964467 : f32
    %mul3A_539 = vector.broadcast %mul3A_538 : f32 to vector<16x640xf32>
    %mul3A_540 = arith.mulf %mul3A_539, %mul3A_172 : vector<16x640xf32>
    %add3A_541 = arith.addf %add3A_533, %mul3A_540 : vector<16x640xf32>
    %mul3A_542 = arith.constant 0.377964467 : f32
    %mul3A_543 = vector.broadcast %mul3A_542 : f32 to vector<16x640xf32>
    %mul3A_544 = arith.mulf %mul3A_543, %mul3A_175 : vector<16x640xf32>
    %add3A_545 = arith.addf %add3A_529, %mul3A_544 : vector<16x640xf32>
    %mul3A_546 = arith.constant -0.462910056 : f32
    %mul3A_547 = vector.broadcast %mul3A_546 : f32 to vector<16x640xf32>
    %mul3A_548 = arith.mulf %mul3A_547, %mul3A_178 : vector<16x640xf32>
    %add3A_549 = arith.addf %add3A_537, %mul3A_548 : vector<16x640xf32>
    %mul3A_550 = arith.constant 0.462910056 : f32
    %mul3A_551 = vector.broadcast %mul3A_550 : f32 to vector<16x640xf32>
    %mul3A_552 = arith.mulf %mul3A_551, %mul3A_181 : vector<16x640xf32>
    %add3A_553 = arith.addf %add3A_541, %mul3A_552 : vector<16x640xf32>
    %mul3A_554 = arith.constant 1.000000e+00 : f32
    %mul3A_555 = vector.broadcast %mul3A_554 : f32 to vector<16x640xf32>
    %mul3A_556 = arith.mulf %mul3A_555, %mul3A_184 : vector<16x640xf32>
    %mul3A_557 = arith.constant 1.000000e+00 : f32
    %mul3A_558 = vector.broadcast %mul3A_557 : f32 to vector<16x640xf32>
    %mul3A_559 = arith.mulf %mul3A_558, %mul3A_187 : vector<16x640xf32>
    %mul3A_560 = arith.constant 1.000000e+00 : f32
    %mul3A_561 = vector.broadcast %mul3A_560 : f32 to vector<16x640xf32>
    %mul3A_562 = arith.mulf %mul3A_561, %mul3A_190 : vector<16x640xf32>
    %mul3A_563 = arith.constant 1.000000e+00 : f32
    %mul3A_564 = vector.broadcast %mul3A_563 : f32 to vector<16x640xf32>
    %mul3A_565 = arith.mulf %mul3A_564, %mul3A_193 : vector<16x640xf32>
    %mul3A_566 = arith.constant 1.000000e+00 : f32
    %mul3A_567 = vector.broadcast %mul3A_566 : f32 to vector<16x640xf32>
    %mul3A_568 = arith.mulf %mul3A_567, %mul3A_196 : vector<16x640xf32>
    %mul3A_569 = arith.constant 1.000000e+00 : f32
    %mul3A_570 = vector.broadcast %mul3A_569 : f32 to vector<16x640xf32>
    %mul3A_571 = arith.mulf %mul3A_570, %mul3A_199 : vector<16x640xf32>
    %mul3A_572 = arith.constant 1.000000e+00 : f32
    %mul3A_573 = vector.broadcast %mul3A_572 : f32 to vector<16x640xf32>
    %mul3A_574 = arith.mulf %mul3A_573, %mul3A_202 : vector<16x640xf32>
    %mul3A_575 = arith.constant 1.000000e+00 : f32
    %mul3A_576 = vector.broadcast %mul3A_575 : f32 to vector<16x640xf32>
    %mul3A_577 = arith.mulf %mul3A_576, %mul3A_205 : vector<16x640xf32>
    %mul3A_578 = arith.constant 1.000000e+00 : f32
    %mul3A_579 = vector.broadcast %mul3A_578 : f32 to vector<16x640xf32>
    %mul3A_580 = arith.mulf %mul3A_579, %mul3A_208 : vector<16x640xf32>
    %mul3A_581 = arith.constant 1.000000e+00 : f32
    %mul3A_582 = vector.broadcast %mul3A_581 : f32 to vector<16x640xf32>
    %mul3A_583 = arith.mulf %mul3A_582, %mul3A_211 : vector<16x640xf32>
    %mul3A_584 = arith.constant -0.408248305 : f32
    %mul3A_585 = vector.broadcast %mul3A_584 : f32 to vector<16x640xf32>
    %mul3A_586 = arith.mulf %mul3A_585, %mul3A_13 : vector<16x640xf32>
    %mul3A_587 = arith.constant -0.707106769 : f32
    %mul3A_588 = vector.broadcast %mul3A_587 : f32 to vector<16x640xf32>
    %mul3A_589 = arith.mulf %mul3A_588, %mul3A_13 : vector<16x640xf32>
    %mul3A_590 = arith.constant 0.707106769 : f32
    %mul3A_591 = vector.broadcast %mul3A_590 : f32 to vector<16x640xf32>
    %mul3A_592 = arith.mulf %mul3A_591, %mul3A_214 : vector<16x640xf32>
    %mul3A_593 = arith.constant 0.707106769 : f32
    %mul3A_594 = vector.broadcast %mul3A_593 : f32 to vector<16x640xf32>
    %mul3A_595 = arith.mulf %mul3A_594, %mul3A_217 : vector<16x640xf32>
    %mul3A_596 = arith.constant 0.707106769 : f32
    %mul3A_597 = vector.broadcast %mul3A_596 : f32 to vector<16x640xf32>
    %mul3A_598 = arith.mulf %mul3A_597, %mul3A_220 : vector<16x640xf32>
    %add3A_599 = arith.addf %mul3A_592, %mul3A_598 : vector<16x640xf32>
    %mul3A_600 = arith.constant 0.816496611 : f32
    %mul3A_601 = vector.broadcast %mul3A_600 : f32 to vector<16x640xf32>
    %mul3A_602 = arith.mulf %mul3A_601, %mul3A_16 : vector<16x640xf32>
    %add3A_603 = arith.addf %mul3A_586, %mul3A_602 : vector<16x640xf32>
    %mul3A_604 = arith.constant 0.707106769 : f32
    %mul3A_605 = vector.broadcast %mul3A_604 : f32 to vector<16x640xf32>
    %mul3A_606 = arith.mulf %mul3A_605, %mul3A_223 : vector<16x640xf32>
    %mul3A_607 = arith.constant 0.707106769 : f32
    %mul3A_608 = vector.broadcast %mul3A_607 : f32 to vector<16x640xf32>
    %mul3A_609 = arith.mulf %mul3A_608, %mul3A_226 : vector<16x640xf32>
    %add3A_610 = arith.addf %mul3A_595, %mul3A_609 : vector<16x640xf32>
    %mul3A_611 = arith.constant 0.707106769 : f32
    %mul3A_612 = vector.broadcast %mul3A_611 : f32 to vector<16x640xf32>
    %mul3A_613 = arith.mulf %mul3A_612, %mul3A_229 : vector<16x640xf32>
    %add3A_614 = arith.addf %mul3A_606, %mul3A_613 : vector<16x640xf32>
    %mul3A_615 = arith.constant -0.408248305 : f32
    %mul3A_616 = vector.broadcast %mul3A_615 : f32 to vector<16x640xf32>
    %mul3A_617 = arith.mulf %mul3A_616, %mul3A_19 : vector<16x640xf32>
    %add3A_618 = arith.addf %add3A_603, %mul3A_617 : vector<16x640xf32>
    %mul3A_619 = arith.constant 0.707106769 : f32
    %mul3A_620 = vector.broadcast %mul3A_619 : f32 to vector<16x640xf32>
    %mul3A_621 = arith.mulf %mul3A_620, %mul3A_19 : vector<16x640xf32>
    %add3A_622 = arith.addf %mul3A_589, %mul3A_621 : vector<16x640xf32>
    %mul3A_623 = arith.constant 0.534522474 : f32
    %mul3A_624 = vector.broadcast %mul3A_623 : f32 to vector<16x640xf32>
    %mul3A_625 = arith.mulf %mul3A_624, %mul3A_22 : vector<16x640xf32>
    %mul3A_626 = arith.constant -0.462910056 : f32
    %mul3A_627 = vector.broadcast %mul3A_626 : f32 to vector<16x640xf32>
    %mul3A_628 = arith.mulf %mul3A_627, %mul3A_232 : vector<16x640xf32>
    %mul3A_629 = arith.constant 0.534522474 : f32
    %mul3A_630 = vector.broadcast %mul3A_629 : f32 to vector<16x640xf32>
    %mul3A_631 = arith.mulf %mul3A_630, %mul3A_235 : vector<16x640xf32>
    %mul3A_632 = arith.constant -0.462910056 : f32
    %mul3A_633 = vector.broadcast %mul3A_632 : f32 to vector<16x640xf32>
    %mul3A_634 = arith.mulf %mul3A_633, %mul3A_238 : vector<16x640xf32>
    %mul3A_635 = arith.constant -0.462910056 : f32
    %mul3A_636 = vector.broadcast %mul3A_635 : f32 to vector<16x640xf32>
    %mul3A_637 = arith.mulf %mul3A_636, %mul3A_241 : vector<16x640xf32>
    %add3A_638 = arith.addf %mul3A_628, %mul3A_637 : vector<16x640xf32>
    %mul3A_639 = arith.constant -0.267261237 : f32
    %mul3A_640 = vector.broadcast %mul3A_639 : f32 to vector<16x640xf32>
    %mul3A_641 = arith.mulf %mul3A_640, %mul3A_25 : vector<16x640xf32>
    %add3A_642 = arith.addf %mul3A_625, %mul3A_641 : vector<16x640xf32>
    %mul3A_643 = arith.constant 0.462910056 : f32
    %mul3A_644 = vector.broadcast %mul3A_643 : f32 to vector<16x640xf32>
    %mul3A_645 = arith.mulf %mul3A_644, %mul3A_25 : vector<16x640xf32>
    %mul3A_646 = arith.constant -0.267261237 : f32
    %mul3A_647 = vector.broadcast %mul3A_646 : f32 to vector<16x640xf32>
    %mul3A_648 = arith.mulf %mul3A_647, %mul3A_244 : vector<16x640xf32>
    %add3A_649 = arith.addf %mul3A_634, %mul3A_648 : vector<16x640xf32>
    %mul3A_650 = arith.constant -0.462910056 : f32
    %mul3A_651 = vector.broadcast %mul3A_650 : f32 to vector<16x640xf32>
    %mul3A_652 = arith.mulf %mul3A_651, %mul3A_247 : vector<16x640xf32>
    %add3A_653 = arith.addf %mul3A_631, %mul3A_652 : vector<16x640xf32>
    %mul3A_654 = arith.constant 0.462910056 : f32
    %mul3A_655 = vector.broadcast %mul3A_654 : f32 to vector<16x640xf32>
    %mul3A_656 = arith.mulf %mul3A_655, %mul3A_250 : vector<16x640xf32>
    %add3A_657 = arith.addf %add3A_649, %mul3A_656 : vector<16x640xf32>
    %mul3A_658 = arith.constant 0.534522474 : f32
    %mul3A_659 = vector.broadcast %mul3A_658 : f32 to vector<16x640xf32>
    %mul3A_660 = arith.mulf %mul3A_659, %mul3A_253 : vector<16x640xf32>
    %add3A_661 = arith.addf %add3A_653, %mul3A_660 : vector<16x640xf32>
    %mul3A_662 = arith.constant -0.267261237 : f32
    %mul3A_663 = vector.broadcast %mul3A_662 : f32 to vector<16x640xf32>
    %mul3A_664 = arith.mulf %mul3A_663, %mul3A_256 : vector<16x640xf32>
    %add3A_665 = arith.addf %add3A_657, %mul3A_664 : vector<16x640xf32>
    %mul3A_666 = arith.constant -0.534522474 : f32
    %mul3A_667 = vector.broadcast %mul3A_666 : f32 to vector<16x640xf32>
    %mul3A_668 = arith.mulf %mul3A_667, %mul3A_28 : vector<16x640xf32>
    %add3A_669 = arith.addf %add3A_642, %mul3A_668 : vector<16x640xf32>
    %mul3A_670 = arith.constant -0.267261237 : f32
    %mul3A_671 = vector.broadcast %mul3A_670 : f32 to vector<16x640xf32>
    %mul3A_672 = arith.mulf %mul3A_671, %mul3A_259 : vector<16x640xf32>
    %add3A_673 = arith.addf %add3A_638, %mul3A_672 : vector<16x640xf32>
    %mul3A_674 = arith.constant 0.534522474 : f32
    %mul3A_675 = vector.broadcast %mul3A_674 : f32 to vector<16x640xf32>
    %mul3A_676 = arith.mulf %mul3A_675, %mul3A_262 : vector<16x640xf32>
    %add3A_677 = arith.addf %mul3A_645, %mul3A_676 : vector<16x640xf32>
    %mul3A_678 = arith.constant -0.462910056 : f32
    %mul3A_679 = vector.broadcast %mul3A_678 : f32 to vector<16x640xf32>
    %mul3A_680 = arith.mulf %mul3A_679, %mul3A_265 : vector<16x640xf32>
    %add3A_681 = arith.addf %add3A_665, %mul3A_680 : vector<16x640xf32>
    %mul3A_682 = arith.constant -0.462910056 : f32
    %mul3A_683 = vector.broadcast %mul3A_682 : f32 to vector<16x640xf32>
    %mul3A_684 = arith.mulf %mul3A_683, %mul3A_268 : vector<16x640xf32>
    %add3A_685 = arith.addf %add3A_661, %mul3A_684 : vector<16x640xf32>
    %mul3A_686 = arith.constant -0.267261237 : f32
    %mul3A_687 = vector.broadcast %mul3A_686 : f32 to vector<16x640xf32>
    %mul3A_688 = arith.mulf %mul3A_687, %mul3A_271 : vector<16x640xf32>
    %add3A_689 = arith.addf %add3A_673, %mul3A_688 : vector<16x640xf32>
    %mul3A_690 = arith.constant -0.267261237 : f32
    %mul3A_691 = vector.broadcast %mul3A_690 : f32 to vector<16x640xf32>
    %mul3A_692 = arith.mulf %mul3A_691, %mul3A_31 : vector<16x640xf32>
    %add3A_693 = arith.addf %add3A_669, %mul3A_692 : vector<16x640xf32>
    %mul3A_694 = arith.constant -0.462910056 : f32
    %mul3A_695 = vector.broadcast %mul3A_694 : f32 to vector<16x640xf32>
    %mul3A_696 = arith.mulf %mul3A_695, %mul3A_31 : vector<16x640xf32>
    %add3A_697 = arith.addf %add3A_677, %mul3A_696 : vector<16x640xf32>
    %mul3A_698 = arith.constant -0.462910056 : f32
    %mul3A_699 = vector.broadcast %mul3A_698 : f32 to vector<16x640xf32>
    %mul3A_700 = arith.mulf %mul3A_699, %mul3A_274 : vector<16x640xf32>
    %add3A_701 = arith.addf %add3A_689, %mul3A_700 : vector<16x640xf32>
    %mul3A_702 = arith.constant 0.462910056 : f32
    %mul3A_703 = vector.broadcast %mul3A_702 : f32 to vector<16x640xf32>
    %mul3A_704 = arith.mulf %mul3A_703, %mul3A_277 : vector<16x640xf32>
    %add3A_705 = arith.addf %add3A_681, %mul3A_704 : vector<16x640xf32>
    %mul3A_706 = arith.constant 0.534522474 : f32
    %mul3A_707 = vector.broadcast %mul3A_706 : f32 to vector<16x640xf32>
    %mul3A_708 = arith.mulf %mul3A_707, %mul3A_280 : vector<16x640xf32>
    %add3A_709 = arith.addf %add3A_697, %mul3A_708 : vector<16x640xf32>
    %mul3A_710 = arith.constant -0.462910056 : f32
    %mul3A_711 = vector.broadcast %mul3A_710 : f32 to vector<16x640xf32>
    %mul3A_712 = arith.mulf %mul3A_711, %mul3A_283 : vector<16x640xf32>
    %add3A_713 = arith.addf %add3A_701, %mul3A_712 : vector<16x640xf32>
    %mul3A_714 = arith.constant 0.534522474 : f32
    %mul3A_715 = vector.broadcast %mul3A_714 : f32 to vector<16x640xf32>
    %mul3A_716 = arith.mulf %mul3A_715, %mul3A_34 : vector<16x640xf32>
    %add3A_717 = arith.addf %add3A_693, %mul3A_716 : vector<16x640xf32>
    %mul3A_718 = arith.constant -0.597614288 : f32
    %mul3A_719 = vector.broadcast %mul3A_718 : f32 to vector<16x640xf32>
    %mul3A_720 = arith.mulf %mul3A_719, %mul3A_286 : vector<16x640xf32>
    %mul3A_721 = arith.constant -0.597614288 : f32
    %mul3A_722 = vector.broadcast %mul3A_721 : f32 to vector<16x640xf32>
    %mul3A_723 = arith.mulf %mul3A_722, %mul3A_289 : vector<16x640xf32>
    %mul3A_724 = arith.constant -0.487950027 : f32
    %mul3A_725 = vector.broadcast %mul3A_724 : f32 to vector<16x640xf32>
    %mul3A_726 = arith.mulf %mul3A_725, %mul3A_292 : vector<16x640xf32>
    %mul3A_727 = arith.constant -0.487950027 : f32
    %mul3A_728 = vector.broadcast %mul3A_727 : f32 to vector<16x640xf32>
    %mul3A_729 = arith.mulf %mul3A_728, %mul3A_295 : vector<16x640xf32>
    %add3A_730 = arith.addf %mul3A_723, %mul3A_729 : vector<16x640xf32>
    %mul3A_731 = arith.constant -0.487950027 : f32
    %mul3A_732 = vector.broadcast %mul3A_731 : f32 to vector<16x640xf32>
    %mul3A_733 = arith.mulf %mul3A_732, %mul3A_298 : vector<16x640xf32>
    %mul3A_734 = arith.constant -0.534522474 : f32
    %mul3A_735 = vector.broadcast %mul3A_734 : f32 to vector<16x640xf32>
    %mul3A_736 = arith.mulf %mul3A_735, %mul3A_301 : vector<16x640xf32>
    %mul3A_737 = arith.constant -0.154303357 : f32
    %mul3A_738 = vector.broadcast %mul3A_737 : f32 to vector<16x640xf32>
    %mul3A_739 = arith.mulf %mul3A_738, %mul3A_301 : vector<16x640xf32>
    %add3A_740 = arith.addf %mul3A_720, %mul3A_739 : vector<16x640xf32>
    %mul3A_741 = arith.constant -0.617213428 : f32
    %mul3A_742 = vector.broadcast %mul3A_741 : f32 to vector<16x640xf32>
    %mul3A_743 = arith.mulf %mul3A_742, %mul3A_304 : vector<16x640xf32>
    %add3A_744 = arith.addf %mul3A_733, %mul3A_743 : vector<16x640xf32>
    %mul3A_745 = arith.constant 0.154303357 : f32
    %mul3A_746 = vector.broadcast %mul3A_745 : f32 to vector<16x640xf32>
    %mul3A_747 = arith.mulf %mul3A_746, %mul3A_307 : vector<16x640xf32>
    %add3A_748 = arith.addf %add3A_730, %mul3A_747 : vector<16x640xf32>
    %mul3A_749 = arith.constant 0.377964467 : f32
    %mul3A_750 = vector.broadcast %mul3A_749 : f32 to vector<16x640xf32>
    %mul3A_751 = arith.mulf %mul3A_750, %mul3A_310 : vector<16x640xf32>
    %add3A_752 = arith.addf %add3A_744, %mul3A_751 : vector<16x640xf32>
    %mul3A_753 = arith.constant -0.654653668 : f32
    %mul3A_754 = vector.broadcast %mul3A_753 : f32 to vector<16x640xf32>
    %mul3A_755 = arith.mulf %mul3A_754, %mul3A_313 : vector<16x640xf32>
    %add3A_756 = arith.addf %mul3A_736, %mul3A_755 : vector<16x640xf32>
    %mul3A_757 = arith.constant 0.377964467 : f32
    %mul3A_758 = vector.broadcast %mul3A_757 : f32 to vector<16x640xf32>
    %mul3A_759 = arith.mulf %mul3A_758, %mul3A_316 : vector<16x640xf32>
    %add3A_760 = arith.addf %mul3A_726, %mul3A_759 : vector<16x640xf32>
    %mul3A_761 = arith.constant 0.154303357 : f32
    %mul3A_762 = vector.broadcast %mul3A_761 : f32 to vector<16x640xf32>
    %mul3A_763 = arith.mulf %mul3A_762, %mul3A_319 : vector<16x640xf32>
    %add3A_764 = arith.addf %add3A_748, %mul3A_763 : vector<16x640xf32>
    %mul3A_765 = arith.constant -0.617213428 : f32
    %mul3A_766 = vector.broadcast %mul3A_765 : f32 to vector<16x640xf32>
    %mul3A_767 = arith.mulf %mul3A_766, %mul3A_322 : vector<16x640xf32>
    %add3A_768 = arith.addf %add3A_760, %mul3A_767 : vector<16x640xf32>
    %mul3A_769 = arith.constant -0.534522474 : f32
    %mul3A_770 = vector.broadcast %mul3A_769 : f32 to vector<16x640xf32>
    %mul3A_771 = arith.mulf %mul3A_770, %mul3A_325 : vector<16x640xf32>
    %add3A_772 = arith.addf %add3A_756, %mul3A_771 : vector<16x640xf32>
    %mul3A_773 = arith.constant 0.154303357 : f32
    %mul3A_774 = vector.broadcast %mul3A_773 : f32 to vector<16x640xf32>
    %mul3A_775 = arith.mulf %mul3A_774, %mul3A_325 : vector<16x640xf32>
    %add3A_776 = arith.addf %add3A_740, %mul3A_775 : vector<16x640xf32>
    %mul3A_777 = arith.constant 0.487950027 : f32
    %mul3A_778 = vector.broadcast %mul3A_777 : f32 to vector<16x640xf32>
    %mul3A_779 = arith.mulf %mul3A_778, %mul3A_328 : vector<16x640xf32>
    %add3A_780 = arith.addf %add3A_752, %mul3A_779 : vector<16x640xf32>
    %mul3A_781 = arith.constant -0.487950027 : f32
    %mul3A_782 = vector.broadcast %mul3A_781 : f32 to vector<16x640xf32>
    %mul3A_783 = arith.mulf %mul3A_782, %mul3A_331 : vector<16x640xf32>
    %add3A_784 = arith.addf %add3A_776, %mul3A_783 : vector<16x640xf32>
    %mul3A_785 = arith.constant -0.487950027 : f32
    %mul3A_786 = vector.broadcast %mul3A_785 : f32 to vector<16x640xf32>
    %mul3A_787 = arith.mulf %mul3A_786, %mul3A_334 : vector<16x640xf32>
    %add3A_788 = arith.addf %add3A_768, %mul3A_787 : vector<16x640xf32>
    %mul3A_789 = arith.constant 0.597614288 : f32
    %mul3A_790 = vector.broadcast %mul3A_789 : f32 to vector<16x640xf32>
    %mul3A_791 = arith.mulf %mul3A_790, %mul3A_337 : vector<16x640xf32>
    %add3A_792 = arith.addf %add3A_764, %mul3A_791 : vector<16x640xf32>
    %mul3A_793 = arith.constant -0.597614288 : f32
    %mul3A_794 = vector.broadcast %mul3A_793 : f32 to vector<16x640xf32>
    %mul3A_795 = arith.mulf %mul3A_794, %mul3A_340 : vector<16x640xf32>
    %add3A_796 = arith.addf %add3A_784, %mul3A_795 : vector<16x640xf32>
    %concatenate3A = tpu.concatenate %mul3A_343, %add3A_353, %add3A_372 in 0 : vector<16x640xf32>, vector<16x640xf32>, vector<16x640xf32> -> vector<48x640xf32>
    %get3A_797 = arith.constant 0 : index
    %get3A_798 = arith.constant 0 : index
    %get3A_799 = vector.load %arg1[%get3A_797, %get3A_798] : memref<640x128xf32, #tpu.memory_space<vmem>>, vector<640x128xf32>
    %transpose3A_800 = tpu.transpose %concatenate3A, [1, 0] : vector<48x640xf32> -> vector<640x48xf32>
    %concatenate3A_801 = tpu.concatenate %get3A_799, %transpose3A_800 in 1 : vector<640x128xf32>, vector<640x48xf32> -> vector<640x176xf32>
    %get3A_802 = arith.constant 0 : index
    %get3A_803 = arith.constant 0 : index
    %get3A_804 = vector.load %arg5[%get3A_802, %get3A_803] : memref<176x64xf32, #tpu.memory_space<vmem>>, vector<176x64xf32>
    %dot_general3A_805 = arith.constant dense<0.000000e+00> : vector<640x64xf32>
    %dot_general3A_806 = tpu.matmul %concatenate3A_801, %get3A_804, %dot_general3A_805 {dimension_numbers = #tpu.dot_dimension_numbers<[1], [0], [0], [1], [0, 0, 1, 1], [], []>, transpose_lhs_hint = false} : vector<640x176xf32>, vector<176x64xf32>, vector<640x64xf32> -> vector<640x64xf32>
    %neg3A = arith.constant 0.000000e+00 : f32
    %neg3A_807 = vector.broadcast %neg3A : f32 to vector<640x64xf32>
    %neg3A_808 = arith.subf %neg3A_807, %dot_general3A_806 : vector<640x64xf32>
    %exp3A = math.exp %neg3A_808 : vector<640x64xf32>
    %add3A_809 = arith.constant 1.000000e+00 : f32
    %add3A_810 = vector.broadcast %add3A_809 : f32 to vector<640x64xf32>
    %add3A_811 = arith.addf %add3A_810, %exp3A : vector<640x64xf32>
    %div3A = arith.divf %dot_general3A_806, %add3A_811 : vector<640x64xf32>
    %get3A_812 = arith.constant 0 : index
    %get3A_813 = arith.constant 0 : index
    %get3A_814 = vector.load %arg6[%get3A_812, %get3A_813] : memref<64x64xf32, #tpu.memory_space<vmem>>, vector<64x64xf32>
    %dot_general3A_815 = arith.constant dense<0.000000e+00> : vector<640x64xf32>
    %dot_general3A_816 = tpu.matmul %div3A, %get3A_814, %dot_general3A_815 {dimension_numbers = #tpu.dot_dimension_numbers<[1], [0], [0], [1], [0, 0, 1, 1], [], []>, transpose_lhs_hint = false} : vector<640x64xf32>, vector<64x64xf32>, vector<640x64xf32> -> vector<640x64xf32>
    %neg3A_817 = arith.constant 0.000000e+00 : f32
    %neg3A_818 = vector.broadcast %neg3A_817 : f32 to vector<640x64xf32>
    %neg3A_819 = arith.subf %neg3A_818, %dot_general3A_816 : vector<640x64xf32>
    %exp3A_820 = math.exp %neg3A_819 : vector<640x64xf32>
    %add3A_821 = arith.constant 1.000000e+00 : f32
    %add3A_822 = vector.broadcast %add3A_821 : f32 to vector<640x64xf32>
    %add3A_823 = arith.addf %add3A_822, %exp3A_820 : vector<640x64xf32>
    %div3A_824 = arith.divf %dot_general3A_816, %add3A_823 : vector<640x64xf32>
    %get3A_825 = arith.constant 0 : index
    %get3A_826 = arith.constant 0 : index
    %get3A_827 = vector.load %arg7[%get3A_825, %get3A_826] : memref<64x64xf32, #tpu.memory_space<vmem>>, vector<64x64xf32>
    %dot_general3A_828 = arith.constant dense<0.000000e+00> : vector<640x64xf32>
    %dot_general3A_829 = tpu.matmul %div3A_824, %get3A_827, %dot_general3A_828 {dimension_numbers = #tpu.dot_dimension_numbers<[1], [0], [0], [1], [0, 0, 1, 1], [], []>, transpose_lhs_hint = false} : vector<640x64xf32>, vector<64x64xf32>, vector<640x64xf32> -> vector<640x64xf32>
    %get3A_830 = arith.constant 0 : index
    %get3A_831 = arith.constant 0 : index
    %get3A_832 = vector.load %arg4[%get3A_830, %get3A_831] : memref<640x3xf32, #tpu.memory_space<vmem>>, vector<640x3xf32>
    %slice3A_833 = vector.extract_strided_slice %get3A_832 {offsets = [0, 0], sizes = [640, 1], strides = [1, 1]} : vector<640x3xf32> to vector<640x1xf32>
    %slice3A_834 = vector.extract_strided_slice %get3A_832 {offsets = [0, 1], sizes = [640, 1], strides = [1, 1]} : vector<640x3xf32> to vector<640x1xf32>
    %slice3A_835 = vector.extract_strided_slice %get3A_832 {offsets = [0, 2], sizes = [640, 1], strides = [1, 1]} : vector<640x3xf32> to vector<640x1xf32>
    %mul3A_836 = arith.mulf %slice3A_833, %slice3A_833 : vector<640x1xf32>
    %mul3A_837 = arith.mulf %slice3A_834, %slice3A_834 : vector<640x1xf32>
    %add3A_838 = arith.addf %mul3A_836, %mul3A_837 : vector<640x1xf32>
    %mul3A_839 = arith.mulf %slice3A_835, %slice3A_835 : vector<640x1xf32>
    %add3A_840 = arith.addf %add3A_838, %mul3A_839 : vector<640x1xf32>
    %sqrt3A = math.sqrt %add3A_840 : vector<640x1xf32>
    %mul3A_841 = arith.mulf %sqrt3A, %sqrt3A : vector<640x1xf32>
    %mul3A_842 = arith.mulf %mul3A_841, %mul3A_841 : vector<640x1xf32>
    %mul3A_843 = arith.mulf %mul3A_842, %mul3A_841 : vector<640x1xf32>
    %lt3A = arith.constant 1.000000e+00 : f32
    %lt3A_844 = vector.broadcast %lt3A : f32 to vector<640x1xf32>
    %lt3A_845 = arith.cmpf olt, %sqrt3A, %lt3A_844 : vector<640x1xf32>
    %mul3A_846 = arith.constant 2.800000e+01 : f32
    %mul3A_847 = vector.broadcast %mul3A_846 : f32 to vector<640x1xf32>
    %mul3A_848 = arith.mulf %mul3A_847, %mul3A_843 : vector<640x1xf32>
    %sub3A = arith.constant 1.000000e+00 : f32
    %sub3A_849 = vector.broadcast %sub3A : f32 to vector<640x1xf32>
    %sub3A_850 = arith.subf %sub3A_849, %mul3A_848 : vector<640x1xf32>
    %mul3A_851 = arith.constant 4.800000e+01 : f32
    %mul3A_852 = vector.broadcast %mul3A_851 : f32 to vector<640x1xf32>
    %mul3A_853 = arith.mulf %mul3A_852, %mul3A_843 : vector<640x1xf32>
    %mul3A_854 = arith.mulf %mul3A_853, %sqrt3A : vector<640x1xf32>
    %add3A_855 = arith.addf %sub3A_850, %mul3A_854 : vector<640x1xf32>
    %mul3A_856 = arith.constant 2.100000e+01 : f32
    %mul3A_857 = vector.broadcast %mul3A_856 : f32 to vector<640x1xf32>
    %mul3A_858 = arith.mulf %mul3A_857, %mul3A_843 : vector<640x1xf32>
    %mul3A_859 = arith.mulf %mul3A_858, %mul3A_841 : vector<640x1xf32>
    %sub3A_860 = arith.subf %add3A_855, %mul3A_859 : vector<640x1xf32>
    %jit3A = arith.constant 0.000000e+00 : f32
    %broadcast_in_dim3A = vector.broadcast %jit3A : f32 to vector<640x1xf32>
    %select_n3A = arith.select %lt3A_845, %sub3A_860, %broadcast_in_dim3A : vector<640x1xi1>, vector<640x1xf32>
    %mul3A_861 = vector.broadcast %select_n3A : vector<640x1xf32> to vector<640x64xf32>
    %mul3A_862 = arith.mulf %mul3A_861, %dot_general3A_829 : vector<640x64xf32>
    %swap3A = arith.constant 0 : index
    %swap3A_863 = arith.constant 0 : index
    %swap3A_864 = vector.load %arg11[%swap3A, %swap3A_863] : memref<640x64xf32, #tpu.memory_space<vmem>>, vector<640x64xf32>
    tpu.vector_store %arg11[%swap3A, %swap3A_863], %mul3A_862 {strides = array<i32>} : memref<640x64xf32, #tpu.memory_space<vmem>>, vector<640x64xf32>,
    %concatenate3A_865 = tpu.concatenate %mul3A_375, %mul3A_384, %add3A_419, %add3A_468, %add3A_549, %mul3A_378, %mul3A_387, %add3A_427, %add3A_464, %add3A_545, %mul3A_381, %mul3A_390, %add3A_431, %add3A_472, %add3A_553 in 0 : vector<16x640xf32>, vector<16x640xf32>, vector<16x640xf32>, vector<16x640xf32>, vector<16x640xf32>, vector<16x640xf32>, vector<16x640xf32>, vector<16x640xf32>, vector<16x640xf32>, vector<16x640xf32>, vector<16x640xf32>, vector<16x640xf32>, vector<16x640xf32>, vector<16x640xf32>, vector<16x640xf32> -> vector<240x640xf32>
    %concatenate3A_866 = tpu.concatenate %mul3A_556, %mul3A_571, %add3A_610, %add3A_685, %add3A_792, %mul3A_559, %mul3A_574, %add3A_599, %add3A_705, %add3A_780, %mul3A_562, %mul3A_577, %add3A_618, %add3A_717, %add3A_772, %mul3A_565, %mul3A_580, %add3A_614, %add3A_713, %add3A_788, %mul3A_568, %mul3A_583, %add3A_622, %add3A_709, %add3A_796 in 0 : vector<16x640xf32>, vector<16x640xf32>, vector<16x640xf32>, vector<16x640xf32>, vector<16x640xf32>, vector<16x640xf32>, vector<16x640xf32>, vector<16x640xf32>, vector<16x640xf32>, vector<16x640xf32>, vector<16x640xf32>, vector<16x640xf32>, vector<16x640xf32>, vector<16x640xf32>, vector<16x640xf32>, vector<16x640xf32>, vector<16x640xf32>, vector<16x640xf32>, vector<16x640xf32>, vector<16x640xf32>, vector<16x640xf32>, vector<16x640xf32>, vector<16x640xf32>, vector<16x640xf32>, vector<16x640xf32> -> vector<400x640xf32>
    %get3A_867 = arith.constant 0 : index
    %get3A_868 = arith.constant 0 : index
    %get3A_869 = vector.load %arg8[%get3A_867, %get3A_868] : memref<192x240xf32, #tpu.memory_space<vmem>>, vector<192x240xf32>
    %dot_general3A_870 = arith.constant dense<0.000000e+00> : vector<192x640xf32>
    %dot_general3A_871 = tpu.matmul %get3A_869, %concatenate3A_865, %dot_general3A_870 {dimension_numbers = #tpu.dot_dimension_numbers<[1], [0], [0], [1], [0, 0, 1, 1], [], []>, transpose_lhs_hint = false} : vector<192x240xf32>, vector<240x640xf32>, vector<192x640xf32> -> vector<192x640xf32>
    %get3A_872 = arith.constant 0 : index
    %get3A_873 = arith.constant 0 : index
    %get3A_874 = vector.load %arg9[%get3A_872, %get3A_873] : memref<320x400xf32, #tpu.memory_space<vmem>>, vector<320x400xf32>
    %dot_general3A_875 = arith.constant dense<0.000000e+00> : vector<320x640xf32>
    %dot_general3A_876 = tpu.matmul %get3A_874, %concatenate3A_866, %dot_general3A_875 {dimension_numbers = #tpu.dot_dimension_numbers<[1], [0], [0], [1], [0, 0, 1, 1], [], []>, transpose_lhs_hint = false} : vector<320x400xf32>, vector<400x640xf32>, vector<320x640xf32> -> vector<320x640xf32>
    %broadcast_in_dim3A_877 = arith.constant 0.000000e+00 : f32
    %broadcast_in_dim3A_878 = vector.broadcast %broadcast_in_dim3A_877 : f32 to vector<64x640xf32>
    %concatenate3A_879 = tpu.concatenate %broadcast_in_dim3A_878, %dot_general3A_871, %dot_general3A_876 in 0 : vector<64x640xf32>, vector<192x640xf32>, vector<320x640xf32> -> vector<576x640xf32>
    %transpose3A_880 = tpu.transpose %concatenate3A_879, [1, 0] : vector<576x640xf32> -> vector<640x576xf32>
    %swap3A_881 = arith.constant 0 : index
    %swap3A_882 = arith.constant 0 : index
    %swap3A_883 = vector.load %arg12[%swap3A_881, %swap3A_882] : memref<640x576xf32, #tpu.memory_space<vmem>>, vector<640x576xf32>
    tpu.vector_store %arg12[%swap3A_881, %swap3A_882], %transpose3A_880 {strides = array<i32>} : memref<640x576xf32, #tpu.memory_space<vmem>>, vector<640x576xf32>,
    return
  }
  func.func @transform_0(%arg0: i32) -> (i32, i32) {
    %c0_i32 = arith.constant 0 : i32
    %c0_i32_0 = arith.constant 0 : i32
    return %arg0, %c0_i32 : i32, i32
  }
  func.func @transform_1(%arg0: i32) -> (i32, i32) {
    %c0_i32 = arith.constant 0 : i32
    %c0_i32_0 = arith.constant 0 : i32
    return %arg0, %c0_i32 : i32, i32
  }
  func.func @transform_2(%arg0: i32) -> (i32, i32) {
    %c0_i32 = arith.constant 0 : i32
    %c0_i32_0 = arith.constant 0 : i32
    return %arg0, %c0_i32 : i32, i32
  }
  func.func @transform_3(%arg0: i32) -> (i32, i32) {
    %c0_i32 = arith.constant 0 : i32
    %c0_i32_0 = arith.constant 0 : i32
    return %arg0, %c0_i32 : i32, i32
  }
  func.func @transform_4(%arg0: i32) -> (i32, i32) {
    %c0_i32 = arith.constant 0 : i32
    %c0_i32_0 = arith.constant 0 : i32
    %c0_i32_1 = arith.constant 0 : i32
    return %c0_i32, %c0_i32_0 : i32, i32
  }
  func.func @transform_5(%arg0: i32) -> (i32, i32) {
    %c0_i32 = arith.constant 0 : i32
    %c0_i32_0 = arith.constant 0 : i32
    %c0_i32_1 = arith.constant 0 : i32
    return %c0_i32, %c0_i32_0 : i32, i32
  }
  func.func @transform_6(%arg0: i32) -> (i32, i32) {
    %c0_i32 = arith.constant 0 : i32
    %c0_i32_0 = arith.constant 0 : i32
    %c0_i32_1 = arith.constant 0 : i32
    return %c0_i32, %c0_i32_0 : i32, i32
  }
  func.func @transform_7(%arg0: i32) -> (i32, i32) {
    %c0_i32 = arith.constant 0 : i32
    %c0_i32_0 = arith.constant 0 : i32
    %c0_i32_1 = arith.constant 0 : i32
    return %c0_i32, %c0_i32_0 : i32, i32
  }
  func.func @transform_8(%arg0: i32) -> (i32, i32) {
    %c0_i32 = arith.constant 0 : i32
    %c0_i32_0 = arith.constant 0 : i32
    %c0_i32_1 = arith.constant 0 : i32
    return %c0_i32, %c0_i32_0 : i32, i32
  }
  func.func @transform_9(%arg0: i32) -> (i32, i32) {
    %c0_i32 = arith.constant 0 : i32
    %c0_i32_0 = arith.constant 0 : i32
    %c0_i32_1 = arith.constant 0 : i32
    return %c0_i32, %c0_i32_0 : i32, i32
  }
  func.func @transform_10(%arg0: i32) -> (i32, i32) {
    %c0_i32 = arith.constant 0 : i32
    %c0_i32_0 = arith.constant 0 : i32
    return %arg0, %c0_i32 : i32, i32
  }
  func.func @transform_11(%arg0: i32) -> (i32, i32) {
    %c0_i32 = arith.constant 0 : i32
    %c0_i32_0 = arith.constant 0 : i32
    return %arg0, %c0_i32 : i32, i32
  }
}

</mosaic_0001>

<sc_bundles>
// kernel: kernel.5.cloned.1.call-start
scs
__scs_entry_jumppad:
0x0: {  	(pc) =	sbr.rel $0x88, $3  }
0x1: {  	(tag) =	ssettag $0x0;
	lr =	simm.s32 $0x1  }
0x2: {  	[smem:$0x3F97] =	sst lr;
	_ =	strace $0xD0000000  }
0x3: {  	_ = 	snop  }
0x4: {  	_ = 	snop  }
0x5: {  	_ = 	snop  }
0x6: {  	_ = 	snop  }
0x7: {  	_ = 	snop  }
__scs_overlays_trampoline_lowered:
0x8: {  	[smem:$0x3FA6] =	sst s0  }
0x9: {  	[smem:$0x3FA7] =	sst s1  }
0xa: {  	[smem:$0x3FA8] =	sst s2  }
0xb: {  	[smem:$0x3FA9] =	sst s3  }
0xc: {  	[smem:$0x3FAA] =	sst s4  }
0xd: {  	[smem:$0x3FAB] =	sst s5  }
0xe: {  	[smem:$0x3FAC] =	sst s6  }
0xf: {  	[smem:$0x3FAD] =	sst s7  }
0x10: {  	[smem:$0x3FAE] =	sst s8  }
0x11: {  	[smem:$0x3FAF] =	sst s9;
	s0 =	simm.s32 @!p0 $0x0  }
0x12: {  	s1 =	sld [smem:$0x3F95];
	s0 =	simm.s32 @p0 $0x1  }
0x13: {  	[smem:$0x3FB0] =	sst s0;
	s0 =	simm.s32 @!p1 $0x0  }
0x14: {  	s2 =	sld [smem:$0x3F94];
	s0 =	simm.s32 @p1 $0x1  }
0x15: {  	[smem:$0x3FB1] =	sst s0;
	s0 =	simm.s32 @!p2 $0x0  }
0x16: {  	s3 =	sld [smem:$0x3FDB];
	s0 =	simm.s32 @p2 $0x1  }
0x17: {  	s4 =	simm.s32 $0x1BF5;
	[smem:$0x3FB3] =	sst s0  }
0x18: {  	s0 =	sld [smem:$0x3F96];
	_ =	swait.ge [sflag:s4], $0x0  }
0x19: {  	s7 =	sld [smem:$0x3F97]  }
0x1a: {  	s8 =	sadd.s32 $0xFFFFE003, lr  }
0x1b: {  	s9 =	sadd.s32 $0xFFFFFEF7, lr;
	s5 =	simm.s32 $0xFFFFFFFF;
	p2 =	slt.u32 s8, $0xFFFFF086  }
0x1c: {  	p1 =	slt.u32 s9, $0xF7A;
	s5 =	simm.s32 @!p2 $0x0  }
0x1d: {  	s5 =	simm.s32 @p1 $0x1;
	p0 =	seq.s32 s7, s2  }
0x1e: {  	s7 =	smul.u32 @!p0 $0xF7A, s2;
	p2 =	seq.s32 @!p0 s5, $0x0  }
0x1f: {  	s9 =	smul.u32 $0xF7A, s1;
	s8 =	simm.s32 @!p0 $0x1BF5;
	p2 =	por !p2, p0  }
0x20: {  	[sflag:s8] =	ssyncset.s32 @!p0 $0xFFFFF086;
	s6 =	sadd.s32 @!p0 s3, s7;
	s7 =	simm.s32 @!p0 $0x108  }
0x21: {  	s3 =	sadd.s32 s3, s9;
	s6 =	sadd.s32 @!p0 $0x88, s6;
	s7 =	simm.s32 @p2 $0x1082  }
0x22: {  	[simem:s7], [sflag:s8] =	dma.local @!p0 [hbm:s6], $0xF7A  }
0x23: {  	s9 =	sor.u32 $0xD0000000, s2;
	s6 =	simm.s32 $0x108;
	_ =	swait.ge @!p0 [sflag:s8], $0x0  }
0x24: {  	s3 =	sadd.s32 $0x88, s3;
	s6 =	simm.s32 @!p1 $0x1082;
	[sflag:s4] =	ssyncset.s32 $0xFFFFF086  }
0x25: {  	[simem:s6], [sflag:s4] =	dma.local [hbm:s3], $0xF7A  }
0x26: {  	[smem:$0x3F97] =	sst s1;
	(tag) =	ssettag s2;
	_ =	strace s9  }
0x27: {  	s1 =	sld [smem:$0x3FA7]  }
0x28: {  	s2 =	sld [smem:$0x3FA8]  }
0x29: {  	s4 =	sld [smem:$0x3FAA]  }
0x2a: {  	p0 =	seq.s32 s5, $0x0;
	s5 =	sld [smem:$0x3FAB]  }
0x2b: {  	s6 =	sld [smem:$0x3FAC]  }
0x2c: {  	s7 =	sld [smem:$0x3FAD]  }
0x2d: {  	s3 =	simm.s32 $0x108;
	s8 =	sld [smem:$0x3FAE]  }
0x2e: {  	s3 =	simm.s32 @!p0 $0x1082;
	s9 =	sld [smem:$0x3FAF]  }
0x2f: {  	lr =	sadd.s32 s0, s3;
	s0 =	sld [smem:$0x3FA6]  }
0x30: {  	s3 =	sld [smem:$0x3FA9]  }
0x31: {  	[smem:$0x3FB2] =	sst s10  }
0x32: {  	s10 =	sld [smem:$0x3FB0];
	_ =	sdelay $0x3  }
0x33: {  	p0 =	seq.s32 s10, $0x1;
	s10 =	sld [smem:$0x3FB2];
	_ =	sdelay $0x3  }
0x34: {  	[smem:$0x3FB2] =	sst s10  }
0x35: {  	s10 =	sld [smem:$0x3FB1];
	_ =	sdelay $0x3  }
0x36: {  	p1 =	seq.s32 s10, $0x1;
	s10 =	sld [smem:$0x3FB2];
	_ =	sdelay $0x3  }
0x37: {  	[smem:$0x3FB2] =	sst s10  }
0x38: {  	s10 =	sld [smem:$0x3FB3]  }
0x39: {  	_ = 	snop;
	(pc) =	sbr.ind lr, $3  }
0x3a: {  	_ = 	snop  }
0x3b: {  	_ = 	snop  }
0x3c: {  	p2 =	seq.s32 s10, $0x1;
	s10 =	sld [smem:$0x3FB2]  }
0x3d: {  	_ =	shalt  }
0x3e: {  	_ =	shalt  }
0x3f: {  	_ =	shalt  }
0x40: {  	_ =	shalt  }
0x41: {  	_ =	shalt  }
0x42: {  	_ =	shalt  }
0x43: {  	_ =	shalt  }
0x44: {  	_ =	shalt  }
0x45: {  	_ =	shalt  }
0x46: {  	_ =	shalt  }
0x47: {  	_ =	shalt  }
0x48: {  	_ =	shalt  }
0x49: {  	_ =	shalt  }
0x4a: {  	_ =	shalt  }
0x4b: {  	_ =	shalt  }
0x4c: {  	_ =	shalt  }
0x4d: {  	_ =	shalt  }
0x4e: {  	_ =	shalt  }
0x4f: {  	_ =	shalt  }
0x50: {  	_ =	shalt  }
0x51: {  	_ =	shalt  }
0x52: {  	_ =	shalt  }
0x53: {  	_ =	shalt  }
0x54: {  	_ =	shalt  }
0x55: {  	_ =	shalt  }
0x56: {  	_ =	shalt  }
0x57: {  	_ =	shalt  }
0x58: {  	_ =	shalt  }
0x59: {  	_ =	shalt  }
0x5a: {  	_ =	shalt  }
0x5b: {  	_ =	shalt  }
0x5c: {  	_ =	shalt  }
0x5d: {  	_ =	shalt  }
0x5e: {  	_ =	shalt  }
0x5f: {  	_ =	shalt  }
0x60: {  	_ =	shalt  }
0x61: {  	_ =	shalt  }
0x62: {  	_ =	shalt  }
0x63: {  	_ =	shalt  }
0x64: {  	_ =	shalt  }
0x65: {  	_ =	shalt  }
0x66: {  	_ =	shalt  }
0x67: {  	_ =	shalt  }
0x68: {  	_ =	shalt  }
0x69: {  	_ =	shalt  }
0x6a: {  	_ =	shalt  }
0x6b: {  	_ =	shalt  }
0x6c: {  	_ =	shalt  }
0x6d: {  	_ =	shalt  }
0x6e: {  	_ =	shalt  }
0x6f: {  	_ =	shalt  }
0x70: {  	_ =	shalt  }
0x71: {  	_ =	shalt  }
0x72: {  	_ =	shalt  }
0x73: {  	_ =	shalt  }
0x74: {  	_ =	shalt  }
0x75: {  	_ =	shalt  }
0x76: {  	_ =	shalt  }
0x77: {  	_ =	shalt  }
0x78: {  	_ =	shalt  }
0x79: {  	_ =	shalt  }
0x7a: {  	_ =	shalt  }
0x7b: {  	_ =	shalt  }
0x7c: {  	_ =	shalt  }
0x7d: {  	_ =	shalt  }
0x7e: {  	_ =	shalt  }
0x7f: {  	_ =	shalt  }
0x80: {  	_ =	shalt  }
0x81: {  	_ =	shalt  }
0x82: {  	_ =	shalt  }
0x83: {  	_ =	shalt  }
0x84: {  	_ =	shalt  }
0x85: {  	_ =	shalt  }
0x86: {  	_ =	shalt  }
0x87: {  	_ =	shalt  }
.Lfunc_end0:
.L_simem_size_0:
called_computation.1_lowered:
.L_overlay_start_0:
0x88: {  	s2 =	sld [smem:$0x3FD9]  }
0x89: {  	s3 =	sld [smem:$0x3FFE];
	_ =	sdelay $0x1  }
0x8a: {  	s1 =	srdreg.scid  }
0x8b: {  	s0 =	sand.u32 $0x1, s1  }
0x8c: {  	s14 =	sshll.u32 s0, $0xA;
	s2 =	sadd.s32 s3, s2  }
0x8d: {  	s2 =	sadd.s32 s2, s14  }
0x8e: {  	[smem:$0x3FBE] =	sst s2  }
0x8f: {  	_ = 	snop  }
0x90: {  	s2 =	sld [smem:$0x3FD0];
	_ =	sdelay $0x2  }
0x91: {  	s4 =	simm.s32 $0xA;
	s5 =	simm.s32 $0x10;
	s15 =	sld [smem:$0x3FC6]  }
0x92: {  	[smem:s5], [sflag:s4] =	dma.local [hbm:s2], $0x1  }
0x93: {  	_ =	swait.eq [sflag:s4], $0x1  }
0x94: {  	[sflag:s4] =	ssyncset.done $0x0  }
0x95: {  	[sflag:s4] =	ssyncadd.s32 $0xFFFFFFFF  }
0x96: {  	s16 =	sld [smem:$0x10];
	(tm) =	ssettm $0x1  }
0x97: {  	s17 =	sld [smem:$0x3FFB];
	_ =	sdelay $0x3  }
0x98: {  	_ =	strace s17  }
0x99: {  	s4 =	sld [smem:$0x3FFC];
	_ =	sdelay $0x3  }
0x9a: {  	_ =	strace s4  }
0x9b: {  	s4 =	sld [smem:$0x3FFD];
	_ =	sdelay $0x3  }
0x9c: {  	_ =	strace s4  }
0x9d: {  	_ =	strace $0x8FFFFFFF  }
0x9e: {  	s18 =	sld [smem:$0x3FDB];
	_ =	sdelay $0x1  }
0x9f: {  	s19 =	simm.s32 $_scs_section_size  }
0xa0: {  	s6 =	simm.s32 $_size__tile_overlayer_lowered;
	s7 =	simm.s32 $_tile_overlayer_lowered  }
0xa1: {  	s22 =	simm.s32 $0x1BFF;
	s21 =	sshll.u32 s7, $0x1;
	s4 =	sadd.s32 s19, s18  }
0xa2: {  	s8 =	simm.s32 $0x0;
	s20 =	sshll.u32 s6, $0x1;
	s6 =	sadd.s32 s21, s4  }
0xa3: {  	[timem:s8], [sflag:s22] =	dma.local [hbm:s6], s20  }
0xa4: {  	_ =	swait.ge [sflag:s22], s20  }
0xa5: {  	s5 =	ssub.s32 $0x0, s20;
	[sflag:s22] =	ssyncset.done $0x0  }
0xa6: {  	[sflag:s22] =	ssyncadd.s32 s5;
	_ =	sdelay $0x1  }
0xa7: {  	s23 =	simm.s32 $0x1B8B  }
0xa8: {  	_ =	swait.ge [sflag:s23], $0x1  }
0xa9: {  	[sflag:s23] =	ssyncset.done $0x0  }
0xaa: {  	s25 =	simm.s32 $0x1B8E;
	s24 =	sld [smem:$0x3FFE];
	[sflag:s23] =	ssyncadd.s32 $0xFFFFFFFF  }
0xab: {  	s26 =	simm.s32 $execute0_lowered;
	[smem:$0x3FD2] =	sst s25  }
0xac: {  	s6 =	sshll.u32 s26, $0x1;
	_ =	strace $0x80000049;
	[dreg:$0x1] =	wrdreg $0xFFFFFFFF  }
0xad: {  	s28 =	simm.s32 $_size_execute0_lowered;
	s4 =	sadd.s32 s4, s6;
	[dreg:$0x0] =	wrdreg $0x0  }
0xae: {  	s6 =	sshll.u32 s28, $0x1;
	[dreg:$0x2] =	wrdreg s4  }
0xaf: {  	[dreg:$0x3] =	wrdreg s6  }
0xb0: {  	[dreg:$0x4] =	wrdreg $0xC0  }
0xb1: {  	_ =	task [dreg:s8], $0x5FFFF  }
0xb2: {  	[dreg:$0x1] =	wrdreg $0xFFFFFFFF  }
0xb3: {  	[dreg:$0x0] =	wrdreg $0x60  }
0xb4: {  	[dreg:$0x2] =	wrdreg s16  }
0xb5: {  	[dreg:$0x3] =	wrdreg s15  }
0xb6: {  	[dreg:$0x4] =	wrdreg s24  }
0xb7: {  	[dreg:$0x5] =	wrdreg $0x9  }
0xb8: {  	_ =	task.clear_ibuf [dreg:s8], $0x6FFFF;
	_ =	strace $0x90000049  }
0xb9: {  	s29 =	simm.s32 $0x9;
	_ =	strace $0x8000004B  }
0xba: {  	_ =	swait.ge [sflag:s29], $0x1  }
0xbb: {  	[sflag:s29] =	ssyncadd.s32 $0xFFFFFFFF  }
0xbc: {  	_ =	strace $0x9000004B  }
0xbd: {  	_ =	sfence  }
0xbe: {  	s30 =	sld [smem:$0x0];
	_ =	sdelay $0x2  }
0xbf: {  	s31 =	sshll.u32 s1, $0xD;
	s1 =	sshrl.u32 s1, $0x2  }
0xc0: {  	s3 =	sand.u32 $0x4000, s31;
	s1 =	sadd.s32 s1, s30  }
0xc1: {  	s0 =	sor.u32 s3, s0;
	s1 =	sshll.u32 s1, $0x11  }
0xc2: {  	s0 =	sor.u32 s1, s0  }
0xc3: {  	s0 =	sadd.s32 $0x8F2B, s0  }
0xc4: {  	[sflag:s0] =	ssyncadd.remote.s32 $0x1  }
0xc5: {  	_ =	sfence.sel $0xFFFF  }
0xc6: {  	[dreg:$0x0] =	wrdreg $0xFFFFFFFF;
	(pc) =	sbr.abs _section_cstart, $3  }
0xc7: {  	[dreg:$0x1] =	wrdreg $0xFFFFFFFF  }
0xc8: {  	_ =	task.clear_ibuf [dreg:s8], $0x2FFFF;
	_ =	strace $0x9FFFFFFF  }
0xc9: {  	(tm) =	ssettm $0x7FFFFFFF  }
tec
execute0_lowered:
.L_overlay_start_1:
0x0: {  	(tag) =	ssettag $0x1  }
0x1: {  	s1 =	rddreg [dreg:$0x0]  }
0x2: {  	s7 =	rddreg [dreg:$0x1]  }
0x3: {  	s4 =	rddreg [dreg:$0x2];
	s2 =	srdreg.scid  }
0x4: {  	s0 =	rddreg [dreg:$0x3];
	s3 =	simm.s32 $0x0;
	s12 =	simm.s32 $0x1880  }
0x5: {  	s13 =	simm.s32 $0x2080;
	s14 =	simm.s32 $0x2880;
	s15 =	simm.s32 $0x3080  }
0x6: {  	s16 =	simm.s32 $0x3880;
	s17 =	simm.s32 $0x4080;
	s18 =	simm.s32 $0x4880  }
0x7: {  	s19 =	simm.s32 $0x5080;
	s20 =	simm.s32 $0x5880;
	s21 =	simm.s32 $0x6080  }
0x8: {  	s22 =	simm.s32 $0x6880;
	s23 =	simm.s32 $0x7080;
	s24 =	simm.s32 $0x7880  }
0x9: {  	s25 =	simm.s32 $0x1;
	s26 =	simm.s32 $0x0;
	s5 =	sand.u32 $0x1, s2  }
0xa: {  	[smem:$0x7FF] =	sst s3;
	s2 =	stileid.u32;
	s6 =	ssub.s32 $0x2, s5  }
0xb: {  	_ =	strace $0x8000004A;
	s8 =	sshll.u32 s2, $0xD;
	p0 =	seq.s32 s2, $0x0  }
0xc: {  	s29 =	sshll.u32 s2, $0x8;
	s10 =	sshll.u32 s5, $0x7;
	s11 =	sshll.u32 s5, $0xC  }
0xd: {  	s9 =	sshrl.u32 s6, $0x1;
	s8 =	sadd.s32 s8, s4;
	s4 =	simm.s32 $0x28  }
0xe: {  	s6 =	ssub.s32 s6, s9;
	s4 =	simm.s32 @!p0 $0x27;
	s9 =	sor.u32 s10, s29  }
0xf: {  	v2 =	vlaneseq.u32;
	s30 =	sadd.s32 s11, s8;
	s8 =	simm.s32 $0x2;
	s10 =	simm.s32 $0x880  }
0x10: {  	vm0 =	vmmov $0xffff;
	v1 =	vshrl.u32 v2, $0x3;
	s11 =	simm.s32 $0x1080;
	s5 =	smax.u32 s6, $0x1;
	s31 =	sshrl.u32 s9, $0x3  }
0x11: {  	v0 =	vand.u32 $0x7, v2;
	v2 =	vor.u32 $0x8, v2;
	v1 =	vmul.u32 $0x8, v1;
	s6 =	sadd.s32 $0x271E00, s30;
	s9 =	simm.s32 $0x80;
	s7 =	sadd.s32 s31, s7  }
.LBB2_1:
0x12: {  	s28 =	smov.u32 s7;
	s29 =	smov.u32 s6;
	s30 =	smov.u32 s4  }
.LBB2_2:
0x13: {  	[tilespmem:s3], [sflag:$0x2] =	stream.linear.gather [hbm4b:s28+s3], $0x80, $0x38;
	[tilespmem:$0x8080] =	vst v63  }
0x14: {  	_ =	swait.ge [sflag:s8], $0x80  }
0x15: {  	[sflag:s8] =	ssyncset.done $0x0  }
0x16: {  	[sflag:s8] =	ssyncadd.s32 $0xFFFFFF80  }
0x17: {  	v3 =	vld [tilespmem:$0x0];
	_ =	sdelay $0x4  }
0x18: {  	v4 =	vshll.u32 v3, $0x1  }
0x19: {  	v3 =	vand.u32 $0x7, v3;
	v4 =	vand.u32 $0xFFFFFFF0, v4  }
0x1a: {  	v3 =	vor.u32 v3, v4  }
0x1b: {  	v4 =	vperm.xlane v3, v0;
	_ =	sdelay $0x1  }
0x1c: {  	v3 =	vperm.xlane v3, v2;
	v4 =	vadd.s32 v1, v4;
	_ =	sdelay $0x1  }
0x1d: {  	v3 =	vadd.s32 v1, v3;
	_ =	sdelay $0x2  }
0x1e: {  	[tilespmem:s9], [sflag:$0x1] =	stream.indirect_vreg.gather [hbm4b:s1+s3], $0x80, v4, vm0, $0xb8;
	[tilespmem:$0x8080] =	vst v63  }
0x1f: {  	_ = 	snop  }
0x20: {  	[tilespmem:s10], [sflag:$0x1] =	stream.indirect_vreg.gather [hbm4b:s1+s3], $0x80, v3, vm0, $0xb8;
	[tilespmem:$0x8080] =	vst v63  }
0x21: {  	v3 =	vld [tilespmem:$0x10];
	_ =	sdelay $0x4  }
0x22: {  	v57 =	vshll.u32 v3, $0x1  }
0x23: {  	v3 =	vand.u32 $0x7, v3;
	v4 =	vand.u32 $0xFFFFFFF0, v57  }
0x24: {  	v3 =	vor.u32 v3, v4  }
0x25: {  	v4 =	vperm.xlane v3, v0;
	_ =	sdelay $0x1  }
0x26: {  	v3 =	vperm.xlane v3, v2;
	v4 =	vadd.s32 v1, v4;
	_ =	sdelay $0x1  }
0x27: {  	v3 =	vadd.s32 v1, v3;
	_ =	sdelay $0x2  }
0x28: {  	[tilespmem:s11], [sflag:$0x1] =	stream.indirect_vreg.gather [hbm4b:s1+s3], $0x80, v4, vm0, $0xb8;
	[tilespmem:$0x8080] =	vst v63  }
0x29: {  	_ = 	snop  }
0x2a: {  	[tilespmem:s12], [sflag:$0x1] =	stream.indirect_vreg.gather [hbm4b:s1+s3], $0x80, v3, vm0, $0xb8;
	[tilespmem:$0x8080] =	vst v63  }
0x2b: {  	v3 =	vld [tilespmem:$0x20];
	_ =	sdelay $0x4  }
0x2c: {  	v58 =	vshll.u32 v3, $0x1  }
0x2d: {  	v3 =	vand.u32 $0x7, v3;
	v4 =	vand.u32 $0xFFFFFFF0, v58  }
0x2e: {  	v3 =	vor.u32 v3, v4  }
0x2f: {  	v4 =	vperm.xlane v3, v0;
	_ =	sdelay $0x1  }
0x30: {  	v3 =	vperm.xlane v3, v2;
	v4 =	vadd.s32 v1, v4;
	_ =	sdelay $0x1  }
0x31: {  	v3 =	vadd.s32 v1, v3;
	_ =	sdelay $0x2  }
0x32: {  	[tilespmem:s13], [sflag:$0x1] =	stream.indirect_vreg.gather [hbm4b:s1+s3], $0x80, v4, vm0, $0xb8;
	[tilespmem:$0x8080] =	vst v63  }
0x33: {  	_ = 	snop  }
0x34: {  	[tilespmem:s14], [sflag:$0x1] =	stream.indirect_vreg.gather [hbm4b:s1+s3], $0x80, v3, vm0, $0xb8;
	[tilespmem:$0x8080] =	vst v63  }
0x35: {  	v3 =	vld [tilespmem:$0x30];
	_ =	sdelay $0x4  }
0x36: {  	v59 =	vshll.u32 v3, $0x1  }
0x37: {  	v3 =	vand.u32 $0x7, v3;
	v4 =	vand.u32 $0xFFFFFFF0, v59  }
0x38: {  	v3 =	vor.u32 v3, v4  }
0x39: {  	v4 =	vperm.xlane v3, v0;
	_ =	sdelay $0x1  }
0x3a: {  	v3 =	vperm.xlane v3, v2;
	v4 =	vadd.s32 v1, v4;
	_ =	sdelay $0x1  }
0x3b: {  	v3 =	vadd.s32 v1, v3;
	_ =	sdelay $0x2  }
0x3c: {  	[tilespmem:s15], [sflag:$0x1] =	stream.indirect_vreg.gather [hbm4b:s1+s3], $0x80, v4, vm0, $0xb8;
	[tilespmem:$0x8080] =	vst v63  }
0x3d: {  	_ = 	snop  }
0x3e: {  	[tilespmem:s16], [sflag:$0x1] =	stream.indirect_vreg.gather [hbm4b:s1+s3], $0x80, v3, vm0, $0xb8;
	[tilespmem:$0x8080] =	vst v63  }
0x3f: {  	v3 =	vld [tilespmem:$0x40];
	_ =	sdelay $0x4  }
0x40: {  	v60 =	vshll.u32 v3, $0x1  }
0x41: {  	v3 =	vand.u32 $0x7, v3;
	v4 =	vand.u32 $0xFFFFFFF0, v60  }
0x42: {  	v3 =	vor.u32 v3, v4  }
0x43: {  	v4 =	vperm.xlane v3, v0;
	_ =	sdelay $0x1  }
0x44: {  	v3 =	vperm.xlane v3, v2;
	v4 =	vadd.s32 v1, v4;
	_ =	sdelay $0x1  }
0x45: {  	v3 =	vadd.s32 v1, v3;
	_ =	sdelay $0x2  }
0x46: {  	[tilespmem:s17], [sflag:$0x1] =	stream.indirect_vreg.gather [hbm4b:s1+s3], $0x80, v4, vm0, $0xb8;
	[tilespmem:$0x8080] =	vst v63  }
0x47: {  	_ = 	snop  }
0x48: {  	[tilespmem:s18], [sflag:$0x1] =	stream.indirect_vreg.gather [hbm4b:s1+s3], $0x80, v3, vm0, $0xb8;
	[tilespmem:$0x8080] =	vst v63  }
0x49: {  	v3 =	vld [tilespmem:$0x50];
	_ =	sdelay $0x4  }
0x4a: {  	v61 =	vshll.u32 v3, $0x1  }
0x4b: {  	v3 =	vand.u32 $0x7, v3;
	v4 =	vand.u32 $0xFFFFFFF0, v61  }
0x4c: {  	v3 =	vor.u32 v3, v4  }
0x4d: {  	v4 =	vperm.xlane v3, v0;
	_ =	sdelay $0x1  }
0x4e: {  	v3 =	vperm.xlane v3, v2;
	v4 =	vadd.s32 v1, v4;
	_ =	sdelay $0x1  }
0x4f: {  	v3 =	vadd.s32 v1, v3;
	_ =	sdelay $0x2  }
0x50: {  	[tilespmem:s19], [sflag:$0x1] =	stream.indirect_vreg.gather [hbm4b:s1+s3], $0x80, v4, vm0, $0xb8;
	[tilespmem:$0x8080] =	vst v63  }
0x51: {  	_ = 	snop  }
0x52: {  	[tilespmem:s20], [sflag:$0x1] =	stream.indirect_vreg.gather [hbm4b:s1+s3], $0x80, v3, vm0, $0xb8;
	[tilespmem:$0x8080] =	vst v63  }
0x53: {  	v3 =	vld [tilespmem:$0x60];
	_ =	sdelay $0x4  }
0x54: {  	v62 =	vshll.u32 v3, $0x1  }
0x55: {  	v3 =	vand.u32 $0x7, v3;
	v4 =	vand.u32 $0xFFFFFFF0, v62  }
0x56: {  	v3 =	vor.u32 v3, v4  }
0x57: {  	v4 =	vperm.xlane v3, v0;
	_ =	sdelay $0x1  }
0x58: {  	v3 =	vperm.xlane v3, v2;
	v4 =	vadd.s32 v1, v4;
	_ =	sdelay $0x1  }
0x59: {  	v3 =	vadd.s32 v1, v3;
	_ =	sdelay $0x2  }
0x5a: {  	[tilespmem:s21], [sflag:$0x1] =	stream.indirect_vreg.gather [hbm4b:s1+s3], $0x80, v4, vm0, $0xb8;
	[tilespmem:$0x8080] =	vst v63  }
0x5b: {  	_ = 	snop  }
0x5c: {  	[tilespmem:s22], [sflag:$0x1] =	stream.indirect_vreg.gather [hbm4b:s1+s3], $0x80, v3, vm0, $0xb8;
	[tilespmem:$0x8080] =	vst v63  }
0x5d: {  	v3 =	vld [tilespmem:$0x70];
	_ =	sdelay $0x4  }
0x5e: {  	v63 =	vshll.u32 v3, $0x1  }
0x5f: {  	v3 =	vand.u32 $0x7, v3;
	v4 =	vand.u32 $0xFFFFFFF0, v63  }
0x60: {  	v3 =	vor.u32 v3, v4  }
0x61: {  	v4 =	vperm.xlane v3, v0;
	_ =	sdelay $0x1  }
0x62: {  	v3 =	vperm.xlane v3, v2;
	v4 =	vadd.s32 v1, v4;
	_ =	sdelay $0x1  }
0x63: {  	v3 =	vadd.s32 v1, v3;
	_ =	sdelay $0x2  }
0x64: {  	[tilespmem:s23], [sflag:$0x1] =	stream.indirect_vreg.gather [hbm4b:s1+s3], $0x80, v4, vm0, $0xb8;
	[tilespmem:$0x8080] =	vst v63  }
0x65: {  	_ = 	snop  }
0x66: {  	[tilespmem:s24], [sflag:$0x1] =	stream.indirect_vreg.gather [hbm4b:s1+s3], $0x80, v3, vm0, $0xb8;
	[tilespmem:$0x8080] =	vst v63  }
0x67: {  	_ =	swait.ge [sflag:s25], $0x8000  }
0x68: {  	p0 =	sne.s32 s30, $0x1;
	[sflag:s25] =	ssyncset.done $0x0  }
.Ltmp0:
0x69: {  	[sflag:s25] =	ssyncadd.s32 $0xFFFF8000;
	(pc) =	sbr.rel @p0 .LBB2_2-.Ltmp0, $4  }
0x6a: {  	[hbm4b:s29+s3] =	stream.linear.scatter [tilespmem:s9], [sflag:$0x2], $0x8000, $0x38;
	[tilespmem:$0x8080] =	vst v63  }
0x6b: {  	_ =	swait.ge [sflag:s8], $0x8000  }
0x6c: {  	s28 =	sadd.s32 $0x200, s28;
	[sflag:s8] =	ssyncset.done $0x0  }
0x6d: {  	s30 =	sadd.s32 $0xFFFFFFFF, s30;
	s29 =	sadd.s32 $0x20000, s29;
	[sflag:s8] =	ssyncadd.s32 $0xFFFF8000  }
0x6e: {  	s26 =	sadd.s32 $0x1, s26  }
0x6f: {  	p0 =	sne.s32 s26, s5  }
.Ltmp1:
0x70: {  	_ = 	snop;
	(pc) =	sbr.rel @p0 .LBB2_1-.Ltmp1, $1  }
0x71: {  	_ =	sdelay $0x3  }
0x72: {  	_ =	sfence.sel $0x180000  }
0x73: {  	[bflag:$0x0] =	sbarrier.arrive $0xFFFF  }
0x74: {  	p0 =	sne.s32 s2, $0x0;
	_ =	strace $0x9000004A  }
0x75: {  	s0 =	sadd.s32 @!p0 $0x100000, s0;
	[bflag:$0x2] =	sbarrier.arrive $0xFFFF  }
0x76: {  	[sflag:s0] =	ssyncadd.tile.s32 @!p0 $0x1;
	_ =	shalt  }
.Lfunc_end2:
_tile_overlayer_lowered:
.L_overlay_start_2:
0x77: {  	(tag) =	ssettag $0x2  }
0x78: {  	s0 =	rddreg [dreg:$0x0];
	s2 =	stileid.u32  }
0x79: {  	s1 =	rddreg [dreg:$0x1];
	p0 =	sne.s32 s2, $0x0  }
0x7a: {  	s3 =	rddreg [dreg:$0x2];
	[bflag:$0x3] =	sbarrier.arrive $0xFFFF;
	s2 =	simm.s32 @!p0 $0x1C02  }
0x7b: {  	[timem:s3], [sflag:s2] =	dma.local @!p0 [hbm:s0], s1  }
0x7c: {  	s0 =	simm.s32 @!p0 $0x2  }
0x7d: {  	_ =	swait.ge @!p0 [sflag:s0], s1  }
0x7e: {  	s1 =	ssub.s32 @!p0 $0x0, s1;
	[sflag:s0] =	ssyncset.done @!p0 $0x0  }
0x7f: {  	[sflag:s0] =	ssyncadd.s32 @!p0 s1  }
0x80: {  	[bflag:$0x3] =	sbarrier.arrive $0xFFFF  }
0x81: {  	_ =	shalt  }

// kernel: scatter_offload_async_start
scs
__scs_entry_jumppad:
0x0: {  	(pc) =	sbr.rel $0x88, $3  }
0x1: {  	(tag) =	ssettag $0x0;
	lr =	simm.s32 $0x1  }
0x2: {  	[smem:$0x3F97] =	sst lr;
	_ =	strace $0xD0000000  }
0x3: {  	_ = 	snop  }
0x4: {  	_ = 	snop  }
0x5: {  	_ = 	snop  }
0x6: {  	_ = 	snop  }
0x7: {  	_ = 	snop  }
__scs_overlays_trampoline_lowered:
0x8: {  	[smem:$0x3FA6] =	sst s0  }
0x9: {  	[smem:$0x3FA7] =	sst s1  }
0xa: {  	[smem:$0x3FA8] =	sst s2  }
0xb: {  	[smem:$0x3FA9] =	sst s3  }
0xc: {  	[smem:$0x3FAA] =	sst s4  }
0xd: {  	[smem:$0x3FAB] =	sst s5  }
0xe: {  	[smem:$0x3FAC] =	sst s6  }
0xf: {  	[smem:$0x3FAD] =	sst s7  }
0x10: {  	[smem:$0x3FAE] =	sst s8  }
0x11: {  	[smem:$0x3FAF] =	sst s9;
	s0 =	simm.s32 @!p0 $0x0  }
0x12: {  	s1 =	sld [smem:$0x3F95];
	s0 =	simm.s32 @p0 $0x1  }
0x13: {  	[smem:$0x3FB0] =	sst s0;
	s0 =	simm.s32 @!p1 $0x0  }
0x14: {  	s2 =	sld [smem:$0x3F94];
	s0 =	simm.s32 @p1 $0x1  }
0x15: {  	[smem:$0x3FB1] =	sst s0;
	s0 =	simm.s32 @!p2 $0x0  }
0x16: {  	s3 =	sld [smem:$0x3FDB];
	s0 =	simm.s32 @p2 $0x1  }
0x17: {  	s4 =	simm.s32 $0x1BF5;
	[smem:$0x3FB3] =	sst s0  }
0x18: {  	s0 =	sld [smem:$0x3F96];
	_ =	swait.ge [sflag:s4], $0x0  }
0x19: {  	s7 =	sld [smem:$0x3F97]  }
0x1a: {  	s8 =	sadd.s32 $0xFFFFE003, lr  }
0x1b: {  	s9 =	sadd.s32 $0xFFFFFEF7, lr;
	s5 =	simm.s32 $0xFFFFFFFF;
	p2 =	slt.u32 s8, $0xFFFFF086  }
0x1c: {  	p1 =	slt.u32 s9, $0xF7A;
	s5 =	simm.s32 @!p2 $0x0  }
0x1d: {  	s5 =	simm.s32 @p1 $0x1;
	p0 =	seq.s32 s7, s2  }
0x1e: {  	s7 =	smul.u32 @!p0 $0xF7A, s2;
	p2 =	seq.s32 @!p0 s5, $0x0  }
0x1f: {  	s9 =	smul.u32 $0xF7A, s1;
	s8 =	simm.s32 @!p0 $0x1BF5;
	p2 =	por !p2, p0  }
0x20: {  	[sflag:s8] =	ssyncset.s32 @!p0 $0xFFFFF086;
	s6 =	sadd.s32 @!p0 s3, s7;
	s7 =	simm.s32 @!p0 $0x108  }
0x21: {  	s3 =	sadd.s32 s3, s9;
	s6 =	sadd.s32 @!p0 $0x88, s6;
	s7 =	simm.s32 @p2 $0x1082  }
0x22: {  	[simem:s7], [sflag:s8] =	dma.local @!p0 [hbm:s6], $0xF7A  }
0x23: {  	s9 =	sor.u32 $0xD0000000, s2;
	s6 =	simm.s32 $0x108;
	_ =	swait.ge @!p0 [sflag:s8], $0x0  }
0x24: {  	s3 =	sadd.s32 $0x88, s3;
	s6 =	simm.s32 @!p1 $0x1082;
	[sflag:s4] =	ssyncset.s32 $0xFFFFF086  }
0x25: {  	[simem:s6], [sflag:s4] =	dma.local [hbm:s3], $0xF7A  }
0x26: {  	[smem:$0x3F97] =	sst s1;
	(tag) =	ssettag s2;
	_ =	strace s9  }
0x27: {  	s1 =	sld [smem:$0x3FA7]  }
0x28: {  	s2 =	sld [smem:$0x3FA8]  }
0x29: {  	s4 =	sld [smem:$0x3FAA]  }
0x2a: {  	p0 =	seq.s32 s5, $0x0;
	s5 =	sld [smem:$0x3FAB]  }
0x2b: {  	s6 =	sld [smem:$0x3FAC]  }
0x2c: {  	s7 =	sld [smem:$0x3FAD]  }
0x2d: {  	s3 =	simm.s32 $0x108;
	s8 =	sld [smem:$0x3FAE]  }
0x2e: {  	s3 =	simm.s32 @!p0 $0x1082;
	s9 =	sld [smem:$0x3FAF]  }
0x2f: {  	lr =	sadd.s32 s0, s3;
	s0 =	sld [smem:$0x3FA6]  }
0x30: {  	s3 =	sld [smem:$0x3FA9]  }
0x31: {  	[smem:$0x3FB2] =	sst s10  }
0x32: {  	s10 =	sld [smem:$0x3FB0];
	_ =	sdelay $0x3  }
0x33: {  	p0 =	seq.s32 s10, $0x1;
	s10 =	sld [smem:$0x3FB2];
	_ =	sdelay $0x3  }
0x34: {  	[smem:$0x3FB2] =	sst s10  }
0x35: {  	s10 =	sld [smem:$0x3FB1];
	_ =	sdelay $0x3  }
0x36: {  	p1 =	seq.s32 s10, $0x1;
	s10 =	sld [smem:$0x3FB2];
	_ =	sdelay $0x3  }
0x37: {  	[smem:$0x3FB2] =	sst s10  }
0x38: {  	s10 =	sld [smem:$0x3FB3]  }
0x39: {  	_ = 	snop;
	(pc) =	sbr.ind lr, $3  }
0x3a: {  	_ = 	snop  }
0x3b: {  	_ = 	snop  }
0x3c: {  	p2 =	seq.s32 s10, $0x1;
	s10 =	sld [smem:$0x3FB2]  }
0x3d: {  	_ =	shalt  }
0x3e: {  	_ =	shalt  }
0x3f: {  	_ =	shalt  }
0x40: {  	_ =	shalt  }
0x41: {  	_ =	shalt  }
0x42: {  	_ =	shalt  }
0x43: {  	_ =	shalt  }
0x44: {  	_ =	shalt  }
0x45: {  	_ =	shalt  }
0x46: {  	_ =	shalt  }
0x47: {  	_ =	shalt  }
0x48: {  	_ =	shalt  }
0x49: {  	_ =	shalt  }
0x4a: {  	_ =	shalt  }
0x4b: {  	_ =	shalt  }
0x4c: {  	_ =	shalt  }
0x4d: {  	_ =	shalt  }
0x4e: {  	_ =	shalt  }
0x4f: {  	_ =	shalt  }
0x50: {  	_ =	shalt  }
0x51: {  	_ =	shalt  }
0x52: {  	_ =	shalt  }
0x53: {  	_ =	shalt  }
0x54: {  	_ =	shalt  }
0x55: {  	_ =	shalt  }
0x56: {  	_ =	shalt  }
0x57: {  	_ =	shalt  }
0x58: {  	_ =	shalt  }
0x59: {  	_ =	shalt  }
0x5a: {  	_ =	shalt  }
0x5b: {  	_ =	shalt  }
0x5c: {  	_ =	shalt  }
0x5d: {  	_ =	shalt  }
0x5e: {  	_ =	shalt  }
0x5f: {  	_ =	shalt  }
0x60: {  	_ =	shalt  }
0x61: {  	_ =	shalt  }
0x62: {  	_ =	shalt  }
0x63: {  	_ =	shalt  }
0x64: {  	_ =	shalt  }
0x65: {  	_ =	shalt  }
0x66: {  	_ =	shalt  }
0x67: {  	_ =	shalt  }
0x68: {  	_ =	shalt  }
0x69: {  	_ =	shalt  }
0x6a: {  	_ =	shalt  }
0x6b: {  	_ =	shalt  }
0x6c: {  	_ =	shalt  }
0x6d: {  	_ =	shalt  }
0x6e: {  	_ =	shalt  }
0x6f: {  	_ =	shalt  }
0x70: {  	_ =	shalt  }
0x71: {  	_ =	shalt  }
0x72: {  	_ =	shalt  }
0x73: {  	_ =	shalt  }
0x74: {  	_ =	shalt  }
0x75: {  	_ =	shalt  }
0x76: {  	_ =	shalt  }
0x77: {  	_ =	shalt  }
0x78: {  	_ =	shalt  }
0x79: {  	_ =	shalt  }
0x7a: {  	_ =	shalt  }
0x7b: {  	_ =	shalt  }
0x7c: {  	_ =	shalt  }
0x7d: {  	_ =	shalt  }
0x7e: {  	_ =	shalt  }
0x7f: {  	_ =	shalt  }
0x80: {  	_ =	shalt  }
0x81: {  	_ =	shalt  }
0x82: {  	_ =	shalt  }
0x83: {  	_ =	shalt  }
0x84: {  	_ =	shalt  }
0x85: {  	_ =	shalt  }
0x86: {  	_ =	shalt  }
0x87: {  	_ =	shalt  }
.Lfunc_end0:
.L_simem_size_0:
called_computation_lowered:
.L_overlay_start_0:
0x88: {  	s2 =	sld [smem:$0x3FD9]  }
0x89: {  	s3 =	sld [smem:$0x3FFE];
	_ =	sdelay $0x1  }
0x8a: {  	s1 =	srdreg.scid  }
0x8b: {  	s0 =	sand.u32 $0x1, s1  }
0x8c: {  	s13 =	sshll.u32 s0, $0xA;
	s2 =	sadd.s32 s3, s2  }
0x8d: {  	s2 =	sadd.s32 s2, s13  }
0x8e: {  	[smem:$0x3FBE] =	sst s2  }
0x8f: {  	_ = 	snop  }
0x90: {  	s2 =	sld [smem:$0x3FD0];
	_ =	sdelay $0x2  }
0x91: {  	s14 =	simm.s32 $0xA;
	s4 =	simm.s32 $0x10  }
0x92: {  	[smem:s4], [sflag:s14] =	dma.local [hbm:s2], $0x1  }
0x93: {  	_ =	swait.eq [sflag:s14], $0x1  }
0x94: {  	[sflag:s14] =	ssyncset.done $0x0  }
0x95: {  	s15 =	sld [smem:$0x10];
	[sflag:s14] =	ssyncadd.s32 $0xFFFFFFFF  }
0x96: {  	s16 =	sld [smem:$0x11];
	(tm) =	ssettm $0x1  }
0x97: {  	s17 =	sld [smem:$0x3FFB];
	_ =	sdelay $0x3  }
0x98: {  	_ =	strace s17  }
0x99: {  	s4 =	sld [smem:$0x3FFC];
	_ =	sdelay $0x3  }
0x9a: {  	_ =	strace s4  }
0x9b: {  	s4 =	sld [smem:$0x3FFD];
	_ =	sdelay $0x3  }
0x9c: {  	_ =	strace s4  }
0x9d: {  	_ =	strace $0x8FFFFFFF  }
0x9e: {  	s18 =	sld [smem:$0x3FDB];
	_ =	sdelay $0x1  }
0x9f: {  	s5 =	simm.s32 $_scs_section_size  }
0xa0: {  	s6 =	simm.s32 $_size__tile_overlayer_lowered;
	s7 =	simm.s32 $_tile_overlayer_lowered  }
0xa1: {  	s21 =	simm.s32 $0x1BFF;
	s20 =	sshll.u32 s7, $0x1;
	s4 =	sadd.s32 s5, s18  }
0xa2: {  	s8 =	simm.s32 $0x0;
	s19 =	sshll.u32 s6, $0x1;
	s6 =	sadd.s32 s20, s4  }
0xa3: {  	[timem:s8], [sflag:s21] =	dma.local [hbm:s6], s19  }
0xa4: {  	_ =	swait.ge [sflag:s21], s19  }
0xa5: {  	s5 =	ssub.s32 $0x0, s19;
	[sflag:s21] =	ssyncset.done $0x0  }
0xa6: {  	[sflag:s21] =	ssyncadd.s32 s5;
	_ =	sdelay $0x1  }
0xa7: {  	s22 =	simm.s32 $0x1B8B  }
0xa8: {  	_ =	swait.ge [sflag:s22], $0x1  }
0xa9: {  	[sflag:s22] =	ssyncset.done $0x0  }
0xaa: {  	s23 =	sld [smem:$0x3FFE];
	[sflag:s22] =	ssyncadd.s32 $0xFFFFFFFF  }
0xab: {  	s25 =	simm.s32 $0x1B8E;
	s24 =	sld [smem:$0x0]  }
0xac: {  	s26 =	simm.s32 $execute0_lowered;
	[smem:$0x3FD2] =	sst s25  }
0xad: {  	s7 =	sshll.u32 s26, $0x1;
	_ =	strace $0x80000046;
	[dreg:$0x1] =	wrdreg $0xFFFFFFFF  }
0xae: {  	s28 =	simm.s32 $_size_execute0_lowered;
	s4 =	sadd.s32 s4, s7;
	[dreg:$0x0] =	wrdreg $0x0  }
0xaf: {  	s7 =	sshll.u32 s28, $0x1;
	[dreg:$0x2] =	wrdreg s4  }
0xb0: {  	[dreg:$0x3] =	wrdreg s7  }
0xb1: {  	[dreg:$0x4] =	wrdreg $0xC0  }
0xb2: {  	_ =	task [dreg:s8], $0x5FFFF  }
0xb3: {  	[dreg:$0x1] =	wrdreg $0xFFFFFFFF  }
0xb4: {  	[dreg:$0x0] =	wrdreg $0x60  }
0xb5: {  	[dreg:$0x2] =	wrdreg s15  }
0xb6: {  	[dreg:$0x3] =	wrdreg s23  }
0xb7: {  	[dreg:$0x4] =	wrdreg s16  }
0xb8: {  	[dreg:$0x5] =	wrdreg s1  }
0xb9: {  	[dreg:$0x6] =	wrdreg s24  }
0xba: {  	[dreg:$0x7] =	wrdreg $0x9  }
0xbb: {  	_ =	task.clear_ibuf [dreg:s8], $0x8FFFF;
	_ =	strace $0x90000046  }
0xbc: {  	s29 =	simm.s32 $0x9;
	_ =	strace $0x80000048  }
0xbd: {  	_ =	swait.ge [sflag:s29], $0x1  }
0xbe: {  	[sflag:s29] =	ssyncadd.s32 $0xFFFFFFFF  }
0xbf: {  	_ =	strace $0x90000048  }
0xc0: {  	_ =	sfence  }
0xc1: {  	s30 =	sld [smem:$0x0];
	_ =	sdelay $0x2  }
0xc2: {  	s31 =	sshll.u32 s1, $0xD;
	s1 =	sshrl.u32 s1, $0x2  }
0xc3: {  	s3 =	sand.u32 $0x4000, s31;
	s1 =	sadd.s32 s1, s30  }
0xc4: {  	s0 =	sor.u32 s3, s0;
	s1 =	sshll.u32 s1, $0x11  }
0xc5: {  	s0 =	sor.u32 s1, s0  }
0xc6: {  	s0 =	sadd.s32 $0x8F2B, s0  }
0xc7: {  	[sflag:s0] =	ssyncadd.remote.s32 $0x1  }
0xc8: {  	_ =	sfence.sel $0xFFFF  }
0xc9: {  	[dreg:$0x0] =	wrdreg $0xFFFFFFFF;
	(pc) =	sbr.abs _section_cstart, $3  }
0xca: {  	[dreg:$0x1] =	wrdreg $0xFFFFFFFF  }
0xcb: {  	_ =	task.clear_ibuf [dreg:s8], $0x2FFFF;
	_ =	strace $0x9FFFFFFF  }
0xcc: {  	(tm) =	ssettm $0x7FFFFFFF  }
0xcd: {  	_ =	shalt  }
tec
execute0_lowered:
.L_overlay_start_1:
0x0: {  	(tag) =	ssettag $0x1  }
0x1: {  	s1 =	rddreg [dreg:$0x0]  }
0x2: {  	s2 =	rddreg [dreg:$0x1]  }
0x3: {  	s6 =	rddreg [dreg:$0x2]  }
0x4: {  	s3 =	rddreg [dreg:$0x3];
	_ =	strace $0x80000047;
	s0 =	simm.s32 $0x1  }
0x5: {  	s5 =	simm.s32 $0x208;
	v0 =	vimm.s32 $0x0;
	[sflag:s0] =	ssyncpa.u1 $0x0  }
0x6: {  	[tilespmem:s5+$0x70] =	vst v0  }
0x7: {  	[tilespmem:s5+$0x60] =	vst v0  }
0x8: {  	[tilespmem:s5+$0x50] =	vst v0  }
0x9: {  	[tilespmem:s5+$0x40] =	vst v0  }
0xa: {  	[tilespmem:s5+$0x30] =	vst v0  }
0xb: {  	s0 =	sadd.s32 $0x271E00, s2;
	[tilespmem:s5+$0x20] =	vst v0  }
0xc: {  	s4 =	sadd.s32 $0x276E00, s2;
	s10 =	sand.u32 $0x1, s3;
	s2 =	simm.s32 $0x40;
	[tilespmem:s5+$0x10] =	vst v0  }
.LBB2_1:
0xd: {  	s2 =	sadd.s32 $0x40, s2;
	[tilespmem:s5+$0x0] =	vst v0;
	s5 =	sadd.s32 $0x80, s5  }
0xe: {  	p0 =	slt.u32 s2, $0x3880;
	[tilespmem:s5+$0x70] =	vst v0  }
0xf: {  	[tilespmem:s5+$0x60] =	vst v0  }
.Ltmp0:
0x10: {  	[tilespmem:s5+$0x50] =	vst v0;
	(pc) =	sbr.rel @p0 .LBB2_1-.Ltmp0, $4  }
0x11: {  	[tilespmem:s5+$0x40] =	vst v0  }
0x12: {  	[tilespmem:s5+$0x30] =	vst v0  }
0x13: {  	[tilespmem:s5+$0x20] =	vst v0  }
0x14: {  	[tilespmem:s5+$0x10] =	vst v0  }
0x15: {  	s11 =	stileid.u32  }
0x16: {  	s2 =	smul.u32 $0x2C, s11  }
0x17: {  	s3 =	smin.u32 s11, $0xB  }
0x18: {  	s2 =	sadd.s32 s3, s2  }
0x19: {  	p0 =	slt.u32 s11, $0xB;
	s20 =	smul.u32 $0x70, s2;
	s2 =	simm.s32 $0x13B0  }
0x1a: {  	s2 =	simm.s32 @!p0 $0x1340  }
0x1b: {  	s2 =	sadd.s32 s2, s20  }
0x1c: {  	s8 =	smin.u32 s2, $0x13880  }
0x1d: {  	s26 =	simm.s32 $0x2;
	s2 =	ssub.s32 s8, s20  }
0x1e: {  	s9 =	simm.s32 $0x9;
	s29 =	simm.s32 $0xA;
	p0 =	sgt.s32 s2, $0x0  }
0x1f: {  	s30 =	simm.s32 $0xB;
	s31 =	smul.u32 $0x2710, s10;
	s2 =	simm.s32 @!p0 $0x0  }
0x20: {  	[dreg:$0x6] =	wrdreg s10;
	s12 =	simm.s32 $0x1;
	s25 =	smulhi.u32 $0x92492493, s2  }
0x21: {  	s24 =	simm.s32 $0x0;
	p1 =	por $0x0, $0x0;
	s18 =	simm.s32 $0x80  }
0x22: {  	s19 =	simm.s32 $0x400;
	s17 =	simm.s32 $0xC;
	s3 =	sshrl.u32 s25, $0x6  }
0x23: {  	s21 =	simm.s32 $0x0;
	s23 =	simm.s32 $0x0;
	s28 =	smul.u32 $0x70, s3  }
.Ltmp1:
0x24: {  	[tilespmem:s5+$0x0] =	vst v0;
	v0 =	vimm.s32 $0xFFFFFFFF;
	[sflag:s26] =	ssyncpa.u1 $0x0;
	s16 =	sshll.u32 s11, $0x9;
	(pc) =	sbr.rel .LBB2_3-.Ltmp1, $4  }
0x25: {  	[tilespmem:$0xE408] =	vst v0;
	[sflag:s9] =	ssyncpa.u1 $0x0;
	p0 =	sne.s32 s2, s28;
	s2 =	simm.s32 $0x1  }
0x26: {  	s14 =	sadd.s32 s31, s4;
	[sflag:s29] =	ssyncpa.u1 $0x0;
	s2 =	simm.s32 @!p0 $0x0  }
0x27: {  	s15 =	sadd.s32 s31, s0;
	[sflag:s30] =	ssyncpa.u1 $0x0;
	s13 =	sadd.s32 s2, s3  }
0x28: {  	v0 =	vlaneseq.u32;
	s22 =	smov.u32 s20;
	p0 =	por $0x1, $0x1;
	s11 =	sadd.s32 $0x1, s13  }
.LBB2_24:
0x29: {  	s2 =	sshrl.u32 s4, $0x2  }
.LBB2_26:
0x2a: {  	_ =	swait.ge [sflag:s17], s2  }
0x2b: {  	s31 =	ssub.s32 $0x0, s2;
	v1 =	vmov s26;
	vm0 =	veq.s32 v0, $0x0;
	[sflag:s17] =	ssyncset.done $0x0  }
0x2c: {  	vm15 =	veq.s32 v0, $0x2;
	v1 =	vsel vm0, s0, v1;
	[sflag:s17] =	ssyncadd.s32 s31  }
0x2d: {  	v1 =	vsel vm15, s24, v1;
	[sflag:s17] =	ssyncpa.u1 $0x1  }
0x2e: {  	[tilespmem:$0xE408] =	vst v1  }
.LBB2_27:
0x2f: {  	s0 =	sadd.s32 $0x70, s22  }
0x30: {  	s2 =	smov.u32 s20;
	p2 =	slt.s32 s0, s8  }
0x31: {  	s2 =	smov.u32 @p2 s0;
	p2 =	sne.s32 s23, s11  }
.Ltmp2:
0x32: {  	_ = 	snop;
	(pc) =	sbr.rel @!p2 .LBB2_28-.Ltmp2, $4  }
0x33: {  	_ = 	snop  }
0x34: {  	s24 =	smov.u32 s21  }
0x35: {  	s31 =	sadd.s32 $0x1, s23;
	s21 =	smov.u32 s22;
	p0 =	por !p0, !p0  }
0x36: {  	p1 =	por !p1, !p1;
	s23 =	smov.u32 s31;
	s22 =	smov.u32 s2  }
.LBB2_3:
0x37: {  	p2 =	sge.u32 s23, s13  }
0x38: {  	s0 =	smulhi.u32 @!p2 $0xAAAAAAAB, s23  }
0x39: {  	s2 =	smov.u32 s22;
	p3 =	sgt.s32 @!p2 s22, $0x13810  }
0x3a: {  	s3 =	sshra.s32 @!p2 s22, $0x1F;
	p3 =	por !p3, p2;
	s0 =	sshrl.u32 @!p2 s0, $0x1  }
0x3b: {  	s3 =	sand.u32 @!p2 s3, s22;
	s2 =	simm.s32 @p3 $0x13810;
	s0 =	smul.u32 @!p2 $0x3, s0  }
0x3c: {  	s2 =	ssub.s32 @!p2 s2, s3  }
0x3d: {  	s2 =	sadd.s32 @!p2 $0xFFFEC7F0, s2;
	s0 =	ssub.s32 @!p2 s23, s0  }
0x3e: {  	s3 =	sshll.u32 @!p2 s2, $0x2;
	p3 =	sgt.s32 @!p2 s2, $0x6F;
	s0 =	smul.u32 @!p2 $0x1C0, s0  }
0x3f: {  	s4 =	sand.u32 @!p2 $0x7, s22;
	s2 =	ssub.s32 @!p2 $0x1C0, s3;
	p3 =	por !p3, p2  }
0x40: {  	s3 =	sshrl.u32 @!p2 s22, $0x3;
	s2 =	sshrl.u32 @!p2 s2, $0x2;
	s0 =	sshrl.u32 @!p2 s0, $0x2  }
0x41: {  	s3 =	sadd.s32 @!p2 s3, s14;
	s2 =	simm.s32 @!p3 $0x0;
	s0 =	sadd.s32 @!p2 $0x10448, s0  }
0x42: {  	[tilespmem:s0], [sflag:$0xA] =	stream.linear.gather @!p2 [hbm4b:s3+s4], s2, $0x38;
	[tilespmem:$0x1E678] =	vst v63  }
0x43: {  	s2 =	sadd.s32 $0xFFFFFFFF, s23  }
0x44: {  	p2 =	sge.u32 s2, s13  }
0x45: {  	p3 =	sgt.s32 @!p2 s21, $0x13810  }
0x46: {  	s0 =	smov.u32 s21;
	s3 =	sshra.s32 @!p2 s21, $0x1F;
	p3 =	por !p3, p2  }
0x47: {  	s3 =	sand.u32 @!p2 s3, s21;
	s0 =	simm.s32 @p3 $0x13810  }
0x48: {  	s0 =	ssub.s32 @!p2 s0, s3  }
0x49: {  	s0 =	sadd.s32 @!p2 $0xFFFEC7F0, s0  }
0x4a: {  	s3 =	sshll.u32 @!p2 s0, $0x2  }
0x4b: {  	p3 =	sgt.s32 @!p2 s0, $0x6F;
	s0 =	ssub.s32 @!p2 $0x1C0, s3  }
0x4c: {  	p3 =	por !p3, p2;
	s0 =	sshrl.u32 @!p2 s0, $0x2  }
0x4d: {  	s4 =	simm.s32 @!p2 $0xA;
	s3 =	sand.u32 @!p2 $0x1, s2;
	s0 =	simm.s32 @!p3 $0x0  }
0x4e: {  	s3 =	smul.u32 @!p2 $0x1C0, s3;
	_ =	swait.ge @!p2 [sflag:s4], s0  }
0x4f: {  	s5 =	ssub.s32 @!p2 $0x0, s0;
	[sflag:s4] =	ssyncset.done @!p2 $0x0  }
0x50: {  	s3 =	sshrl.u32 @!p2 s3, $0x2;
	[sflag:s4] =	ssyncadd.s32 @!p2 s5;
	s4 =	sshrl.u32 @!p2 s21, $0x3  }
0x51: {  	s3 =	sadd.s32 @!p2 $0x10598, s3;
	s5 =	sand.u32 @!p2 $0x7, s21;
	s4 =	sadd.s32 @!p2 s4, s15  }
0x52: {  	[tilespmem:s3], [sflag:$0xB] =	stream.linear.gather @!p2 [hbm4b:s4+s5], s0, $0x38;
	[tilespmem:$0x1E678] =	vst v63  }
0x53: {  	s0 =	ssub.s32 @!p2 $0x13880, s21  }
0x54: {  	p3 =	slt.s32 @!p2 s0, $0x1  }
0x55: {  	p3 =	por p2, p3  }
.Ltmp3:
0x56: {  	_ = 	snop;
	(pc) =	sbr.rel @p3 .LBB2_9-.Ltmp3, $1  }
0x57: {  	_ =	sdelay $0x3  }
0x58: {  	s3 =	smulhi.u32 $0xAAAAAAAB, s2;
	_ =	sdelay $0x1  }
0x59: {  	s3 =	sshrl.u32 s3, $0x1  }
0x5a: {  	s3 =	smul.u32 $0x3, s3;
	_ =	sdelay $0x1  }
0x5b: {  	s30 =	ssub.s32 s2, s3  }
0x5c: {  	s4 =	simm.s32 $0x1;
	s2 =	smul.u32 $0x1C0, s30  }
.Ltmp4:
0x5d: {  	s4 =	simm.s32 @!p0 $0x0;
	(pc) =	sbr.rel .LBB2_6-.Ltmp4, $4  }
0x5e: {  	s31 =	smul.u32 $0x1C000, s4  }
0x5f: {  	p3 =	slt.s32 @!p2 s0, $0x70;
	s2 =	sshrl.u32 s2, $0x2  }
0x60: {  	p2 =	por !p3, p2;
	s3 =	sshrl.u32 s31, $0x2;
	s5 =	sadd.s32 $0x10448, s2  }
0x61: {  	s0 =	simm.s32 @p2 $0x70;
	s4 =	sor.u32 $0x10678, s3;
	s2 =	simm.s32 $0x0;
	v1 =	vmov s5  }
.LBB2_5:
0x62: {  	p2 =	sge.s32 s2, s0  }
.Ltmp5:
0x63: {  	_ = 	snop;
	(pc) =	sbr.rel @p2 .LBB2_9-.Ltmp5, $2  }
0x64: {  	_ =	sdelay $0x2  }
0x65: {  	s4 =	sadd.s32 $0x1000, s4  }
.LBB2_6:
0x66: {  	p2 =	sle.s32 s0, s2  }
.Ltmp6:
0x67: {  	_ = 	snop;
	(pc) =	sbr.rel @p2 .LBB2_5-.Ltmp6, $2  }
0x68: {  	_ =	sdelay $0x2  }
0x69: {  	s5 =	smov.u32 s2;
	s2 =	sadd.s32 $0x10, s2  }
0x6a: {  	s3 =	ssub.s32 s0, s5  }
0x6b: {  	p2 =	slt.s32 s3, $0x10  }
0x6c: {  	s3 =	simm.s32 @!p2 $0x10  }
0x6d: {  	v2 =	vmov s3  }
0x6e: {  	vm0 =	vgt.s32 v2, v0;
	_ =	sdelay $0x5  }
0x6f: {  	v2 =	vld.idx.msk [tilespmem:v1+s5+$0x0 ss:$0x1], vm0;
	_ =	sdelay $0x2  }
0x70: {  	p2 =	slt.s32 s2, s0;
	s3 =	smov.u32 s0  }
0x71: {  	s9 =	smov.u32 s4;
	s25 =	simm.s32 $0x0;
	s3 =	smov.u32 @p2 s2  }
.LBB2_8:
0x72: {  	(v2sf) =	vpush v2, s25;
	_ =	sdelay $0xe  }
0x73: {  	s25 =	sadd.s32 $0x1, s25;
	s10 =	spop (v2sf)  }
0x74: {  	s31 =	sadd.s32 s25, s5;
	s26 =	sshll.u32 s10, $0x8;
	s10 =	sshll.u32 s10, $0x7  }
0x75: {  	p2 =	slt.s32 s31, s3;
	s26 =	sand.u32 $0xFFFFF800, s26;
	s10 =	sand.u32 $0x380, s10  }
.Ltmp7:
0x76: {  	s10 =	sor.u32 s10, s26;
	(pc) =	sbr.rel @p2 .LBB2_8-.Ltmp7, $4  }
0x77: {  	s10 =	sshrl.u32 s10, $0x3  }
0x78: {  	s10 =	sadd.s32 s6, s10  }
0x79: {  	[tilespmem:s9], [sflag:$0x9] =	stream.strided.gather [hbm4b:s10+s18], $0x100, s19, s18, $0x38;
	[tilespmem:$0x1E678] =	vst v63  }
0x7a: {  	s9 =	sadd.s32 $0x100, s9  }
.Ltmp8:
0x7b: {  	_ = 	snop;
	(pc) =	sbr.rel .LBB2_5-.Ltmp8, $1  }
0x7c: {  	_ =	sdelay $0x3  }
.LBB2_9:
0x7d: {  	p2 =	slt.u32 s23, $0x2  }
.Ltmp9:
0x7e: {  	_ = 	snop;
	(pc) =	sbr.rel @p2 .LBB2_27-.Ltmp9, $1  }
0x7f: {  	_ =	sdelay $0x3  }
0x80: {  	p2 =	sgt.s32 s24, $0x13810  }
0x81: {  	s0 =	smov.u32 s24;
	s2 =	sshra.s32 s24, $0x1F;
	s3 =	ssub.s32 $0x13880, s24  }
0x82: {  	s0 =	simm.s32 @!p2 $0x13810;
	s2 =	sand.u32 s2, s24;
	p2 =	slt.s32 s3, $0x70  }
0x83: {  	s0 =	ssub.s32 s0, s2;
	s3 =	simm.s32 @!p2 $0x70  }
0x84: {  	s0 =	sadd.s32 $0xFFFEC7F0, s0;
	s9 =	sshll.u32 s3, $0x8  }
0x85: {  	s26 =	simm.s32 $0x9;
	s10 =	sshll.u32 s0, $0x2;
	s2 =	sand.u32 $0x3FFFFF00, s9  }
0x86: {  	p2 =	sgt.s32 s0, $0x6F;
	s25 =	ssub.s32 $0x1C0, s10;
	_ =	swait.ge [sflag:s26], s2  }
0x87: {  	s2 =	ssub.s32 $0x0, s2;
	[sflag:s26] =	ssyncset.done $0x0;
	s0 =	sshrl.u32 s25, $0x2  }
0x88: {  	s29 =	simm.s32 $0xB;
	[sflag:s26] =	ssyncadd.s32 s2;
	s0 =	simm.s32 @p2 $0x0  }
0x89: {  	_ =	swait.ge [sflag:s29], s0  }
0x8a: {  	s0 =	ssub.s32 $0x0, s0;
	[sflag:s29] =	ssyncset.done $0x0  }
0x8b: {  	[sflag:s29] =	ssyncadd.s32 s0  }
0x8c: {  	v1 =	vld [tilespmem:$0xE408];
	_ =	sdelay $0x4  }
0x8d: {  	(v2sf) =	vpush v1, $0x0  }
0x8e: {  	(v2sf) =	vpush v1, $0x1  }
0x8f: {  	(v2sf) =	vpush v1, $0x2;
	_ =	sdelay $0x3  }
0x90: {  	s0 =	sadd.s32 $0x70, s24  }
0x91: {  	s2 =	ssub.s32 $0x27100, s24;
	p2 =	slt.s32 s8, s0  }
0x92: {  	s0 =	smov.u32 @p2 s8;
	p2 =	sgt.s32 s2, $0x0  }
0x93: {  	s0 =	ssub.s32 s0, s24;
	s2 =	simm.s32 @!p2 $0x0  }
0x94: {  	p2 =	slt.s32 s2, s0  }
0x95: {  	s0 =	smov.u32 @p2 s2  }
0x96: {  	s4 =	simm.s32 $0x1;
	p2 =	slt.s32 s0, $0x1  }
.Ltmp10:
0x97: {  	s4 =	simm.s32 @!p1 $0x0;
	(pc) =	sbr.rel @p2 .LBB2_14-.Ltmp10, $4  }
0x98: {  	s30 =	smul.u32 $0x1C0, s4  }
0x99: {  	s5 =	spop (v2sf)  }
0x9a: {  	s31 =	sshrl.u32 s30, $0x2;
	s28 =	spop (v2sf)  }
0x9b: {  	s25 =	sadd.s32 $0x10598, s31;
	s24 =	spop (v2sf)  }
0x9c: {  	s2 =	smin.u32 s0, $0x10  }
0x9d: {  	v1 =	vmov s2  }
0x9e: {  	vm1 =	vgt.u32 v1, v0  }
0x9f: {  	p3 =	sgt.s32 s0, $0x10  }
.Ltmp11:
0xa0: {  	_ = 	snop;
	(pc) =	sbr.rel @!p3 .LBB2_13-.Ltmp11, $2  }
0xa1: {  	_ =	sdelay $0x2  }
0xa2: {  	s26 =	simm.s32 $0x10;
	s29 =	sadd.s32 $0xFFFFFFF0, s0;
	s2 =	smov.u32 s25;
	vm0 =	vmmov vm1;
	v1 =	vld.msk [tilespmem:s25+$0x0 ss:$0x1], vm1  }
.LBB2_12:
0xa3: {  	s3 =	smin.u32 s29, $0x10;
	s26 =	sadd.s32 $0x10, s26  }
0xa4: {  	v2 =	vmov s3;
	p3 =	slt.s32 s26, s0  }
0xa5: {  	vm1 =	vgt.u32 v2, v0;
	_ =	sdelay $0x1  }
0xa6: {  	v2 =	vshll.u32 v1, $0x5;
	v1 =	vshll.u32 v1, $0x4  }
.Ltmp12:
0xa7: {  	v2 =	vand.u32 $0xFFFFFF00, v2;
	v1 =	vand.u32 $0x70, v1;
	(pc) =	sbr.rel @p3 .LBB2_12-.Ltmp12, $4  }
0xa8: {  	v1 =	vor.u32 v1, v2  }
0xa9: {  	[tilespmem:s2+$0x0] =	vst.msk vm0, v1;
	s2 =	sadd.s32 $0x10, s2;
	vm0 =	vmmov vm1  }
0xaa: {  	v1 =	vld.msk [tilespmem:s2+$0x0 ss:$0x1], vm1  }
0xab: {  	s29 =	sadd.s32 $0xFFFFFFF0, s29  }
.LBB2_13:
0xac: {  	_ =	sdelay $0x3  }
0xad: {  	v2 =	vshll.u32 v1, $0x5;
	v1 =	vshll.u32 v1, $0x4  }
0xae: {  	v2 =	vand.u32 $0xFFFFFF00, v2;
	v1 =	vand.u32 $0x70, v1  }
0xaf: {  	v1 =	vor.u32 v1, v2  }
0xb0: {  	[tilespmem:s2+$0x0] =	vst.msk vm0, v1  }
.LBB2_14:
0xb1: {  	s2 =	sand.u32 $0x1, s23  }
0xb2: {  	s2 =	smul.u32 $0x70, s2  }
0xb3: {  	p3 =	sne.s32 s28, $0xFFFFFFFF  }
0xb4: {  	v1 =	vld.msk @!p3 [tilespmem:s2+$0x10598], $0x1;
	_ =	sdelay $0x4  }
0xb5: {  	(v2sf) =	vpush @!p3 v1, $0x0;
	_ =	sdelay $0xc  }
.Ltmp13:
0xb6: {  	_ = 	snop;
	(pc) =	sbr.rel @p2 .LBB2_25-.Ltmp13, $4  }
0xb7: {  	_ = 	snop  }
0xb8: {  	s31 =	spop @!p3 (v2sf)  }
0xb9: {  	s24 =	simm.s32 @!p3 $0x0;
	s26 =	smov.u32 s31  }
0xba: {  	[sflag:s17] =	ssyncpa.u1 $0x0;
	s31 =	smov.u32 @p3 s5;
	s26 =	smov.u32 @p3 s28  }
0xbb: {  	v1 =	vld.msk [tilespmem:s25+$0x0], $0x1;
	_ =	sdelay $0x4  }
0xbc: {  	(v2sf) =	vpush v1, $0x0;
	_ =	sdelay $0xe  }
0xbd: {  	s7 =	smov.u32 s11;
	s5 =	spop (v2sf)  }
0xbe: {  	s17 =	smov.u32 s15;
	s2 =	smul.u32 $0x1C000, s4;
	p2 =	seq.s32 s31, s5  }
0xbf: {  	s3 =	smov.u32 s31;
	s29 =	ssub.s32 $0x0, s0;
	p3 =	sgt.s32 @!p2 s31, $0x0  }
0xc0: {  	s30 =	simm.s32 $0x0;
	s2 =	sshrl.u32 s2, $0x2;
	p3 =	por !p3, p2  }
0xc1: {  	s0 =	sadd.s32 $0x1, s29;
	s28 =	sor.u32 $0x106F8, s2;
	s3 =	simm.s32 @p3 $0x0  }
0xc2: {  	s2 =	simm.s32 @!p2 $0x1;
	p3 =	seq.s32 s0, $0x0;
	s3 =	smin.u32 @!p2 s3, $0x4E170  }
.Ltmp14:
0xc3: {  	s4 =	simm.s32 @!p2 $0x7308;
	s9 =	sand.u32 @!p2 $0x7FFF8, s3;
	(pc) =	sbr.rel @p3 .LBB2_17-.Ltmp14, $4  }
0xc4: {  	s10 =	sadd.s32 @!p2 $0x80, s3;
	s11 =	sadd.s32 @!p2 s1, s9;
	s9 =	sand.u32 @!p2 $0x7, s3  }
0xc5: {  	[tilespmem:s4], [sflag:$0x2] =	stream.linear.gather @!p2 [hbm4b:s11+s9], $0x80, $0x38;
	[tilespmem:$0x1E678] =	vst v63  }
0xc6: {  	s15 =	smov.u32 s14;
	s2 =	smov.u32 @p2 s30;
	s4 =	sand.u32 @!p2 $0xFFFF8, s10  }
0xc7: {  	s3 =	simm.s32 @!p2 $0x7388;
	s10 =	sadd.s32 @!p2 s1, s4;
	s4 =	sadd.s32 $0x1, s25  }
.LBB2_16:
0xc8: {  	s11 =	smov.u32 s2  }
0xc9: {  	[tilespmem:s3], [sflag:$0x2] =	stream.linear.gather @!p2 [hbm4b:s10+s9], $0x80, $0x38;
	[tilespmem:$0x1E678] =	vst v63  }
0xca: {  	s0 =	sadd.s32 $0x1, s0;
	s9 =	smov.u32 s5;
	v1 =	vld.msk [tilespmem:s4+$0x0], $0x1  }
0xcb: {  	p3 =	seq.s32 s0, $0x0;
	_ =	sdelay $0x3  }
0xcc: {  	(v2sf) =	vpush v1, $0x0;
	_ =	sdelay $0xe  }
0xcd: {  	s5 =	spop (v2sf)  }
0xce: {  	p2 =	seq.s32 s9, s5  }
0xcf: {  	p4 =	sgt.s32 @!p2 s9, $0x0;
	s3 =	sshll.u32 @!p2 s2, $0xA;
	s2 =	sadd.s32 @!p2 $0x1, s2  }
0xd0: {  	p4 =	por !p4, p2;
	s3 =	sshra.s32 @!p2 s3, $0x2;
	s2 =	smov.u32 @p2 s11  }
0xd1: {  	s9 =	simm.s32 @p4 $0x0;
	s10 =	sadd.s32 @!p2 $0x7308, s3;
	s3 =	sadd.s32 @!p2 $0x7388, s3  }
.Ltmp15:
0xd2: {  	s9 =	smin.u32 @!p2 s9, $0x4E170;
	(pc) =	sbr.rel @!p3 .LBB2_16-.Ltmp15, $4  }
0xd3: {  	s11 =	sand.u32 @!p2 $0x7FFF8, s9;
	s14 =	sadd.s32 @!p2 $0x80, s9  }
0xd4: {  	s9 =	sand.u32 @!p2 $0x7, s9;
	s11 =	sadd.s32 @!p2 s1, s11;
	s14 =	sand.u32 @!p2 $0xFFFF8, s14  }
0xd5: {  	[tilespmem:s10], [sflag:$0x2] =	stream.linear.gather @!p2 [hbm4b:s11+s9], $0x80, $0x38;
	[tilespmem:$0x1E678] =	vst v63  }
0xd6: {  	s4 =	sadd.s32 $0x1, s4;
	s10 =	sadd.s32 @!p2 s1, s14  }
.LBB2_17:
0xd7: {  	[tilespmem:s3], [sflag:$0x2] =	stream.linear.gather @!p2 [hbm4b:s10+s9], $0x80, $0x38;
	[tilespmem:$0x1E678] =	vst v63  }
0xd8: {  	s0 =	sshll.u32 s2, $0x8  }
.Ltmp16:
0xd9: {  	s14 =	simm.s32 $0x2;
	s0 =	sand.u32 $0x3FFFFF00, s0;
	(pc) =	sbr.rel .LBB2_18-.Ltmp16, $4  }
0xda: {  	_ =	swait.ge [sflag:s14], s0  }
0xdb: {  	s0 =	ssub.s32 $0x0, s0;
	[sflag:s14] =	ssyncset.done $0x0  }
0xdc: {  	s4 =	simm.s32 $0x0;
	s11 =	smov.u32 s7;
	[sflag:s14] =	ssyncadd.s32 s0  }
0xdd: {  	s14 =	smov.u32 s15;
	s15 =	smov.u32 s17;
	s17 =	simm.s32 $0xC  }
.LBB2_19:
0xde: {  	v1 =	vld [tilespmem:s28+$0xFFFFFF80];
	_ =	sdelay $0x4  }
0xdf: {  	[tilespmem:s5+$0x208] =	vst.add.f32.msk $0xffff, v1  }
0xe0: {  	v1 =	vld [tilespmem:s28+$0xFFFFFF90];
	_ =	sdelay $0x4  }
0xe1: {  	[tilespmem:s5+$0x218] =	vst.add.f32.msk $0xffff, v1  }
0xe2: {  	v1 =	vld [tilespmem:s28+$0xFFFFFFA0];
	_ =	sdelay $0x4  }
0xe3: {  	[tilespmem:s5+$0x228] =	vst.add.f32.msk $0xffff, v1  }
0xe4: {  	v1 =	vld [tilespmem:s28+$0xFFFFFFB0];
	_ =	sdelay $0x4  }
0xe5: {  	[tilespmem:s5+$0x238] =	vst.add.f32.msk $0xffff, v1  }
0xe6: {  	v1 =	vld [tilespmem:s28+$0xFFFFFFC0];
	_ =	sdelay $0x4  }
0xe7: {  	[tilespmem:s5+$0x248] =	vst.add.f32.msk $0xffff, v1  }
0xe8: {  	v1 =	vld [tilespmem:s28+$0xFFFFFFD0];
	_ =	sdelay $0x4  }
0xe9: {  	[tilespmem:s5+$0x258] =	vst.add.f32.msk $0xffff, v1  }
0xea: {  	v1 =	vld [tilespmem:s28+$0xFFFFFFE0];
	_ =	sdelay $0x4  }
0xeb: {  	[tilespmem:s5+$0x268] =	vst.add.f32.msk $0xffff, v1  }
0xec: {  	v1 =	vld [tilespmem:s28+$0xFFFFFFF0];
	_ =	sdelay $0x4  }
0xed: {  	[tilespmem:s5+$0x278] =	vst.add.f32.msk $0xffff, v1  }
0xee: {  	v1 =	vld [tilespmem:s28+$0x0];
	_ =	sdelay $0x4  }
0xef: {  	[tilespmem:s5+$0x288] =	vst.add.f32.msk $0xffff, v1  }
0xf0: {  	v1 =	vld [tilespmem:s28+$0x10];
	_ =	sdelay $0x4  }
0xf1: {  	[tilespmem:s5+$0x298] =	vst.add.f32.msk $0xffff, v1  }
0xf2: {  	v1 =	vld [tilespmem:s28+$0x20];
	_ =	sdelay $0x4  }
0xf3: {  	[tilespmem:s5+$0x2A8] =	vst.add.f32.msk $0xffff, v1  }
0xf4: {  	v1 =	vld [tilespmem:s28+$0x30];
	_ =	sdelay $0x4  }
0xf5: {  	[tilespmem:s5+$0x2B8] =	vst.add.f32.msk $0xffff, v1  }
0xf6: {  	v1 =	vld [tilespmem:s28+$0x40];
	_ =	sdelay $0x4  }
0xf7: {  	[tilespmem:s5+$0x2C8] =	vst.add.f32.msk $0xffff, v1  }
0xf8: {  	v1 =	vld [tilespmem:s28+$0x50];
	_ =	sdelay $0x4  }
0xf9: {  	[tilespmem:s5+$0x2D8] =	vst.add.f32.msk $0xffff, v1  }
0xfa: {  	v1 =	vld [tilespmem:s28+$0x60];
	_ =	sdelay $0x4  }
0xfb: {  	[tilespmem:s5+$0x2E8] =	vst.add.f32.msk $0xffff, v1  }
0xfc: {  	v1 =	vld [tilespmem:s28+$0x70];
	_ =	sdelay $0x4  }
0xfd: {  	[tilespmem:s5+$0x2F8] =	vst.add.f32.msk $0xffff, v1  }
.LBB2_23:
0xfe: {  	s29 =	sadd.s32 $0x1, s29  }
0xff: {  	p2 =	seq.s32 s29, $0x0  }
.Ltmp17:
0x100: {  	_ = 	snop;
	(pc) =	sbr.rel @p2 .LBB2_24-.Ltmp17, $2  }
0x101: {  	_ =	sdelay $0x2  }
0x102: {  	s25 =	sadd.s32 $0x1, s25;
	s28 =	sadd.s32 $0x100, s28;
	s31 =	smov.u32 s0  }
.LBB2_18:
0x103: {  	v1 =	vld.msk [tilespmem:s25+$0x0], $0x1;
	_ =	sdelay $0x4  }
0x104: {  	(v2sf) =	vpush v1, $0x0;
	_ =	sdelay $0xe  }
0x105: {  	s0 =	spop (v2sf)  }
0x106: {  	p2 =	sne.s32 s31, s0  }
.Ltmp18:
0x107: {  	_ = 	snop;
	(pc) =	sbr.rel @!p2 .LBB2_19-.Ltmp18, $3  }
0x108: {  	_ =	sdelay $0x1  }
0x109: {  	s2 =	sshll.u32 s24, $0xA  }
0x10a: {  	s5 =	sshra.s32 s2, $0x2  }
0x10b: {  	p2 =	seq.s32 s31, s26  }
.Ltmp19:
0x10c: {  	_ = 	snop;
	(pc) =	sbr.rel @!p2 .LBB2_21-.Ltmp19, $1  }
0x10d: {  	_ =	sdelay $0x3  }
.Ltmp20:
0x10e: {  	s2 =	sadd.s32 $0x208, s5;
	(pc) =	sbr.rel .LBB2_22-.Ltmp20, $4  }
0x10f: {  	[spmem:s16] =	stream.linear.scatter [tilespmem:s2], [sflag:$0x1], $0x100, $0x38;
	[tilespmem:$0x1E678] =	vst v63  }
0x110: {  	_ =	swait.ge [sflag:s12], $0x100  }
0x111: {  	[sflag:s12] =	ssyncset.done $0x0  }
0x112: {  	[sflag:s12] =	ssyncadd.s32 $0xFFFFFF00  }
.LBB2_21:
0x113: {  	s2 =	sshll.u32 s30, $0xA  }
0x114: {  	s2 =	sshra.s32 s2, $0x2  }
0x115: {  	v1 =	vld [tilespmem:s2+$0x7308];
	_ =	sdelay $0x4  }
0x116: {  	[tilespmem:s5+$0x208] =	vst.add.f32.msk $0xffff, v1  }
0x117: {  	v1 =	vld [tilespmem:s2+$0x7318];
	_ =	sdelay $0x4  }
0x118: {  	[tilespmem:s5+$0x218] =	vst.add.f32.msk $0xffff, v1  }
0x119: {  	v1 =	vld [tilespmem:s2+$0x7328];
	_ =	sdelay $0x4  }
0x11a: {  	[tilespmem:s5+$0x228] =	vst.add.f32.msk $0xffff, v1  }
0x11b: {  	v1 =	vld [tilespmem:s2+$0x7338];
	_ =	sdelay $0x4  }
0x11c: {  	[tilespmem:s5+$0x238] =	vst.add.f32.msk $0xffff, v1  }
0x11d: {  	v1 =	vld [tilespmem:s2+$0x7348];
	_ =	sdelay $0x4  }
0x11e: {  	[tilespmem:s5+$0x248] =	vst.add.f32.msk $0xffff, v1  }
0x11f: {  	v1 =	vld [tilespmem:s2+$0x7358];
	_ =	sdelay $0x4  }
0x120: {  	[tilespmem:s5+$0x258] =	vst.add.f32.msk $0xffff, v1  }
0x121: {  	v1 =	vld [tilespmem:s2+$0x7368];
	_ =	sdelay $0x4  }
0x122: {  	[tilespmem:s5+$0x268] =	vst.add.f32.msk $0xffff, v1  }
0x123: {  	v1 =	vld [tilespmem:s2+$0x7378];
	_ =	sdelay $0x4  }
0x124: {  	[tilespmem:s5+$0x278] =	vst.add.f32.msk $0xffff, v1  }
0x125: {  	v1 =	vld [tilespmem:s2+$0x7388];
	_ =	sdelay $0x4  }
0x126: {  	[tilespmem:s5+$0x288] =	vst.add.f32.msk $0xffff, v1  }
0x127: {  	v1 =	vld [tilespmem:s2+$0x7398];
	_ =	sdelay $0x4  }
0x128: {  	[tilespmem:s5+$0x298] =	vst.add.f32.msk $0xffff, v1  }
0x129: {  	v1 =	vld [tilespmem:s2+$0x73A8];
	_ =	sdelay $0x4  }
0x12a: {  	[tilespmem:s5+$0x2A8] =	vst.add.f32.msk $0xffff, v1  }
0x12b: {  	v1 =	vld [tilespmem:s2+$0x73B8];
	_ =	sdelay $0x4  }
0x12c: {  	[tilespmem:s5+$0x2B8] =	vst.add.f32.msk $0xffff, v1  }
0x12d: {  	v1 =	vld [tilespmem:s2+$0x73C8];
	_ =	sdelay $0x4  }
0x12e: {  	[tilespmem:s5+$0x2C8] =	vst.add.f32.msk $0xffff, v1  }
0x12f: {  	v1 =	vld [tilespmem:s2+$0x73D8];
	_ =	sdelay $0x4  }
0x130: {  	[tilespmem:s5+$0x2D8] =	vst.add.f32.msk $0xffff, v1  }
0x131: {  	v1 =	vld [tilespmem:s2+$0x73E8];
	_ =	sdelay $0x4  }
0x132: {  	[tilespmem:s5+$0x2E8] =	vst.add.f32.msk $0xffff, v1  }
0x133: {  	v1 =	vld [tilespmem:s2+$0x73F8];
	_ =	sdelay $0x2  }
0x134: {  	p2 =	sgt.u32 s31, $0x4E170  }
0x135: {  	s2 =	sand.u32 @!p2 $0x7FFF8, s31  }
0x136: {  	s3 =	sadd.s32 $0x208, s5;
	s9 =	sand.u32 @!p2 $0x7, s31;
	s2 =	sadd.s32 @!p2 s1, s2;
	[tilespmem:s5+$0x2F8] =	vst.add.f32.msk $0xffff, v1  }
0x137: {  	[hbm4b:s2+s9] =	stream.linear.scatter @!p2 [tilespmem:s3], [sflag:$0xC], $0x80, $0x38;
	[tilespmem:$0x1E678] =	vst v63  }
0x138: {  	s2 =	sadd.s32 @!p2 $0x80, s31  }
0x139: {  	s2 =	sand.u32 @!p2 $0xFFFF8, s2  }
0x13a: {  	s3 =	sadd.s32 $0x288, s5;
	s2 =	sadd.s32 @!p2 s1, s2  }
0x13b: {  	[hbm4b:s2+s9] =	stream.linear.scatter @!p2 [tilespmem:s3], [sflag:$0xC], $0x80, $0x38;
	[tilespmem:$0x1E678] =	vst v63  }
0x13c: {  	s2 =	simm.s32 $0x0  }
0x13d: {  	s2 =	simm.s32 @!p2 $0x400  }
0x13e: {  	s4 =	sadd.s32 s2, s4  }
.LBB2_22:
0x13f: {  	s2 =	sadd.s32 $0x1, s24  }
0x140: {  	s3 =	sshrl.u32 s2, $0x4  }
0x141: {  	s3 =	smulhi.u32 $0x24924925, s3  }
0x142: {  	v1 =	vld [tilespmem:s28+$0xFFFFFF80]  }
0x143: {  	s3 =	smul.u32 $0x70, s3;
	_ =	sdelay $0x1  }
0x144: {  	s24 =	ssub.s32 s2, s3  }
0x145: {  	s2 =	sshll.u32 s24, $0x8  }
0x146: {  	[tilespmem:s2+$0x208] =	vst v1  }
0x147: {  	v1 =	vld [tilespmem:s28+$0xFFFFFF90];
	_ =	sdelay $0x4  }
0x148: {  	[tilespmem:s2+$0x218] =	vst v1  }
0x149: {  	v1 =	vld [tilespmem:s28+$0xFFFFFFA0];
	_ =	sdelay $0x4  }
0x14a: {  	[tilespmem:s2+$0x228] =	vst v1  }
0x14b: {  	v1 =	vld [tilespmem:s28+$0xFFFFFFB0];
	_ =	sdelay $0x4  }
0x14c: {  	[tilespmem:s2+$0x238] =	vst v1  }
0x14d: {  	v1 =	vld [tilespmem:s28+$0xFFFFFFC0];
	_ =	sdelay $0x4  }
0x14e: {  	[tilespmem:s2+$0x248] =	vst v1  }
0x14f: {  	v1 =	vld [tilespmem:s28+$0xFFFFFFD0];
	_ =	sdelay $0x4  }
0x150: {  	[tilespmem:s2+$0x258] =	vst v1  }
0x151: {  	v1 =	vld [tilespmem:s28+$0xFFFFFFE0];
	_ =	sdelay $0x4  }
0x152: {  	[tilespmem:s2+$0x268] =	vst v1  }
0x153: {  	v1 =	vld [tilespmem:s28+$0xFFFFFFF0];
	_ =	sdelay $0x4  }
0x154: {  	[tilespmem:s2+$0x278] =	vst v1  }
0x155: {  	v1 =	vld [tilespmem:s28+$0x0];
	_ =	sdelay $0x4  }
0x156: {  	[tilespmem:s2+$0x288] =	vst v1  }
0x157: {  	v1 =	vld [tilespmem:s28+$0x10];
	_ =	sdelay $0x4  }
0x158: {  	[tilespmem:s2+$0x298] =	vst v1  }
0x159: {  	v1 =	vld [tilespmem:s28+$0x20];
	_ =	sdelay $0x4  }
0x15a: {  	[tilespmem:s2+$0x2A8] =	vst v1  }
0x15b: {  	v1 =	vld [tilespmem:s28+$0x30];
	_ =	sdelay $0x4  }
0x15c: {  	[tilespmem:s2+$0x2B8] =	vst v1  }
0x15d: {  	v1 =	vld [tilespmem:s28+$0x40];
	_ =	sdelay $0x4  }
0x15e: {  	[tilespmem:s2+$0x2C8] =	vst v1  }
0x15f: {  	v1 =	vld [tilespmem:s28+$0x50];
	_ =	sdelay $0x4  }
0x160: {  	[tilespmem:s2+$0x2D8] =	vst v1  }
0x161: {  	v1 =	vld [tilespmem:s28+$0x60];
	_ =	sdelay $0x4  }
0x162: {  	[tilespmem:s2+$0x2E8] =	vst v1  }
0x163: {  	v1 =	vld [tilespmem:s28+$0x70]  }
.Ltmp21:
0x164: {  	_ = 	snop;
	(pc) =	sbr.rel .LBB2_23-.Ltmp21, $2  }
0x165: {  	_ =	sdelay $0x2  }
0x166: {  	s30 =	sadd.s32 $0x1, s30;
	[tilespmem:s2+$0x2F8] =	vst v1  }
.LBB2_25:
.Ltmp22:
0x167: {  	(pc) =	sbr.rel .LBB2_26-.Ltmp22, $4  }
0x168: {  	_ = 	snop  }
0x169: {  	s0 =	simm.s32 $0x2  }
0x16a: {  	_ =	swait.ge [sflag:s0], $0x0  }
0x16b: {  	s2 =	simm.s32 $0x0;
	[sflag:s0] =	ssyncset.done $0x0;
	s0 =	smov.u32 s31  }
.LBB2_28:
0x16c: {  	_ =	sfence.sel $0x180000  }
0x16d: {  	s0 =	simm.s32 $0x9;
	[bflag:$0x0] =	sbarrier.arrive $0xFFFF  }
0x16e: {  	s24 =	simm.s32 $0xA;
	[sflag:s0] =	ssyncpa.u1 $0x1  }
0x16f: {  	s25 =	simm.s32 $0xB;
	[sflag:s24] =	ssyncpa.u1 $0x1  }
0x170: {  	s26 =	simm.s32 $0x2;
	[sflag:s25] =	ssyncpa.u1 $0x1  }
0x171: {  	[sflag:s26] =	ssyncpa.u1 $0x1  }
0x172: {  	v0 =	vld [tilespmem:$0xE408];
	_ =	sdelay $0x4  }
0x173: {  	(v2sf) =	vpush v0, $0x0  }
0x174: {  	(v2sf) =	vpush v0, $0x1;
	_ =	sdelay $0x1  }
0x175: {  	(v2sf) =	vpush v0, $0x2;
	_ =	sdelay $0xb  }
0x176: {  	s0 =	spop (v2sf)  }
0x177: {  	s2 =	spop (v2sf)  }
0x178: {  	s3 =	smov.u32 s0;
	p0 =	sne.s32 s0, s2  }
0x179: {  	s4 =	spop (v2sf);
	s3 =	simm.s32 @!p0 $0xFFFFFFFF  }
0x17a: {  	v2 =	vimm.s32 $0x1;
	v3 =	vlaneseq.u32;
	p0 =	seq.s32 s4, $0xFFFFFFFF;
	v1 =	vmov s3  }
0x17b: {  	s15 =	stileid.u32;
	v0 =	vperm.xlane v0, v2;
	p1 =	sne.s32 @!p0 s0, s2;
	v1 =	vperm.xlane v1, v3  }
0x17c: {  	vm0 =	vcmask $0x3F04;
	s6 =	simm.s32 $0xE408;
	s0 =	simm.s32 @!p0 $0x1;
	p1 =	por !p1, p0  }
0x17d: {  	s3 =	sshll.u32 s15, $0x1;
	s2 =	sshll.u32 @!p0 s4, $0xA;
	s0 =	simm.s32 @p1 $0x0;
	v0 =	vsel vm0, v1, v0  }
0x17e: {  	s5 =	sor.u32 $0x2000, s3;
	s2 =	sshra.s32 @!p0 s2, $0x2;
	s0 =	sor.u32 @!p0 s0, s3;
	[tilespmem:$0xE408] =	vst v0  }
0x17f: {  	[spmem:s5] =	stream.linear.scatter [tilespmem:s6], [sflag:$0x1], $0x2, $0x38;
	[tilespmem:$0x1E678] =	vst v63  }
0x180: {  	s2 =	sadd.s32 @!p0 $0x208, s2;
	s0 =	sshll.u32 @!p0 s0, $0x8  }
0x181: {  	[spmem:s0] =	stream.linear.scatter @!p0 [tilespmem:s2], [sflag:$0x1], $0x100, $0x38;
	[tilespmem:$0x1E678] =	vst v63  }
0x182: {  	s0 =	simm.s32 @!p0 $0x102  }
0x183: {  	s28 =	simm.s32 $0x1;
	s0 =	simm.s32 @p0 $0x2  }
0x184: {  	_ =	swait.ge [sflag:s28], s0  }
0x185: {  	s0 =	ssub.s32 $0x0, s0;
	[sflag:s28] =	ssyncset.done $0x0  }
0x186: {  	p0 =	sne.s32 s15, $0x0;
	[sflag:s28] =	ssyncadd.s32 s0  }
.Ltmp23:
0x187: {  	_ =	sfence.stream.spmem;
	(pc) =	sbr.rel @p0 .LBB2_45-.Ltmp23, $4  }
0x188: {  	s29 =	simm.s32 $0x3;
	[bflag:$0x0] =	sbarrier.arrive $0xFFFF  }
0x189: {  	s30 =	simm.s32 $0x4;
	[sflag:s29] =	ssyncpa.u1 $0x1  }
0x18a: {  	s31 =	simm.s32 $0x3C;
	[sflag:s30] =	ssyncpa.u1 $0x1  }
0x18b: {  	s14 =	rddreg [dreg:$0x6];
	[sflag:s31] =	ssyncpa.u1 $0x1  }
0x18c: {  	_ =	sfence.stream.spmem;
	s0 =	simm.s32 $0x5  }
0x18d: {  	s2 =	simm.s32 $0x2000;
	s3 =	simm.s32 $0xE418;
	[sflag:s0] =	ssyncpa.u1 $0x0  }
0x18e: {  	[tilespmem:s3], [sflag:$0x5] =	stream.linear.gather [spmem:s2], $0x20, $0x38;
	[tilespmem:$0x1E678] =	vst v63  }
0x18f: {  	s26 =	simm.s32 $0x0;
	s28 =	simm.s32 $0xE438  }
0x190: {  	[tilespmem:s28], [sflag:$0x5] =	stream.linear.gather [spmem:s26], $0x2000, $0x38;
	[tilespmem:$0x1E678] =	vst v63  }
0x191: {  	_ =	swait.ge [sflag:s0], $0x2020  }
0x192: {  	[sflag:s0] =	ssyncset.done $0x0  }
0x193: {  	s29 =	simm.s32 $0x0;
	[sflag:s0] =	ssyncadd.s32 $0xFFFFDFE0  }
0x194: {  	v0 =	vld.msk [tilespmem:s29+$0xE418], $0x1;
	_ =	sdelay $0x1  }
0x195: {  	s30 =	simm.s32 $0x1  }
0x196: {  	v1 =	vld.msk [tilespmem:s30+$0xE418], $0x1;
	_ =	sdelay $0x1  }
0x197: {  	(v2sf) =	vpush v0, $0x0;
	_ =	sdelay $0x2  }
0x198: {  	(v2sf) =	vpush v1, $0x0;
	_ =	sdelay $0x2  }
0x199: {  	s31 =	simm.s32 $0x2  }
0x19a: {  	v0 =	vld.msk [tilespmem:s31+$0xE418], $0x1;
	_ =	sdelay $0x2  }
0x19b: {  	s2 =	simm.s32 $0xFFFFFFFF;
	s3 =	simm.s32 $0xFFFFFFFF;
	s0 =	simm.s32 $0xC  }
.LBB2_30:
0x19c: {  	s4 =	smov.u32 s3;
	s5 =	smov.u32 s2  }
0x19d: {  	s2 =	sshra.s32 s0, $0x2;
	p1 =	sne.s32 s0, $0x7C;
	s0 =	sadd.s32 $0x4, s0;
	(v2sf) =	vpush v0, $0x0  }
0x19e: {  	v0 =	vld.msk [tilespmem:s2+$0xE418], $0x1  }
.Ltmp24:
0x19f: {  	(pc) =	sbr.rel @p1 .LBB2_30-.Ltmp24, $4  }
0x1a0: {  	s3 =	spop (v2sf)  }
0x1a1: {  	p2 =	sne.s32 s5, $0xFFFFFFFF;
	s2 =	smov.u32 s3  }
0x1a2: {  	p3 =	seq.s32 s3, $0xFFFFFFFF;
	s2 =	smov.u32 @p2 s5  }
0x1a3: {  	s3 =	smov.u32 @p3 s4;
	s2 =	smov.u32 @p3 s5  }
0x1a4: {  	(v2sf) =	vpush v0, $0x0;
	_ =	sdelay $0x8  }
0x1a5: {  	s0 =	spop (v2sf)  }
0x1a6: {  	p1 =	sne.s32 s2, $0xFFFFFFFF;
	s9 =	simm.s32 $0x6;
	s4 =	smov.u32 s0  }
0x1a7: {  	s6 =	simm.s32 $0x0;
	p2 =	seq.s32 s0, $0xFFFFFFFF;
	s4 =	smov.u32 @p1 s2  }
0x1a8: {  	s10 =	simm.s32 $0xE308;
	s4 =	smov.u32 @p2 s2;
	s2 =	spop (v2sf)  }
0x1a9: {  	s0 =	smov.u32 @p2 s3;
	p1 =	sne.s32 s4, $0xFFFFFFFF;
	s5 =	smov.u32 s2  }
.Ltmp25:
0x1aa: {  	p2 =	seq.s32 s2, $0xFFFFFFFF;
	s5 =	smov.u32 @p1 s4;
	(pc) =	sbr.rel .LBB2_32-.Ltmp25, $4  }
0x1ab: {  	s11 =	simm.s32 $0xE388;
	s5 =	smov.u32 @p2 s4;
	s7 =	spop (v2sf)  }
0x1ac: {  	s12 =	simm.s32 $0x0;
	p1 =	sne.s32 s5, $0xFFFFFFFF;
	s8 =	smov.u32 s7  }
0x1ad: {  	s2 =	smov.u32 @p2 s0;
	p2 =	seq.s32 s7, $0xFFFFFFFF;
	s8 =	smov.u32 @p1 s5  }
0x1ae: {  	[sflag:s9] =	ssyncpa.u1 $0x0;
	s7 =	smov.u32 @p2 s2;
	s8 =	smov.u32 @p2 s5  }
.LBB2_38:
0x1af: {  	p1 =	sgt.u32 s0, $0x4E170  }
0x1b0: {  	p2 =	seq.s32 @!p1 s0, s8  }
0x1b1: {  	p1 =	por p1, p2  }
0x1b2: {  	p2 =	sne.s32 @!p1 s0, s7  }
0x1b3: {  	p1 =	por p1, !p2  }
0x1b4: {  	s0 =	sshll.u32 @p1 s12, $0xA  }
0x1b5: {  	s2 =	sand.u32 @!p1 $0x7FFF8, s0;
	s3 =	sand.u32 @!p1 $0x7, s0;
	s0 =	sadd.s32 @!p1 $0x80, s0  }
0x1b6: {  	s2 =	sadd.s32 @!p1 s1, s2;
	s0 =	sand.u32 @!p1 $0xFFFF8, s0  }
0x1b7: {  	[tilespmem:s10], [sflag:$0x6] =	stream.linear.gather @!p1 [hbm4b:s2+s3], $0x80, $0x38;
	[tilespmem:$0x1E678] =	vst v63  }
0x1b8: {  	s0 =	sadd.s32 @!p1 s1, s0  }
0x1b9: {  	[tilespmem:s11], [sflag:$0x6] =	stream.linear.gather @!p1 [hbm4b:s0+s3], $0x80, $0x38;
	[tilespmem:$0x1E678] =	vst v63  }
0x1ba: {  	_ =	swait.ge @!p1 [sflag:s9], $0x100  }
0x1bb: {  	[sflag:s9] =	ssyncset.done @!p1 $0x0  }
0x1bc: {  	[sflag:s9] =	ssyncadd.s32 @!p1 $0xFFFFFF00  }
0x1bd: {  	v1 =	vld @!p1 [tilespmem:$0xE308];
	_ =	sdelay $0x2  }
0x1be: {  	s0 =	sshll.u32 @!p1 s12, $0xA  }
0x1bf: {  	s2 =	sshrl.u32 @!p1 s0, $0x2  }
0x1c0: {  	[tilespmem:s2+$0xE438] =	vst.add.f32.msk @!p1 $0xffff, v1  }
0x1c1: {  	v1 =	vld @!p1 [tilespmem:$0xE318];
	_ =	sdelay $0x4  }
0x1c2: {  	[tilespmem:s2+$0xE448] =	vst.add.f32.msk @!p1 $0xffff, v1  }
0x1c3: {  	v1 =	vld @!p1 [tilespmem:$0xE328];
	_ =	sdelay $0x4  }
0x1c4: {  	[tilespmem:s2+$0xE458] =	vst.add.f32.msk @!p1 $0xffff, v1  }
0x1c5: {  	v1 =	vld @!p1 [tilespmem:$0xE338];
	_ =	sdelay $0x4  }
0x1c6: {  	[tilespmem:s2+$0xE468] =	vst.add.f32.msk @!p1 $0xffff, v1  }
0x1c7: {  	v1 =	vld @!p1 [tilespmem:$0xE348];
	_ =	sdelay $0x4  }
0x1c8: {  	[tilespmem:s2+$0xE478] =	vst.add.f32.msk @!p1 $0xffff, v1  }
0x1c9: {  	v1 =	vld @!p1 [tilespmem:$0xE358];
	_ =	sdelay $0x4  }
0x1ca: {  	[tilespmem:s2+$0xE488] =	vst.add.f32.msk @!p1 $0xffff, v1  }
0x1cb: {  	v1 =	vld @!p1 [tilespmem:$0xE368];
	_ =	sdelay $0x4  }
0x1cc: {  	[tilespmem:s2+$0xE498] =	vst.add.f32.msk @!p1 $0xffff, v1  }
0x1cd: {  	v1 =	vld @!p1 [tilespmem:$0xE378];
	_ =	sdelay $0x4  }
0x1ce: {  	[tilespmem:s2+$0xE4A8] =	vst.add.f32.msk @!p1 $0xffff, v1  }
0x1cf: {  	v1 =	vld @!p1 [tilespmem:$0xE388];
	_ =	sdelay $0x4  }
0x1d0: {  	[tilespmem:s2+$0xE4B8] =	vst.add.f32.msk @!p1 $0xffff, v1  }
0x1d1: {  	v1 =	vld @!p1 [tilespmem:$0xE398];
	_ =	sdelay $0x4  }
0x1d2: {  	[tilespmem:s2+$0xE4C8] =	vst.add.f32.msk @!p1 $0xffff, v1  }
0x1d3: {  	v1 =	vld @!p1 [tilespmem:$0xE3A8];
	_ =	sdelay $0x4  }
0x1d4: {  	[tilespmem:s2+$0xE4D8] =	vst.add.f32.msk @!p1 $0xffff, v1  }
0x1d5: {  	v1 =	vld @!p1 [tilespmem:$0xE3B8];
	_ =	sdelay $0x4  }
0x1d6: {  	[tilespmem:s2+$0xE4E8] =	vst.add.f32.msk @!p1 $0xffff, v1  }
0x1d7: {  	v1 =	vld @!p1 [tilespmem:$0xE3C8];
	_ =	sdelay $0x4  }
0x1d8: {  	[tilespmem:s2+$0xE4F8] =	vst.add.f32.msk @!p1 $0xffff, v1  }
0x1d9: {  	v1 =	vld @!p1 [tilespmem:$0xE3D8];
	_ =	sdelay $0x4  }
0x1da: {  	[tilespmem:s2+$0xE508] =	vst.add.f32.msk @!p1 $0xffff, v1  }
0x1db: {  	v1 =	vld @!p1 [tilespmem:$0xE3E8];
	_ =	sdelay $0x4  }
0x1dc: {  	[tilespmem:s2+$0xE518] =	vst.add.f32.msk @!p1 $0xffff, v1  }
0x1dd: {  	v1 =	vld @!p1 [tilespmem:$0xE3F8];
	_ =	sdelay $0x4  }
0x1de: {  	[tilespmem:s2+$0xE528] =	vst.add.f32.msk @!p1 $0xffff, v1  }
0x1df: {  	s0 =	sshrl.u32 s0, $0x2;
	[tilespmem:s6+$0xE418] =	vst.msk $0x1, v0  }
0x1e0: {  	v0 =	vld [tilespmem:s0+$0xE438];
	_ =	sdelay $0x2  }
0x1e1: {  	s31 =	sshll.u32 s6, $0xA  }
0x1e2: {  	s2 =	sshra.s32 s31, $0x2  }
0x1e3: {  	[tilespmem:s2+$0xE438] =	vst v0  }
0x1e4: {  	v0 =	vld [tilespmem:s0+$0xE448];
	_ =	sdelay $0x4  }
0x1e5: {  	[tilespmem:s2+$0xE448] =	vst v0  }
0x1e6: {  	v0 =	vld [tilespmem:s0+$0xE458];
	_ =	sdelay $0x4  }
0x1e7: {  	[tilespmem:s2+$0xE458] =	vst v0  }
0x1e8: {  	v0 =	vld [tilespmem:s0+$0xE468];
	_ =	sdelay $0x4  }
0x1e9: {  	[tilespmem:s2+$0xE468] =	vst v0  }
0x1ea: {  	v0 =	vld [tilespmem:s0+$0xE478];
	_ =	sdelay $0x4  }
0x1eb: {  	[tilespmem:s2+$0xE478] =	vst v0  }
0x1ec: {  	v0 =	vld [tilespmem:s0+$0xE488];
	_ =	sdelay $0x4  }
0x1ed: {  	[tilespmem:s2+$0xE488] =	vst v0  }
0x1ee: {  	v0 =	vld [tilespmem:s0+$0xE498];
	_ =	sdelay $0x4  }
0x1ef: {  	[tilespmem:s2+$0xE498] =	vst v0  }
0x1f0: {  	v0 =	vld [tilespmem:s0+$0xE4A8];
	_ =	sdelay $0x4  }
0x1f1: {  	[tilespmem:s2+$0xE4A8] =	vst v0  }
0x1f2: {  	v0 =	vld [tilespmem:s0+$0xE4B8];
	_ =	sdelay $0x4  }
0x1f3: {  	[tilespmem:s2+$0xE4B8] =	vst v0  }
0x1f4: {  	v0 =	vld [tilespmem:s0+$0xE4C8];
	_ =	sdelay $0x4  }
0x1f5: {  	[tilespmem:s2+$0xE4C8] =	vst v0  }
0x1f6: {  	v0 =	vld [tilespmem:s0+$0xE4D8];
	_ =	sdelay $0x4  }
0x1f7: {  	[tilespmem:s2+$0xE4D8] =	vst v0  }
0x1f8: {  	v0 =	vld [tilespmem:s0+$0xE4E8];
	_ =	sdelay $0x4  }
0x1f9: {  	[tilespmem:s2+$0xE4E8] =	vst v0  }
0x1fa: {  	v0 =	vld [tilespmem:s0+$0xE4F8];
	_ =	sdelay $0x4  }
0x1fb: {  	[tilespmem:s2+$0xE4F8] =	vst v0  }
0x1fc: {  	v0 =	vld [tilespmem:s0+$0xE508];
	_ =	sdelay $0x4  }
0x1fd: {  	[tilespmem:s2+$0xE508] =	vst v0  }
0x1fe: {  	v0 =	vld [tilespmem:s0+$0xE518];
	_ =	sdelay $0x4  }
0x1ff: {  	[tilespmem:s2+$0xE518] =	vst v0  }
0x200: {  	v0 =	vld [tilespmem:s0+$0xE528];
	_ =	sdelay $0x4  }
0x201: {  	s6 =	sadd.s32 $0x1, s6;
	[tilespmem:s2+$0xE528] =	vst v0  }
.LBB2_39:
0x202: {  	s12 =	sadd.s32 $0x1, s12  }
0x203: {  	p1 =	sne.s32 s12, $0x20  }
.Ltmp26:
0x204: {  	_ = 	snop;
	(pc) =	sbr.rel @!p1 .LBB2_40-.Ltmp26, $1  }
0x205: {  	_ =	sdelay $0x3  }
.LBB2_32:
0x206: {  	v0 =	vld.msk [tilespmem:s12+$0xE418], $0x1;
	_ =	sdelay $0x4  }
0x207: {  	(v2sf) =	vpush v0, $0x0;
	_ =	sdelay $0xe  }
0x208: {  	s0 =	spop (v2sf)  }
0x209: {  	p1 =	seq.s32 s0, $0xFFFFFFFF  }
.Ltmp27:
0x20a: {  	_ = 	snop;
	(pc) =	sbr.rel @p1 .LBB2_39-.Ltmp27, $1  }
0x20b: {  	_ =	sdelay $0x3  }
0x20c: {  	p1 =	slt.s32 s6, $0x1  }
.Ltmp28:
0x20d: {  	_ = 	snop;
	(pc) =	sbr.rel @p1 .LBB2_38-.Ltmp28, $1  }
0x20e: {  	_ =	sdelay $0x3  }
0x20f: {  	s4 =	simm.s32 $0xE418;
	p1 =	por $0x0, $0x0  }
0x210: {  	v1 =	vld.msk @!p1 [tilespmem:s4+$0x0], $0x1;
	_ =	sdelay $0x4  }
0x211: {  	(v2sf) =	vpush @!p1 v1, $0x0;
	_ =	sdelay $0xd  }
0x212: {  	p3 =	sne.s32 s6, $0x1  }
.Ltmp29:
0x213: {  	s2 =	spop @!p1 (v2sf);
	(pc) =	sbr.rel @!p3 .LBB2_36-.Ltmp29, $4  }
0x214: {  	p2 =	seq.s32 @!p1 s0, s2  }
0x215: {  	s5 =	simm.s32 $0x0;
	p2 =	por !p2, p1  }
0x216: {  	s2 =	simm.s32 $0xFFFFFFFF;
	s5 =	simm.s32 @p2 $0xFFFFFFFF  }
0x217: {  	s13 =	simm.s32 $0x1;
	s5 =	smov.u32 @p1 s2  }
.LBB2_35:
0x218: {  	s2 =	smov.u32 s5;
	p1 =	sne.s32 s5, $0xFFFFFFFF  }
0x219: {  	s4 =	sadd.s32 $0x1, s4;
	s5 =	smov.u32 s13;
	s13 =	sadd.s32 $0x1, s13  }
0x21a: {  	p2 =	sne.s32 s6, s13;
	v1 =	vld.msk @!p1 [tilespmem:s4+$0x0], $0x1;
	_ =	sdelay $0x4  }
0x21b: {  	(v2sf) =	vpush @!p1 v1, $0x0;
	_ =	sdelay $0xe  }
.Ltmp30:
0x21c: {  	s3 =	spop @!p1 (v2sf);
	(pc) =	sbr.rel @p2 .LBB2_35-.Ltmp30, $4  }
0x21d: {  	p3 =	seq.s32 @!p1 s0, s3  }
0x21e: {  	p3 =	por !p3, p1  }
0x21f: {  	s5 =	simm.s32 @p3 $0xFFFFFFFF  }
0x220: {  	s5 =	smov.u32 @p1 s2  }
.LBB2_36:
0x221: {  	p1 =	seq.s32 s5, $0xFFFFFFFF  }
.Ltmp31:
0x222: {  	_ = 	snop;
	(pc) =	sbr.rel @p1 .LBB2_38-.Ltmp31, $1  }
0x223: {  	_ =	sdelay $0x3  }
0x224: {  	s0 =	sshll.u32 s12, $0x8  }
0x225: {  	s0 =	sand.u32 $0x3FFFFF00, s0  }
0x226: {  	v0 =	vld [tilespmem:s0+$0xE438];
	_ =	sdelay $0x2  }
0x227: {  	s2 =	sshll.u32 s5, $0xA  }
0x228: {  	s2 =	sshra.s32 s2, $0x2  }
0x229: {  	[tilespmem:s2+$0xE438] =	vst.add.f32.msk $0xffff, v0  }
0x22a: {  	v0 =	vld [tilespmem:s0+$0xE448];
	_ =	sdelay $0x4  }
0x22b: {  	[tilespmem:s2+$0xE448] =	vst.add.f32.msk $0xffff, v0  }
0x22c: {  	v0 =	vld [tilespmem:s0+$0xE458];
	_ =	sdelay $0x4  }
0x22d: {  	[tilespmem:s2+$0xE458] =	vst.add.f32.msk $0xffff, v0  }
0x22e: {  	v0 =	vld [tilespmem:s0+$0xE468];
	_ =	sdelay $0x4  }
0x22f: {  	[tilespmem:s2+$0xE468] =	vst.add.f32.msk $0xffff, v0  }
0x230: {  	v0 =	vld [tilespmem:s0+$0xE478];
	_ =	sdelay $0x4  }
0x231: {  	[tilespmem:s2+$0xE478] =	vst.add.f32.msk $0xffff, v0  }
0x232: {  	v0 =	vld [tilespmem:s0+$0xE488];
	_ =	sdelay $0x4  }
0x233: {  	[tilespmem:s2+$0xE488] =	vst.add.f32.msk $0xffff, v0  }
0x234: {  	v0 =	vld [tilespmem:s0+$0xE498];
	_ =	sdelay $0x4  }
0x235: {  	[tilespmem:s2+$0xE498] =	vst.add.f32.msk $0xffff, v0  }
0x236: {  	v0 =	vld [tilespmem:s0+$0xE4A8];
	_ =	sdelay $0x4  }
0x237: {  	[tilespmem:s2+$0xE4A8] =	vst.add.f32.msk $0xffff, v0  }
0x238: {  	v0 =	vld [tilespmem:s0+$0xE4B8];
	_ =	sdelay $0x4  }
0x239: {  	[tilespmem:s2+$0xE4B8] =	vst.add.f32.msk $0xffff, v0  }
0x23a: {  	v0 =	vld [tilespmem:s0+$0xE4C8];
	_ =	sdelay $0x4  }
0x23b: {  	[tilespmem:s2+$0xE4C8] =	vst.add.f32.msk $0xffff, v0  }
0x23c: {  	v0 =	vld [tilespmem:s0+$0xE4D8];
	_ =	sdelay $0x4  }
0x23d: {  	[tilespmem:s2+$0xE4D8] =	vst.add.f32.msk $0xffff, v0  }
0x23e: {  	v0 =	vld [tilespmem:s0+$0xE4E8];
	_ =	sdelay $0x4  }
0x23f: {  	[tilespmem:s2+$0xE4E8] =	vst.add.f32.msk $0xffff, v0  }
0x240: {  	v0 =	vld [tilespmem:s0+$0xE4F8];
	_ =	sdelay $0x4  }
0x241: {  	[tilespmem:s2+$0xE4F8] =	vst.add.f32.msk $0xffff, v0  }
0x242: {  	v0 =	vld [tilespmem:s0+$0xE508];
	_ =	sdelay $0x4  }
0x243: {  	[tilespmem:s2+$0xE508] =	vst.add.f32.msk $0xffff, v0  }
0x244: {  	v0 =	vld [tilespmem:s0+$0xE518];
	_ =	sdelay $0x4  }
0x245: {  	[tilespmem:s2+$0xE518] =	vst.add.f32.msk $0xffff, v0  }
0x246: {  	v0 =	vld [tilespmem:s0+$0xE528]  }
.Ltmp32:
0x247: {  	_ = 	snop;
	(pc) =	sbr.rel .LBB2_39-.Ltmp32, $2  }
0x248: {  	_ =	sdelay $0x2  }
0x249: {  	[tilespmem:s2+$0xE528] =	vst.add.f32.msk $0xffff, v0  }
.LBB2_40:
0x24a: {  	s0 =	simm.s32 $0x6;
	p1 =	seq.s32 s6, $0x0  }
0x24b: {  	[sflag:s0] =	ssyncpa.u1 $0x1;
	v0 =	vimm.s32 @p1 $0xFFFFFFFF  }
0x24c: {  	s0 =	sadd.s32 $0xFFFFFFFF, s6;
	[tilespmem:$0x10438] =	vst @p1 v0  }
0x24d: {  	v0 =	vld.msk @!p1 [tilespmem:s0+$0xE418], $0x1;
	_ =	sdelay $0x1  }
0x24e: {  	v1 =	vld.msk @!p1 [tilespmem:$0xE418], $0x1;
	_ =	sdelay $0x2  }
0x24f: {  	p2 =	seq.s32 @!p1 s0, $0x0;
	v0 =	vbroadcast @!p1 v0, $0x0  }
0x250: {  	vm0 =	vmmov @!p1 $0x1;
	p2 =	por !p2, p1  }
0x251: {  	v1 =	vnsel @!p1 vm0, $0xFFFFFFFF, v1;
	vm0 =	vcmask @!p1 $0x308;
	v0 =	vpsel !p2, $0xFFFFFFFF, v0  }
0x252: {  	p2 =	sne.s32 @!p1 s8, s7;
	v0 =	vsel @!p1 vm0, v1, v0  }
0x253: {  	s2 =	simm.s32 @!p1 $0xE438;
	s3 =	simm.s32 @!p1 $0x0;
	p3 =	por !p2, p1;
	[tilespmem:$0x10438] =	vst @!p1 v0  }
0x254: {  	[spmem:s3] =	stream.linear.scatter @!p1 [tilespmem:s2], [sflag:$0x1], $0x100, $0x38;
	[tilespmem:$0x1E678] =	vst v63  }
0x255: {  	s2 =	sshll.u32 @!p3 s0, $0xA  }
0x256: {  	s2 =	sshra.s32 @!p3 s2, $0x2  }
0x257: {  	s3 =	simm.s32 @!p3 $0x100;
	s2 =	sadd.s32 @!p3 $0xE438, s2  }
0x258: {  	[spmem:s3] =	stream.linear.scatter @!p3 [tilespmem:s2], [sflag:$0x1], $0x100, $0x38;
	[tilespmem:$0x1E678] =	vst v63  }
0x259: {  	s2 =	simm.s32 @!p3 $0x1  }
0x25a: {  	_ =	swait.ge @!p3 [sflag:s2], $0x200  }
0x25b: {  	p1 =	por p2, p1;
	[sflag:s2] =	ssyncset.done @!p3 $0x0  }
0x25c: {  	[sflag:s2] =	ssyncadd.s32 @!p3 $0xFFFFFE00;
	s2 =	simm.s32 @!p1 $0x1  }
0x25d: {  	_ =	swait.ge @!p1 [sflag:s2], $0x100  }
0x25e: {  	s29 =	simm.s32 $0x10438;
	[sflag:s2] =	ssyncset.done @!p1 $0x0  }
0x25f: {  	s30 =	simm.s32 $0x2000;
	s31 =	simm.s32 $0x1;
	[sflag:s2] =	ssyncadd.s32 @!p1 $0xFFFFFF00  }
0x260: {  	[spmem:s30] =	stream.linear.scatter [tilespmem:s29], [sflag:$0x1], $0x10, $0x38;
	[tilespmem:$0x1E678] =	vst v63  }
0x261: {  	_ =	swait.ge [sflag:s31], $0x10  }
0x262: {  	[sflag:s31] =	ssyncset.done $0x0  }
0x263: {  	p1 =	seq.s32 s14, $0x0;
	s9 =	rddreg [dreg:$0x3];
	[sflag:s31] =	ssyncadd.s32 $0xFFFFFFF0  }
0x264: {  	s3 =	sshll.u32 @p1 s9, $0xE;
	s8 =	rddreg [dreg:$0x4]  }
0x265: {  	s2 =	sadd.s32 @p1 $0x15C3C, s3;
	s3 =	sshll.u32 @p1 s8, $0x11  }
0x266: {  	_ =	sfence.stream.spmem;
	s2 =	sor.u32 @p1 s3, s2  }
0x267: {  	[sflag:s2] =	ssyncadd.remote.s32 @p1 $0x1;
	s2 =	simm.s32 @p1 $0x4  }
0x268: {  	s4 =	simm.s32 @!p1 $0x3C;
	s3 =	sand.u32 $0xFFFFFFFE, s9;
	_ =	swait.ge @p1 [sflag:s2], $0x42  }
0x269: {  	s5 =	simm.s32 @!p1 $0x0;
	s3 =	sadd.s32 @!p1 $0x4, s3;
	[sflag:s2] =	ssyncset.done @p1 $0x0  }
0x26a: {  	s7 =	simm.s32 @!p1 $0x200;
	[sflag:s2] =	ssyncadd.s32 @p1 $0xFFFFFFBE;
	s2 =	sshll.u32 @!p1 s3, $0x1A  }
0x26b: {  	s3 =	sshll.u32 @!p1 s3, $0xD;
	s2 =	sor.u32 @!p1 s2, s8;
	_ =	swait.eq @!p1 [sflag:s4], $0x1  }
0x26c: {  	s3 =	sor.u32 @!p1 $0x1C04, s3;
	s4 =	simm.s32 @!p1 $0x1C03;
	s2 =	sor.u32 @!p1 $0x80004000, s2  }
0x26d: {  	[spmem:s7], [sflag:s3] =	dma.general @!p1 [spmem:s5], [sflag:s4], length:$0x40, [dreg:$0x0], stride_count:$0x0, ici_dest:s2, dma_misc:DstOpCode:WRITE  }
0x26e: {  	p2 =	slt.s32 s0, $0x2;
	s5 =	simm.s32 @!p1 $0x400;
	s7 =	simm.s32 @!p1 $0x402  }
0x26f: {  	[spmem:s7], [sflag:s3] =	dma.general @!p1 [spmem:s5], [sflag:s4], length:$0x2, [dreg:$0x0], stride_count:$0x0, ici_dest:s2, dma_misc:DstOpCode:WRITE  }
.Ltmp33:
0x270: {  	s2 =	simm.s32 @!p1 $0x3;
	(pc) =	sbr.rel @p2 .LBB2_44-.Ltmp33, $4  }
0x271: {  	s3 =	sshll.u32 @!p1 s9, $0xE;
	_ =	swait.ge @!p1 [sflag:s2], $0x42  }
0x272: {  	s4 =	sshll.u32 @!p1 s8, $0x11;
	s3 =	sadd.s32 @!p1 $0x11C3C, s3;
	[sflag:s2] =	ssyncset.done @!p1 $0x0  }
0x273: {  	[sflag:s2] =	ssyncadd.s32 @!p1 $0xFFFFFFBE;
	s2 =	sor.u32 @!p1 s4, s3  }
0x274: {  	s0 =	simm.s32 $0x0;
	[sflag:s2] =	ssyncadd.remote.s32 @!p1 $0xFFFFFFFF  }
0x275: {  	s0 =	simm.s32 $0xE419  }
0x276: {  	v0 =	vld.msk [tilespmem:s0+$0x0], $0x1;
	_ =	sdelay $0x4  }
0x277: {  	(v2sf) =	vpush v0, $0x0;
	_ =	sdelay $0xd  }
0x278: {  	s31 =	sadd.s32 $0xFFFFFFFE, s6  }
0x279: {  	s6 =	simm.s32 $0x0;
	s0 =	sadd.s32 $0xFFFFFFFF, s31;
	s2 =	spop (v2sf)  }
0x27a: {  	s3 =	simm.s32 $0xE538;
	p1 =	sne.s32 s0, $0x0;
	p2 =	sgt.u32 s2, $0x4E170  }
.Ltmp34:
0x27b: {  	s4 =	simm.s32 $0xE638;
	s5 =	sand.u32 @!p2 $0x7FFF8, s2;
	(pc) =	sbr.rel @!p1 .LBB2_43-.Ltmp34, $4  }
0x27c: {  	s7 =	sadd.s32 @!p2 $0x80, s2;
	s2 =	sand.u32 @!p2 $0x7, s2;
	s6 =	simm.s32 @!p2 $0x400  }
0x27d: {  	s5 =	sadd.s32 @!p2 s1, s5;
	s7 =	sand.u32 @!p2 $0xFFFF8, s7;
	s6 =	sadd.s32 $0x0, s6  }
0x27e: {  	[hbm4b:s5+s2] =	stream.linear.scatter @!p2 [tilespmem:s3], [sflag:$0x5], $0x80, $0x38;
	[tilespmem:$0x1E678] =	vst v63  }
0x27f: {  	s5 =	simm.s32 $0xE41A;
	s3 =	simm.s32 @!p2 $0xE5B8;
	s7 =	sadd.s32 @!p2 s1, s7  }
.LBB2_42:
0x280: {  	[hbm4b:s7+s2] =	stream.linear.scatter @!p2 [tilespmem:s3], [sflag:$0x5], $0x80, $0x38;
	[tilespmem:$0x1E678] =	vst v63  }
0x281: {  	s0 =	sadd.s32 $0xFFFFFFFF, s0;
	s3 =	smov.u32 s4;
	v0 =	vld.msk [tilespmem:s5+$0x0], $0x1  }
0x282: {  	p1 =	sne.s32 s0, $0x0;
	_ =	sdelay $0x3  }
0x283: {  	(v2sf) =	vpush v0, $0x0;
	_ =	sdelay $0xe  }
0x284: {  	s4 =	sadd.s32 $0x100, s4;
	s8 =	simm.s32 $0x0;
	s2 =	spop (v2sf)  }
.Ltmp35:
0x285: {  	s5 =	sadd.s32 $0x1, s5;
	p2 =	sgt.u32 s2, $0x4E170;
	(pc) =	sbr.rel @p1 .LBB2_42-.Ltmp35, $4  }
0x286: {  	s8 =	simm.s32 @!p2 $0x400;
	s7 =	sand.u32 @!p2 $0x7FFF8, s2;
	s9 =	sadd.s32 @!p2 $0x80, s2  }
0x287: {  	s2 =	sand.u32 @!p2 $0x7, s2;
	s7 =	sadd.s32 @!p2 s1, s7;
	s9 =	sand.u32 @!p2 $0xFFFF8, s9  }
0x288: {  	[hbm4b:s7+s2] =	stream.linear.scatter @!p2 [tilespmem:s3], [sflag:$0x5], $0x80, $0x38;
	[tilespmem:$0x1E678] =	vst v63  }
0x289: {  	s6 =	sadd.s32 s6, s8;
	s3 =	sadd.s32 @!p2 $0x80, s3;
	s7 =	sadd.s32 @!p2 s1, s9  }
.LBB2_43:
0x28a: {  	[hbm4b:s7+s2] =	stream.linear.scatter @!p2 [tilespmem:s3], [sflag:$0x5], $0x80, $0x38;
	[tilespmem:$0x1E678] =	vst v63  }
0x28b: {  	s0 =	sshrl.u32 s6, $0x2  }
.LBB2_44:
0x28c: {  	s2 =	simm.s32 $0x5  }
0x28d: {  	_ =	swait.ge [sflag:s2], s0  }
0x28e: {  	s31 =	ssub.s32 $0x0, s0;
	[sflag:s2] =	ssyncset.done $0x0  }
0x28f: {  	[sflag:s2] =	ssyncadd.s32 s31  }
0x290: {  	[sflag:s2] =	ssyncpa.u1 $0x1  }
.LBB2_45:
0x291: {  	s0 =	sor.u32 s14, s15  }
0x292: {  	p1 =	sne.s32 s0, $0x0  }
.Ltmp36:
0x293: {  	_ = 	snop;
	(pc) =	sbr.rel @p1 .LBB2_60-.Ltmp36, $3  }
0x294: {  	_ =	sdelay $0x1  }
0x295: {  	[bflag:$0x0] =	sbarrier.arrive $0xFFFF  }
0x296: {  	_ =	sfence  }
0x297: {  	s0 =	simm.s32 $0x7  }
0x298: {  	s2 =	simm.s32 $0x2000;
	s3 =	simm.s32 $0xE418;
	[sflag:s0] =	ssyncpa.u1 $0x0  }
0x299: {  	[tilespmem:s3], [sflag:$0x7] =	stream.linear.gather [spmem:s2], $0x20, $0x38;
	[tilespmem:$0x1E678] =	vst v63  }
0x29a: {  	s30 =	simm.s32 $0xE438;
	s2 =	simm.s32 $0x0  }
0x29b: {  	[tilespmem:s30], [sflag:$0x7] =	stream.linear.gather [spmem:s2], $0x2000, $0x38;
	[tilespmem:$0x1E678] =	vst v63  }
.Ltmp37:
0x29c: {  	_ = 	snop;
	(pc) =	sbr.rel .LBB2_47-.Ltmp37, $4  }
0x29d: {  	_ =	swait.ge [sflag:s0], $0x2020  }
0x29e: {  	[sflag:s0] =	ssyncset.done $0x0  }
0x29f: {  	s31 =	simm.s32 $0x8;
	[sflag:s0] =	ssyncadd.s32 $0xFFFFDFE0  }
0x2a0: {  	s3 =	simm.s32 $0x0;
	[sflag:s31] =	ssyncpa.u1 $0x0  }
.LBB2_53:
0x2a1: {  	p1 =	slt.u32 s0, $0x4E171  }
0x2a2: {  	s4 =	sand.u32 @p1 $0x7FFF8, s0;
	s5 =	sand.u32 @p1 $0x7, s0;
	s0 =	sadd.s32 @p1 $0x80, s0  }
0x2a3: {  	s6 =	simm.s32 @p1 $0xE308;
	s4 =	sadd.s32 @p1 s1, s4;
	s0 =	sand.u32 @p1 $0xFFFF8, s0  }
0x2a4: {  	[tilespmem:s6], [sflag:$0x8] =	stream.linear.gather @p1 [hbm4b:s4+s5], $0x80, $0x38;
	[tilespmem:$0x1E678] =	vst v63  }
0x2a5: {  	s0 =	sadd.s32 @p1 s1, s0;
	s4 =	simm.s32 @p1 $0xE388  }
0x2a6: {  	[tilespmem:s4], [sflag:$0x8] =	stream.linear.gather @p1 [hbm4b:s0+s5], $0x80, $0x38;
	[tilespmem:$0x1E678] =	vst v63  }
0x2a7: {  	s0 =	simm.s32 @p1 $0x8  }
0x2a8: {  	_ =	swait.ge @p1 [sflag:s0], $0x100  }
0x2a9: {  	[sflag:s0] =	ssyncset.done @p1 $0x0  }
0x2aa: {  	[sflag:s0] =	ssyncadd.s32 @p1 $0xFFFFFF00  }
0x2ab: {  	v1 =	vld @p1 [tilespmem:$0xE308];
	_ =	sdelay $0x2  }
0x2ac: {  	s0 =	sshll.u32 @p1 s3, $0xA  }
0x2ad: {  	s4 =	sshrl.u32 @p1 s0, $0x2  }
0x2ae: {  	[tilespmem:s4+$0xE438] =	vst.add.f32.msk @p1 $0xffff, v1  }
0x2af: {  	v1 =	vld @p1 [tilespmem:$0xE318];
	_ =	sdelay $0x4  }
0x2b0: {  	[tilespmem:s4+$0xE448] =	vst.add.f32.msk @p1 $0xffff, v1  }
0x2b1: {  	v1 =	vld @p1 [tilespmem:$0xE328];
	_ =	sdelay $0x4  }
0x2b2: {  	[tilespmem:s4+$0xE458] =	vst.add.f32.msk @p1 $0xffff, v1  }
0x2b3: {  	v1 =	vld @p1 [tilespmem:$0xE338];
	_ =	sdelay $0x4  }
0x2b4: {  	[tilespmem:s4+$0xE468] =	vst.add.f32.msk @p1 $0xffff, v1  }
0x2b5: {  	v1 =	vld @p1 [tilespmem:$0xE348];
	_ =	sdelay $0x4  }
0x2b6: {  	[tilespmem:s4+$0xE478] =	vst.add.f32.msk @p1 $0xffff, v1  }
0x2b7: {  	v1 =	vld @p1 [tilespmem:$0xE358];
	_ =	sdelay $0x4  }
0x2b8: {  	[tilespmem:s4+$0xE488] =	vst.add.f32.msk @p1 $0xffff, v1  }
0x2b9: {  	v1 =	vld @p1 [tilespmem:$0xE368];
	_ =	sdelay $0x4  }
0x2ba: {  	[tilespmem:s4+$0xE498] =	vst.add.f32.msk @p1 $0xffff, v1  }
0x2bb: {  	v1 =	vld @p1 [tilespmem:$0xE378];
	_ =	sdelay $0x4  }
0x2bc: {  	[tilespmem:s4+$0xE4A8] =	vst.add.f32.msk @p1 $0xffff, v1  }
0x2bd: {  	v1 =	vld @p1 [tilespmem:$0xE388];
	_ =	sdelay $0x4  }
0x2be: {  	[tilespmem:s4+$0xE4B8] =	vst.add.f32.msk @p1 $0xffff, v1  }
0x2bf: {  	v1 =	vld @p1 [tilespmem:$0xE398];
	_ =	sdelay $0x4  }
0x2c0: {  	[tilespmem:s4+$0xE4C8] =	vst.add.f32.msk @p1 $0xffff, v1  }
0x2c1: {  	v1 =	vld @p1 [tilespmem:$0xE3A8];
	_ =	sdelay $0x4  }
0x2c2: {  	[tilespmem:s4+$0xE4D8] =	vst.add.f32.msk @p1 $0xffff, v1  }
0x2c3: {  	v1 =	vld @p1 [tilespmem:$0xE3B8];
	_ =	sdelay $0x4  }
0x2c4: {  	[tilespmem:s4+$0xE4E8] =	vst.add.f32.msk @p1 $0xffff, v1  }
0x2c5: {  	v1 =	vld @p1 [tilespmem:$0xE3C8];
	_ =	sdelay $0x4  }
0x2c6: {  	[tilespmem:s4+$0xE4F8] =	vst.add.f32.msk @p1 $0xffff, v1  }
0x2c7: {  	v1 =	vld @p1 [tilespmem:$0xE3D8];
	_ =	sdelay $0x4  }
0x2c8: {  	[tilespmem:s4+$0xE508] =	vst.add.f32.msk @p1 $0xffff, v1  }
0x2c9: {  	v1 =	vld @p1 [tilespmem:$0xE3E8];
	_ =	sdelay $0x4  }
0x2ca: {  	[tilespmem:s4+$0xE518] =	vst.add.f32.msk @p1 $0xffff, v1  }
0x2cb: {  	v1 =	vld @p1 [tilespmem:$0xE3F8];
	_ =	sdelay $0x3  }
0x2cc: {  	s5 =	sshll.u32 @!p1 s3, $0xA  }
0x2cd: {  	s5 =	smov.u32 @p1 s0;
	[tilespmem:s4+$0xE528] =	vst.add.f32.msk @p1 $0xffff, v1  }
0x2ce: {  	s0 =	sshrl.u32 s5, $0x2;
	[tilespmem:s2+$0xE418] =	vst.msk $0x1, v0  }
0x2cf: {  	v0 =	vld [tilespmem:s0+$0xE438];
	_ =	sdelay $0x2  }
0x2d0: {  	s31 =	sshll.u32 s2, $0xA  }
0x2d1: {  	s4 =	sshra.s32 s31, $0x2  }
0x2d2: {  	[tilespmem:s4+$0xE438] =	vst v0  }
0x2d3: {  	v0 =	vld [tilespmem:s0+$0xE448];
	_ =	sdelay $0x4  }
0x2d4: {  	[tilespmem:s4+$0xE448] =	vst v0  }
0x2d5: {  	v0 =	vld [tilespmem:s0+$0xE458];
	_ =	sdelay $0x4  }
0x2d6: {  	[tilespmem:s4+$0xE458] =	vst v0  }
0x2d7: {  	v0 =	vld [tilespmem:s0+$0xE468];
	_ =	sdelay $0x4  }
0x2d8: {  	[tilespmem:s4+$0xE468] =	vst v0  }
0x2d9: {  	v0 =	vld [tilespmem:s0+$0xE478];
	_ =	sdelay $0x4  }
0x2da: {  	[tilespmem:s4+$0xE478] =	vst v0  }
0x2db: {  	v0 =	vld [tilespmem:s0+$0xE488];
	_ =	sdelay $0x4  }
0x2dc: {  	[tilespmem:s4+$0xE488] =	vst v0  }
0x2dd: {  	v0 =	vld [tilespmem:s0+$0xE498];
	_ =	sdelay $0x4  }
0x2de: {  	[tilespmem:s4+$0xE498] =	vst v0  }
0x2df: {  	v0 =	vld [tilespmem:s0+$0xE4A8];
	_ =	sdelay $0x4  }
0x2e0: {  	[tilespmem:s4+$0xE4A8] =	vst v0  }
0x2e1: {  	v0 =	vld [tilespmem:s0+$0xE4B8];
	_ =	sdelay $0x4  }
0x2e2: {  	[tilespmem:s4+$0xE4B8] =	vst v0  }
0x2e3: {  	v0 =	vld [tilespmem:s0+$0xE4C8];
	_ =	sdelay $0x4  }
0x2e4: {  	[tilespmem:s4+$0xE4C8] =	vst v0  }
0x2e5: {  	v0 =	vld [tilespmem:s0+$0xE4D8];
	_ =	sdelay $0x4  }
0x2e6: {  	[tilespmem:s4+$0xE4D8] =	vst v0  }
0x2e7: {  	v0 =	vld [tilespmem:s0+$0xE4E8];
	_ =	sdelay $0x4  }
0x2e8: {  	[tilespmem:s4+$0xE4E8] =	vst v0  }
0x2e9: {  	v0 =	vld [tilespmem:s0+$0xE4F8];
	_ =	sdelay $0x4  }
0x2ea: {  	[tilespmem:s4+$0xE4F8] =	vst v0  }
0x2eb: {  	v0 =	vld [tilespmem:s0+$0xE508];
	_ =	sdelay $0x4  }
0x2ec: {  	[tilespmem:s4+$0xE508] =	vst v0  }
0x2ed: {  	v0 =	vld [tilespmem:s0+$0xE518];
	_ =	sdelay $0x4  }
0x2ee: {  	[tilespmem:s4+$0xE518] =	vst v0  }
0x2ef: {  	v0 =	vld [tilespmem:s0+$0xE528];
	_ =	sdelay $0x4  }
0x2f0: {  	s2 =	sadd.s32 $0x1, s2;
	[tilespmem:s4+$0xE528] =	vst v0  }
.LBB2_54:
0x2f1: {  	s3 =	sadd.s32 $0x1, s3  }
0x2f2: {  	p1 =	sne.s32 s3, $0x20  }
.Ltmp38:
0x2f3: {  	_ = 	snop;
	(pc) =	sbr.rel @!p1 .LBB2_55-.Ltmp38, $1  }
0x2f4: {  	_ =	sdelay $0x3  }
.LBB2_47:
0x2f5: {  	v0 =	vld.msk [tilespmem:s3+$0xE418], $0x1;
	_ =	sdelay $0x4  }
0x2f6: {  	(v2sf) =	vpush v0, $0x0;
	_ =	sdelay $0xe  }
0x2f7: {  	s0 =	spop (v2sf)  }
0x2f8: {  	p1 =	seq.s32 s0, $0xFFFFFFFF  }
.Ltmp39:
0x2f9: {  	_ = 	snop;
	(pc) =	sbr.rel @p1 .LBB2_54-.Ltmp39, $1  }
0x2fa: {  	_ =	sdelay $0x3  }
0x2fb: {  	p1 =	slt.s32 s2, $0x1  }
.Ltmp40:
0x2fc: {  	_ = 	snop;
	(pc) =	sbr.rel @p1 .LBB2_53-.Ltmp40, $1  }
0x2fd: {  	_ =	sdelay $0x3  }
0x2fe: {  	s4 =	simm.s32 $0xE418;
	p1 =	por $0x0, $0x0  }
0x2ff: {  	v1 =	vld.msk @!p1 [tilespmem:s4+$0x0], $0x1;
	_ =	sdelay $0x4  }
0x300: {  	(v2sf) =	vpush @!p1 v1, $0x0;
	_ =	sdelay $0xd  }
0x301: {  	p3 =	sne.s32 s2, $0x1  }
.Ltmp41:
0x302: {  	s5 =	spop @!p1 (v2sf);
	(pc) =	sbr.rel @!p3 .LBB2_51-.Ltmp41, $4  }
0x303: {  	p2 =	seq.s32 @!p1 s0, s5  }
0x304: {  	s5 =	simm.s32 $0x0;
	p2 =	por !p2, p1  }
0x305: {  	s7 =	simm.s32 $0xFFFFFFFF;
	s5 =	simm.s32 @p2 $0xFFFFFFFF  }
0x306: {  	s6 =	simm.s32 $0x1;
	s5 =	smov.u32 @p1 s7  }
.LBB2_50:
0x307: {  	s7 =	smov.u32 s5;
	p1 =	sne.s32 s5, $0xFFFFFFFF  }
0x308: {  	s4 =	sadd.s32 $0x1, s4;
	s5 =	smov.u32 s6;
	s6 =	sadd.s32 $0x1, s6  }
0x309: {  	p2 =	sne.s32 s2, s6;
	v1 =	vld.msk @!p1 [tilespmem:s4+$0x0], $0x1;
	_ =	sdelay $0x4  }
0x30a: {  	(v2sf) =	vpush @!p1 v1, $0x0;
	_ =	sdelay $0xe  }
.Ltmp42:
0x30b: {  	s8 =	spop @!p1 (v2sf);
	(pc) =	sbr.rel @p2 .LBB2_50-.Ltmp42, $4  }
0x30c: {  	p3 =	seq.s32 @!p1 s0, s8  }
0x30d: {  	p3 =	por !p3, p1  }
0x30e: {  	s5 =	simm.s32 @p3 $0xFFFFFFFF  }
0x30f: {  	s5 =	smov.u32 @p1 s7  }
.LBB2_51:
0x310: {  	p1 =	seq.s32 s5, $0xFFFFFFFF  }
.Ltmp43:
0x311: {  	_ = 	snop;
	(pc) =	sbr.rel @p1 .LBB2_53-.Ltmp43, $1  }
0x312: {  	_ =	sdelay $0x3  }
0x313: {  	s0 =	sshll.u32 s3, $0x8  }
0x314: {  	s0 =	sand.u32 $0x3FFFFF00, s0  }
0x315: {  	v0 =	vld [tilespmem:s0+$0xE438];
	_ =	sdelay $0x2  }
0x316: {  	s4 =	sshll.u32 s5, $0xA  }
0x317: {  	s4 =	sshra.s32 s4, $0x2  }
0x318: {  	[tilespmem:s4+$0xE438] =	vst.add.f32.msk $0xffff, v0  }
0x319: {  	v0 =	vld [tilespmem:s0+$0xE448];
	_ =	sdelay $0x4  }
0x31a: {  	[tilespmem:s4+$0xE448] =	vst.add.f32.msk $0xffff, v0  }
0x31b: {  	v0 =	vld [tilespmem:s0+$0xE458];
	_ =	sdelay $0x4  }
0x31c: {  	[tilespmem:s4+$0xE458] =	vst.add.f32.msk $0xffff, v0  }
0x31d: {  	v0 =	vld [tilespmem:s0+$0xE468];
	_ =	sdelay $0x4  }
0x31e: {  	[tilespmem:s4+$0xE468] =	vst.add.f32.msk $0xffff, v0  }
0x31f: {  	v0 =	vld [tilespmem:s0+$0xE478];
	_ =	sdelay $0x4  }
0x320: {  	[tilespmem:s4+$0xE478] =	vst.add.f32.msk $0xffff, v0  }
0x321: {  	v0 =	vld [tilespmem:s0+$0xE488];
	_ =	sdelay $0x4  }
0x322: {  	[tilespmem:s4+$0xE488] =	vst.add.f32.msk $0xffff, v0  }
0x323: {  	v0 =	vld [tilespmem:s0+$0xE498];
	_ =	sdelay $0x4  }
0x324: {  	[tilespmem:s4+$0xE498] =	vst.add.f32.msk $0xffff, v0  }
0x325: {  	v0 =	vld [tilespmem:s0+$0xE4A8];
	_ =	sdelay $0x4  }
0x326: {  	[tilespmem:s4+$0xE4A8] =	vst.add.f32.msk $0xffff, v0  }
0x327: {  	v0 =	vld [tilespmem:s0+$0xE4B8];
	_ =	sdelay $0x4  }
0x328: {  	[tilespmem:s4+$0xE4B8] =	vst.add.f32.msk $0xffff, v0  }
0x329: {  	v0 =	vld [tilespmem:s0+$0xE4C8];
	_ =	sdelay $0x4  }
0x32a: {  	[tilespmem:s4+$0xE4C8] =	vst.add.f32.msk $0xffff, v0  }
0x32b: {  	v0 =	vld [tilespmem:s0+$0xE4D8];
	_ =	sdelay $0x4  }
0x32c: {  	[tilespmem:s4+$0xE4D8] =	vst.add.f32.msk $0xffff, v0  }
0x32d: {  	v0 =	vld [tilespmem:s0+$0xE4E8];
	_ =	sdelay $0x4  }
0x32e: {  	[tilespmem:s4+$0xE4E8] =	vst.add.f32.msk $0xffff, v0  }
0x32f: {  	v0 =	vld [tilespmem:s0+$0xE4F8];
	_ =	sdelay $0x4  }
0x330: {  	[tilespmem:s4+$0xE4F8] =	vst.add.f32.msk $0xffff, v0  }
0x331: {  	v0 =	vld [tilespmem:s0+$0xE508];
	_ =	sdelay $0x4  }
0x332: {  	[tilespmem:s4+$0xE508] =	vst.add.f32.msk $0xffff, v0  }
0x333: {  	v0 =	vld [tilespmem:s0+$0xE518];
	_ =	sdelay $0x4  }
0x334: {  	[tilespmem:s4+$0xE518] =	vst.add.f32.msk $0xffff, v0  }
0x335: {  	v0 =	vld [tilespmem:s0+$0xE528]  }
.Ltmp44:
0x336: {  	_ = 	snop;
	(pc) =	sbr.rel .LBB2_54-.Ltmp44, $2  }
0x337: {  	_ =	sdelay $0x2  }
0x338: {  	[tilespmem:s4+$0xE528] =	vst.add.f32.msk $0xffff, v0  }
.LBB2_55:
0x339: {  	p1 =	slt.s32 s2, $0x1  }
.Ltmp45:
0x33a: {  	_ = 	snop;
	(pc) =	sbr.rel @p1 .LBB2_59-.Ltmp45, $3  }
0x33b: {  	_ =	sdelay $0x1  }
0x33c: {  	s0 =	simm.s32 $0x8  }
0x33d: {  	s4 =	simm.s32 $0x0;
	[sflag:s0] =	ssyncpa.u1 $0x1  }
0x33e: {  	s0 =	simm.s32 $0xE418  }
0x33f: {  	v0 =	vld.msk [tilespmem:s0+$0x0], $0x1;
	_ =	sdelay $0x4  }
0x340: {  	(v2sf) =	vpush v0, $0x0;
	_ =	sdelay $0xe  }
0x341: {  	s0 =	sadd.s32 $0xFFFFFFFF, s2;
	s3 =	spop (v2sf)  }
0x342: {  	s6 =	simm.s32 $0xE438;
	p1 =	sne.s32 s0, $0x0;
	p2 =	sgt.u32 s3, $0x4E170  }
.Ltmp46:
0x343: {  	s2 =	simm.s32 $0xE538;
	s5 =	sand.u32 @!p2 $0x7FFF8, s3;
	(pc) =	sbr.rel @!p1 .LBB2_58-.Ltmp46, $4  }
0x344: {  	s7 =	sadd.s32 @!p2 $0x80, s3;
	s4 =	simm.s32 @!p2 $0x400;
	s8 =	sadd.s32 @!p2 s1, s5  }
0x345: {  	s5 =	sand.u32 @!p2 $0x7, s3;
	s3 =	simm.s32 $0xE419;
	s7 =	sand.u32 @!p2 $0xFFFF8, s7  }
0x346: {  	[hbm4b:s8+s5] =	stream.linear.scatter @!p2 [tilespmem:s6], [sflag:$0x7], $0x80, $0x38;
	[tilespmem:$0x1E678] =	vst v63  }
0x347: {  	s4 =	sadd.s32 $0x0, s4;
	s6 =	simm.s32 @!p2 $0xE4B8;
	s7 =	sadd.s32 @!p2 s1, s7  }
.LBB2_57:
0x348: {  	[hbm4b:s7+s5] =	stream.linear.scatter @!p2 [tilespmem:s6], [sflag:$0x7], $0x80, $0x38;
	[tilespmem:$0x1E678] =	vst v63  }
0x349: {  	s0 =	sadd.s32 $0xFFFFFFFF, s0;
	s6 =	smov.u32 s2;
	v0 =	vld.msk [tilespmem:s3+$0x0], $0x1  }
0x34a: {  	p1 =	sne.s32 s0, $0x0;
	_ =	sdelay $0x3  }
0x34b: {  	(v2sf) =	vpush v0, $0x0;
	_ =	sdelay $0xe  }
0x34c: {  	s2 =	sadd.s32 $0x100, s2;
	s8 =	simm.s32 $0x0;
	s5 =	spop (v2sf)  }
.Ltmp47:
0x34d: {  	s3 =	sadd.s32 $0x1, s3;
	p2 =	sgt.u32 s5, $0x4E170;
	(pc) =	sbr.rel @p1 .LBB2_57-.Ltmp47, $4  }
0x34e: {  	s8 =	simm.s32 @!p2 $0x400;
	s7 =	sand.u32 @!p2 $0x7FFF8, s5;
	s9 =	sadd.s32 @!p2 $0x80, s5  }
0x34f: {  	s5 =	sand.u32 @!p2 $0x7, s5;
	s7 =	sadd.s32 @!p2 s1, s7;
	s9 =	sand.u32 @!p2 $0xFFFF8, s9  }
0x350: {  	[hbm4b:s7+s5] =	stream.linear.scatter @!p2 [tilespmem:s6], [sflag:$0x7], $0x80, $0x38;
	[tilespmem:$0x1E678] =	vst v63  }
0x351: {  	s4 =	sadd.s32 s4, s8;
	s6 =	sadd.s32 @!p2 $0x80, s6;
	s7 =	sadd.s32 @!p2 s1, s9  }
.LBB2_58:
0x352: {  	[hbm4b:s7+s5] =	stream.linear.scatter @!p2 [tilespmem:s6], [sflag:$0x7], $0x80, $0x38;
	[tilespmem:$0x1E678] =	vst v63  }
0x353: {  	s4 =	sshrl.u32 s4, $0x2  }
.LBB2_59:
0x354: {  	s0 =	simm.s32 $0x7  }
0x355: {  	_ =	swait.ge [sflag:s0], s4  }
0x356: {  	s1 =	ssub.s32 $0x0, s4;
	[sflag:s0] =	ssyncset.done $0x0  }
0x357: {  	[sflag:s0] =	ssyncadd.s32 s1  }
0x358: {  	[sflag:s0] =	ssyncpa.u1 $0x1  }
.LBB2_60:
0x359: {  	_ =	sfence;
	s0 =	simm.s32 $0x1  }
0x35a: {  	[sflag:s0] =	ssyncpa.u1 $0x1  }
0x35b: {  	_ =	strace $0x90000047  }
0x35c: {  	[bflag:$0x2] =	sbarrier.arrive $0xFFFF  }
0x35d: {  	s0 =	rddreg [dreg:$0x5]  }
0x35e: {  	s0 =	sadd.s32 @!p0 $0x100000, s0  }
0x35f: {  	[sflag:s0] =	ssyncadd.tile.s32 @!p0 $0x1;
	_ =	shalt  }
.Lfunc_end2:
_tile_overlayer_lowered:
.L_overlay_start_2:
0x360: {  	(tag) =	ssettag $0x2  }
0x361: {  	s0 =	rddreg [dreg:$0x0];
	s2 =	stileid.u32  }
0x362: {  	s1 =	rddreg [dreg:$0x1];
	p0 =	sne.s32 s2, $0x0  }
0x363: {  	s3 =	rddreg [dreg:$0x2];
	[bflag:$0x3] =	sbarrier.arrive $0xFFFF;
	s2 =	simm.s32 @!p0 $0x1C01  }
0x364: {  	[timem:s3], [sflag:s2] =	dma.local @!p0 [hbm:s0], s1  }
0x365: {  	s0 =	simm.s32 @!p0 $0x1  }
0x366: {  	_ =	swait.ge @!p0 [sflag:s0], s1  }
0x367: {  	s1 =	ssub.s32 @!p0 $0x0, s1;
	[sflag:s0] =	ssyncset.done @!p0 $0x0  }
0x368: {  	[sflag:s0] =	ssyncadd.s32 @!p0 s1  }
0x369: {  	[bflag:$0x3] =	sbarrier.arrive $0xFFFF  }
0x36a: {  	_ =	shalt  }

</sc_bundles>
